<compile_context>
chip_gen: v7x
topology: tpu7x:2x2x1
jax: 0.10.2.dev20260603
libtpu: 0.0.44.dev20260713+nightly
codegen_flags: <defaults>
</compile_context>

<pallas_src>
import functools

import jax
import jax.numpy as jnp
from jax import lax
from jax.experimental import pallas as pl
from jax.experimental.pallas import tpu as pltpu
from jax.experimental.pallas import tpu_sc as plsc

N = 10000
NPAD = 10112
D_IN = 128
H1, C1 = 8, 16
H2, C2 = 1, 2
NEG = -1e30
CHUNK = 128
NTILES = 32
RPT = NPAD // 16

_HIGH = lax.Precision.HIGHEST


def _cdiv(a, b):
    return (a + b - 1) // b



def _prep_body(x_ref, w_ref, asrc_ref, adst_ref, pk_ref, ad_ref, mh_ref):
    x = x_ref[...]
    h = jnp.dot(x, w_ref[...], precision=_HIGH)
    als = jnp.dot(h, asrc_ref[...], precision=_HIGH)
    ald = jnp.dot(h, adst_ref[...], precision=_HIGH)
    pad = jnp.full((NPAD, 16 - H1), NEG, jnp.float32)
    pk_ref[...] = jnp.concatenate([als, pad, h], axis=1)
    ad_ref[...] = jnp.concatenate([ald, pad], axis=1)
    mh = jnp.max(als, axis=0) + jnp.max(ald, axis=0)
    mh_ref[...] = jnp.concatenate([mh, jnp.zeros((16 - H1,), jnp.float32)])[None, :]


def _tc_prep(xp, w, asrc, adst):
    return pl.pallas_call(
        _prep_body,
        out_shape=[
            jax.ShapeDtypeStruct((NPAD, 16 + H1 * C1), jnp.float32),
            jax.ShapeDtypeStruct((NPAD, 16), jnp.float32),
            jax.ShapeDtypeStruct((1, 16), jnp.float32),
        ],
    )(xp, w, asrc, adst)


BR = NPAD // 8


def _mid_body(q_ref, b1_ref, w2_ref, asrc_ref, adst_ref,
              pk_ref, ad_ref, mh_ref, ms_ref, md_ref):
    @pl.when(pl.program_id(0) == 0)
    def _init():
        ms_ref[...] = jnp.full((1, 16), NEG, jnp.float32)
        md_ref[...] = jnp.full((1, 16), NEG, jnp.float32)

    den = q_ref[0, :, :16] + q_ref[1, :, :16]
    feat = q_ref[0, :, 16:] + q_ref[1, :, 16:]
    r = 1.0 / (den[:, :H1] + 1e-16)
    rrep = jnp.reshape(
        jnp.broadcast_to(r[:, :, None], (BR, H1, C1)), (BR, H1 * C1))
    o = feat * rrep + b1_ref[...]
    o = jnp.where(o > 0, o, jnp.exp(jnp.minimum(o, 0.0)) - 1.0)
    h2 = jnp.dot(o, w2_ref[...], precision=_HIGH)
    als = jnp.dot(h2, asrc_ref[...], precision=_HIGH)
    ald = jnp.dot(h2, adst_ref[...], precision=_HIGH)
    negpad = jnp.full((BR, 15), NEG, jnp.float32)
    h2pad = jnp.concatenate(
        [h2, jnp.zeros((BR, 16 - C2), jnp.float32)], axis=1)
    pk_ref[...] = jnp.concatenate([als, negpad, h2pad], axis=1)
    ad_ref[...] = jnp.concatenate([ald, negpad], axis=1)
    ms_ref[...] = jnp.maximum(ms_ref[...], jnp.max(als))
    md_ref[...] = jnp.maximum(md_ref[...], jnp.max(ald))
    mh_ref[...] = ms_ref[...] + md_ref[...]


def _tc_mid(q, b1, w2, asrc2, adst2):
    return pl.pallas_call(
        _mid_body,
        grid=(NPAD // BR,),
        in_specs=[
            pl.BlockSpec((2, BR, 16 + H1 * C1), lambda i: (0, i, 0)),
            pl.BlockSpec((1, H1 * C1), lambda i: (0, 0)),
            pl.BlockSpec((H1 * C1, C2), lambda i: (0, 0)),
            pl.BlockSpec((C2, H2), lambda i: (0, 0)),
            pl.BlockSpec((C2, H2), lambda i: (0, 0)),
        ],
        out_specs=[
            pl.BlockSpec((BR, 32), lambda i: (i, 0)),
            pl.BlockSpec((BR, 16), lambda i: (i, 0)),
            pl.BlockSpec((1, 16), lambda i: (0, 0)),
        ],
        out_shape=[
            jax.ShapeDtypeStruct((NPAD, 32), jnp.float32),
            jax.ShapeDtypeStruct((NPAD, 16), jnp.float32),
            jax.ShapeDtypeStruct((1, 16), jnp.float32),
        ],
        scratch_shapes=[
            pltpu.VMEM((1, 16), jnp.float32),
            pltpu.VMEM((1, 16), jnp.float32),
        ],
    )(q, b1, w2, asrc2, adst2)


def _final_body(q_ref, b2_ref, o_ref):
    den = q_ref[0, :N, 0:1] + q_ref[1, :N, 0:1]
    feat = q_ref[0, :N, 16:16 + C2] + q_ref[1, :N, 16:16 + C2]
    o_ref[...] = feat / (den + 1e-16) + b2_ref[...]


def _tc_final(q, b2):
    return pl.pallas_call(
        _final_body,
        out_shape=jax.ShapeDtypeStruct((N, C2), jnp.float32),
    )(q, b2.reshape(1, C2))



def _sc_fused(epad, npt, hv, chunk, unr):
    nch = npt // chunk
    aw = 16 * (hv + 1)
    mesh = plsc.VectorSubcoreMesh(core_axis_name="c", subcore_axis_name="s")

    @functools.partial(
        pl.kernel,
        out_type=jax.ShapeDtypeStruct((2, NPAD, aw), jnp.float32),
        mesh=mesh,
        compiler_params=pltpu.CompilerParams(use_tc_tiling_on_sc=False),
        scratch_types=[
            pltpu.VMEM((2, chunk), jnp.int32),
            pltpu.VMEM((2, chunk), jnp.int32),
            pltpu.VMEM((chunk, aw), jnp.float32),
            pltpu.VMEM((chunk, aw), jnp.float32),
            pltpu.VMEM((chunk, 16), jnp.float32),
            pltpu.VMEM((chunk, 16), jnp.float32),
            pltpu.VMEM((1, 16), jnp.float32),
            pltpu.VMEM_SHARED((NPAD, aw), jnp.float32),
            pltpu.SemaphoreType.DMA,
            pltpu.SemaphoreType.DMA,
        ],
    )
    def kern(pk_hbm, ad_hbm, mh_hbm, sd_hbm, z_hbm,
             out_hbm,
             idx0, idx1, pkr0, pkr1, adr0, adr1,
             mhv, acc, sem0, sem1):
        cid = lax.axis_index("c")
        sid = lax.axis_index("s")
        wid = cid * 16 + sid
        pltpu.sync_copy(z_hbm.at[pl.ds(sid * RPT, RPT)],
                        acc.at[pl.ds(sid * RPT, RPT)])
        pltpu.sync_copy(mh_hbm, mhv)
        plsc.subcore_barrier()
        mh = mhv[0, :]

        bufs = [(idx0, pkr0, adr0, sem0),
                (idx1, pkr1, adr1, sem1)]

        def fire(ci, s):
            idxv, pkr, adr, sem = bufs[s]
            row = (wid * nch + ci) * 2
            pltpu.sync_copy(sd_hbm.at[pl.ds(row, 2)], idxv)
            pltpu.async_copy(pk_hbm.at[idxv.at[0]], pkr, sem)
            pltpu.async_copy(ad_hbm.at[idxv.at[1]], adr, sem)

        def drain(s):
            idxv, pkr, adr, sem = bufs[s]
            pltpu.make_async_copy(pk_hbm.at[idxv.at[0]], pkr, sem).wait()
            pltpu.make_async_copy(ad_hbm.at[idxv.at[1]], adr, sem).wait()

        def compute(s):
            idxv, pkr, adr, sem = bufs[s]

            @plsc.parallel_loop(0, chunk, unroll=unr)
            def _edge(e):
                t = pkr[e, pl.ds(0, 16)] + adr[e, :]
                u = jnp.maximum(t, t * 0.2) - mh
                ex = jnp.exp(u)
                pkr[e, pl.ds(0, 16)] = ex
                for v in range(hv):
                    sp = jnp.broadcast_to(ex[v], (16,))
                    pkr[e, pl.ds(16 * (v + 1), 16)] = (
                        pkr[e, pl.ds(16 * (v + 1), 16)] * sp)

            pltpu.sync_copy(pkr, acc.at[idxv.at[1]], add=True)

        half = nch // 2
        fire(0, 0)

        @pl.loop(0, half)
        def _grp(g):
            fire(2 * g + 1, 1)
            drain(0)
            compute(0)
            fire(jnp.minimum(2 * g + 2, nch - 1), 0)
            drain(1)
            compute(1)

        drain(0)
        plsc.subcore_barrier()
        pltpu.sync_copy(acc.at[pl.ds(sid * RPT, RPT)],
                        out_hbm.at[cid, pl.ds(sid * RPT, RPT)])

    return kern



def _block_attn(a):
    h = a.shape[0]
    eye = jnp.eye(h, dtype=a.dtype)
    return (a[:, :, None] * eye[:, None, :]).reshape(h * a.shape[1], h)


def kernel(x, edge_index, W1, a_src1, a_dst1, b1, W2, a_src2, a_dst2, b2):
    e = edge_index.shape[1]
    etot = e + N
    npt = _cdiv(etot, NTILES * 5376) * 5376
    epad = npt * NTILES

    xp = jnp.concatenate([x, jnp.zeros((NPAD - N, D_IN), jnp.float32)], axis=0)
    loops = jnp.arange(N, dtype=jnp.int32)
    padv = N + jnp.arange(epad - etot, dtype=jnp.int32) % (NPAD - N)
    src = jnp.concatenate([edge_index[0], loops, padv])
    dst = jnp.concatenate([edge_index[1], loops, padv])

    asrc1 = _block_attn(a_src1)
    adst1 = _block_attn(a_dst1)
    asrc2 = _block_attn(a_src2)
    adst2 = _block_attn(a_dst2)

    z144 = jnp.zeros((NPAD, 16 + H1 * C1), jnp.float32)
    z32 = jnp.zeros((NPAD, 32), jnp.float32)

    def pack_idx(c):
        nch = npt // c
        s3 = src.reshape(NTILES, nch, c)
        d3 = dst.reshape(NTILES, nch, c)
        return jnp.stack([s3, d3], axis=2).reshape(NTILES * nch * 2, c)

    sd1 = pack_idx(112)
    sd2 = pack_idx(384)

    fused1 = _sc_fused(epad, npt, H1, 112, 4)
    fused2 = _sc_fused(epad, npt, 1, 384, 8)

    pk1, ad1, mh1 = _tc_prep(xp, W1, asrc1, adst1)
    q1 = fused1(pk1, ad1, mh1, sd1, z144)

    pk2, ad2, mh2 = _tc_mid(q1, b1.reshape(1, H1 * C1), W2, asrc2, adst2)
    q2 = fused2(pk2, ad2, mh2, sd2, z32)

    return _tc_final(q2, b2)

# --- scband reference (transcript-rebuilt; emitter-appended) ---
"""Pipeline reference for scband-gat-19645180412673 (READ-ONLY COPY).

The authoritative reference and input builder live on the scoring server;
editing this copy changes nothing except your own understanding.
"""

import jax, jax.numpy as jnp
import numpy as np

N = 10000
E = 320000
D_IN = 128
H1, C1 = 8, 16
H2, C2 = 1, 2


def gat_conv(x, src, dst, W, a_src, a_dst, b, H, C, concat):
    n = x.shape[0]
    h = (x @ W).reshape(n, H, C)
    al_s = (h * a_src).sum(-1)
    al_d = (h * a_dst).sum(-1)
    e = jax.nn.leaky_relu(al_s[src] + al_d[dst], 0.2)
    m = jax.ops.segment_max(e, dst, num_segments=n)
    m = jnp.where(jnp.isfinite(m), m, 0.0)
    m = jax.lax.stop_gradient(m)
    ex = jnp.exp(e - m[dst])
    den = jax.ops.segment_sum(ex, dst, num_segments=n)
    alpha = ex / (den[dst] + 1e-16)
    out = jax.ops.segment_sum(h[src] * alpha[:, :, None], dst, num_segments=n)
    if concat:
        out = out.reshape(n, H * C)
    else:
        out = out.mean(axis=1)
    return out + b


def setup_inputs(seed: int = 0):
    key = jax.random.key(seed)
    ks = jax.random.split(key, 8)
    x = jax.random.normal(ks[0], (N, D_IN), dtype=jnp.float32)
    edge_index = jax.random.randint(ks[1], (2, E), 0, N, dtype=jnp.int32)
    W1 = jax.random.normal(ks[2], (D_IN, H1 * C1), dtype=jnp.float32) * (1.0 / np.sqrt(D_IN))
    a_src1 = jax.random.normal(ks[3], (H1, C1), dtype=jnp.float32) * 0.1
    a_dst1 = jax.random.normal(ks[4], (H1, C1), dtype=jnp.float32) * 0.1
    b1 = jnp.zeros((H1 * C1,), dtype=jnp.float32)
    W2 = jax.random.normal(ks[5], (H1 * C1, H2 * C2), dtype=jnp.float32) * (1.0 / np.sqrt(H1 * C1))
    a_src2 = jax.random.normal(ks[6], (H2, C2), dtype=jnp.float32) * 0.1
    a_dst2 = jax.random.normal(ks[7], (H2, C2), dtype=jnp.float32) * 0.1
    b2 = jnp.zeros((C2,), dtype=jnp.float32)
    return {"x": x, "edge_index": edge_index, "W1": W1, "a_src1": a_src1, "a_dst1": a_dst1, "b1": b1, "W2": W2, "a_src2": a_src2, "a_dst2": a_dst2, "b2": b2}


def reference(x, edge_index, W1, a_src1, a_dst1, b1, W2, a_src2, a_dst2, b2):
    # PyG GATConv semantics: add self-loops, softmax over incoming edges per dst node.
    # Dropout layers are identity in eval mode and omitted here.
    n = x.shape[0]
    loops = jnp.arange(n, dtype=edge_index.dtype)
    src = jnp.concatenate([edge_index[0], loops])
    dst = jnp.concatenate([edge_index[1], loops])
    h = gat_conv(x, src, dst, W1, a_src1, a_dst1, b1, H1, C1, True)
    h = jax.nn.elu(h)
    out = gat_conv(h, src, dst, W2, a_src2, a_dst2, b2, H2, C2, False)
    return out

if __name__ == "__main__":
    import jax
    _d = setup_inputs()
    print(jax.jit(kernel)(*tuple(_d.values())))

</pallas_src>

<mosaic_0001>
#map = affine_map<(d0, d1) -> (0, 0)>
#map1 = affine_map<(d0, d1) -> (0, 0, 0)>
module attributes {stable_mosaic.version = 14 : i64} {
  func.func @kern(%arg0: i32, %arg1: i32, %arg2: memref<10112x144xf32, #tpu.memory_space<hbm>>, %arg3: memref<10112x16xf32, #tpu.memory_space<hbm>>, %arg4: memref<1x16xf32, #tpu.memory_space<hbm>>, %arg5: memref<6144x112xi32, #tpu.memory_space<hbm>>, %arg6: memref<10112x144xf32, #tpu.memory_space<hbm>>, %arg7: memref<2x10112x144xf32, #tpu.memory_space<hbm>>, %arg8: memref<2x112xi32, #tpu.memory_space<vmem>>, %arg9: memref<2x112xi32, #tpu.memory_space<vmem>>, %arg10: memref<112x144xf32, #tpu.memory_space<vmem>>, %arg11: memref<112x144xf32, #tpu.memory_space<vmem>>, %arg12: memref<112x16xf32, #tpu.memory_space<vmem>>, %arg13: memref<112x16xf32, #tpu.memory_space<vmem>>, %arg14: memref<1x16xf32, #tpu.memory_space<vmem>>, %arg15: memref<10112x144xf32, #tpu.memory_space<vmem_shared>>, %arg16: memref<!tpu.dma_semaphore, #tpu.memory_space<semaphore_mem>>, %arg17: memref<!tpu.dma_semaphore, #tpu.memory_space<semaphore_mem>>) attributes {dimension_semantics = [#tpu.dimension_semantics<core_parallel>, #tpu.dimension_semantics<subcore_parallel>], iteration_bounds = array<i64: 2, 16>, scalar_prefetch = 0 : i64, scratch_operands = 10 : i64, tpu.core_type = #tpu.core_type<sc_vector_subcore>, window_params = [{transform_indices = #map}, {transform_indices = #map}, {transform_indices = #map}, {transform_indices = #map}, {transform_indices = #map}, {transform_indices = #map1}]} {
    %mul3A = arith.constant 16 : i32
    %mul3A_0 = arith.muli %arg0, %mul3A : i32
    %add3A = arith.addi %mul3A_0, %arg1 : i32
    %mul3A_1 = arith.constant 632 : i32
    %mul3A_2 = arith.muli %arg1, %mul3A_1 : i32
    %mul3A_3 = arith.constant 632 : i32
    %mul3A_4 = arith.muli %arg1, %mul3A_3 : i32
    "tpu.region"() ({
      %run_scoped3A = tpu.sem_alloc : memref<!tpu.dma_semaphore, #tpu.memory_space<semaphore_mem>>
      %dma_start3A_50 = arith.constant 0 : i32
      %dma_start3A_51 = tpu.memref_slice %arg15[%mul3A_4, %dma_start3A_50] : memref<10112x144xf32, #tpu.memory_space<vmem_shared>> -> memref<632x144xf32, #tpu.memory_space<vmem_shared>>
      %dma_start3A_52 = arith.constant 0 : i32
      %dma_start3A_53 = tpu.memref_slice %arg6[%mul3A_2, %dma_start3A_52] : memref<10112x144xf32, #tpu.memory_space<hbm>> -> memref<632x144xf32, #tpu.memory_space<hbm>>
      tpu.enqueue_dma source(%dma_start3A_53 : memref<632x144xf32, #tpu.memory_space<hbm>>) target(%dma_start3A_51 : memref<632x144xf32, #tpu.memory_space<vmem_shared>>) target_semaphore(%run_scoped3A : memref<!tpu.dma_semaphore, #tpu.memory_space<semaphore_mem>>)
      %dma_wait3A_54 = arith.constant 0 : i32
      %dma_wait3A_55 = tpu.memref_slice %arg15[%mul3A_4, %dma_wait3A_54] : memref<10112x144xf32, #tpu.memory_space<vmem_shared>> -> memref<632x144xf32, #tpu.memory_space<vmem_shared>>
      %dma_wait3A_56 = arith.constant 0 : i32
      %dma_wait3A_57 = tpu.memref_slice %arg6[%mul3A_2, %dma_wait3A_56] : memref<10112x144xf32, #tpu.memory_space<hbm>> -> memref<632x144xf32, #tpu.memory_space<hbm>>
      tpu.wait_dma2 semaphore(%run_scoped3A : memref<!tpu.dma_semaphore, #tpu.memory_space<semaphore_mem>>) src(%dma_wait3A_57 : memref<632x144xf32, #tpu.memory_space<hbm>>) dst(%dma_wait3A_55 : memref<632x144xf32, #tpu.memory_space<vmem_shared>>)
      tpu.yield
    }) : () -> ()
    "tpu.region"() ({
      %run_scoped3A = tpu.sem_alloc : memref<!tpu.dma_semaphore, #tpu.memory_space<semaphore_mem>>
      tpu.enqueue_dma source(%arg4 : memref<1x16xf32, #tpu.memory_space<hbm>>) target(%arg14 : memref<1x16xf32, #tpu.memory_space<vmem>>) target_semaphore(%run_scoped3A : memref<!tpu.dma_semaphore, #tpu.memory_space<semaphore_mem>>)
      tpu.wait_dma2 semaphore(%run_scoped3A : memref<!tpu.dma_semaphore, #tpu.memory_space<semaphore_mem>>) src(%arg4 : memref<1x16xf32, #tpu.memory_space<hbm>>) dst(%arg14 : memref<1x16xf32, #tpu.memory_space<vmem>>)
      tpu.yield
    }) : () -> ()
    %barrier3A = arith.constant 0 : index
    tpu.barrier barrier_id(%barrier3A)
    %get3A = arith.constant 0 : i32
    %get3A_5 = arith.index_cast %get3A : i32 to index
    %get3A_6 = arith.constant 0 : index
    %get3A_7 = tpu.vector_load %arg14[%get3A_5, %get3A_6] {strides = array<i32>} : memref<1x16xf32, #tpu.memory_space<vmem>>, vector<1x16xf32>,
    %get3A_8 = vector.shape_cast %get3A_7 : vector<1x16xf32> to vector<16xf32>
    %mul3A_9 = arith.constant 96 : i32
    %mul3A_10 = arith.muli %add3A, %mul3A_9 : i32
    %add3A_11 = arith.constant 0 : i32
    %add3A_12 = arith.addi %mul3A_10, %add3A_11 : i32
    %mul3A_13 = arith.constant 2 : i32
    %mul3A_14 = arith.muli %add3A_12, %mul3A_13 : i32
    "tpu.region"() ({
      %run_scoped3A = tpu.sem_alloc : memref<!tpu.dma_semaphore, #tpu.memory_space<semaphore_mem>>
      %dma_start3A_50 = arith.constant 0 : i32
      %dma_start3A_51 = tpu.memref_slice %arg5[%mul3A_14, %dma_start3A_50] : memref<6144x112xi32, #tpu.memory_space<hbm>> -> memref<2x112xi32, #tpu.memory_space<hbm>>
      %dma_start3A_52 = arith.constant 0 : i32
      %dma_start3A_53 = tpu.memref_slice %arg5[%mul3A_14, %dma_start3A_52] : memref<6144x112xi32, #tpu.memory_space<hbm>> -> memref<2x112xi32, #tpu.memory_space<hbm>>
      tpu.enqueue_dma source(%dma_start3A_53 : memref<2x112xi32, #tpu.memory_space<hbm>>) target(%arg8 : memref<2x112xi32, #tpu.memory_space<vmem>>) target_semaphore(%run_scoped3A : memref<!tpu.dma_semaphore, #tpu.memory_space<semaphore_mem>>)
      %dma_wait3A_54 = arith.constant 0 : i32
      %dma_wait3A_55 = tpu.memref_slice %arg5[%mul3A_14, %dma_wait3A_54] : memref<6144x112xi32, #tpu.memory_space<hbm>> -> memref<2x112xi32, #tpu.memory_space<hbm>>
      %dma_wait3A_56 = arith.constant 0 : i32
      %dma_wait3A_57 = tpu.memref_slice %arg5[%mul3A_14, %dma_wait3A_56] : memref<6144x112xi32, #tpu.memory_space<hbm>> -> memref<2x112xi32, #tpu.memory_space<hbm>>
      tpu.wait_dma2 semaphore(%run_scoped3A : memref<!tpu.dma_semaphore, #tpu.memory_space<semaphore_mem>>) src(%dma_wait3A_57 : memref<2x112xi32, #tpu.memory_space<hbm>>) dst(%arg8 : memref<2x112xi32, #tpu.memory_space<vmem>>)
      tpu.yield
    }) : () -> ()
    %dma_start3A = arith.constant 0 : i32
    %dma_start3A_15 = arith.constant 0 : i32
    %dma_start3A_16 = tpu.memref_slice %arg8[%dma_start3A, %dma_start3A_15] : memref<2x112xi32, #tpu.memory_space<vmem>> -> memref<1x112xi32, #tpu.memory_space<vmem>>
    %dma_start3A_17 = tpu.memref_squeeze %dma_start3A_16 : memref<1x112xi32, #tpu.memory_space<vmem>> -> memref<112xi32, #tpu.memory_space<vmem>>
    %dma_start3A_18 = arith.constant 0 : i32
    %dma_start3A_19 = arith.constant 0 : i32
    %dma_start3A_20 = tpu.memref_slice %arg2[%dma_start3A_18, %dma_start3A_19] : memref<10112x144xf32, #tpu.memory_space<hbm>> -> memref<10112x144xf32, #tpu.memory_space<hbm>>
    tpu.enqueue_indirect_dma source(%dma_start3A_20 : memref<10112x144xf32, #tpu.memory_space<hbm>>) target(%arg10 : memref<112x144xf32, #tpu.memory_space<vmem>>) offsets(%dma_start3A_17 : memref<112xi32, #tpu.memory_space<vmem>>) semaphore(%arg16 : memref<!tpu.dma_semaphore, #tpu.memory_space<semaphore_mem>>)
    %dma_start3A_21 = arith.constant 1 : i32
    %dma_start3A_22 = arith.constant 0 : i32
    %dma_start3A_23 = tpu.memref_slice %arg8[%dma_start3A_21, %dma_start3A_22] : memref<2x112xi32, #tpu.memory_space<vmem>> -> memref<1x112xi32, #tpu.memory_space<vmem>>
    %dma_start3A_24 = tpu.memref_squeeze %dma_start3A_23 : memref<1x112xi32, #tpu.memory_space<vmem>> -> memref<112xi32, #tpu.memory_space<vmem>>
    %dma_start3A_25 = arith.constant 0 : i32
    %dma_start3A_26 = arith.constant 0 : i32
    %dma_start3A_27 = tpu.memref_slice %arg3[%dma_start3A_25, %dma_start3A_26] : memref<10112x16xf32, #tpu.memory_space<hbm>> -> memref<10112x16xf32, #tpu.memory_space<hbm>>
    tpu.enqueue_indirect_dma source(%dma_start3A_27 : memref<10112x16xf32, #tpu.memory_space<hbm>>) target(%arg12 : memref<112x16xf32, #tpu.memory_space<vmem>>) offsets(%dma_start3A_24 : memref<112xi32, #tpu.memory_space<vmem>>) semaphore(%arg16 : memref<!tpu.dma_semaphore, #tpu.memory_space<semaphore_mem>>)
    %scan3A = arith.constant 0 : i32
    %scan3A_28 = arith.constant 48 : i32
    %scan3A_29 = arith.addi %scan3A, %scan3A_28 : i32
    %scan3A_30 = arith.constant 1 : i32
    scf.for %scan3A_50 = %scan3A to %scan3A_29 step %scan3A_30  : i32 {
      %mul3A_51 = arith.constant 1 : i32
      %mul3A_52 = arith.muli %scan3A_50, %mul3A_51 : i32
      %add3A_53 = arith.constant 0 : i32
      %add3A_54 = arith.addi %add3A_53, %mul3A_52 : i32
      %mul3A_55 = arith.constant 2 : i32
      %mul3A_56 = arith.muli %mul3A_55, %add3A_54 : i32
      %add3A_57 = arith.constant 1 : i32
      %add3A_58 = arith.addi %mul3A_56, %add3A_57 : i32
      %mul3A_59 = arith.constant 96 : i32
      %mul3A_60 = arith.muli %add3A, %mul3A_59 : i32
      %add3A_61 = arith.addi %mul3A_60, %add3A_58 : i32
      %mul3A_62 = arith.constant 2 : i32
      %mul3A_63 = arith.muli %add3A_61, %mul3A_62 : i32
      "tpu.region"() ({
        %run_scoped3A_136 = tpu.sem_alloc : memref<!tpu.dma_semaphore, #tpu.memory_space<semaphore_mem>>
        %dma_start3A_137 = arith.constant 0 : i32
        %dma_start3A_138 = tpu.memref_slice %arg5[%mul3A_63, %dma_start3A_137] : memref<6144x112xi32, #tpu.memory_space<hbm>> -> memref<2x112xi32, #tpu.memory_space<hbm>>
        %dma_start3A_139 = arith.constant 0 : i32
        %dma_start3A_140 = tpu.memref_slice %arg5[%mul3A_63, %dma_start3A_139] : memref<6144x112xi32, #tpu.memory_space<hbm>> -> memref<2x112xi32, #tpu.memory_space<hbm>>
        tpu.enqueue_dma source(%dma_start3A_140 : memref<2x112xi32, #tpu.memory_space<hbm>>) target(%arg9 : memref<2x112xi32, #tpu.memory_space<vmem>>) target_semaphore(%run_scoped3A_136 : memref<!tpu.dma_semaphore, #tpu.memory_space<semaphore_mem>>)
        %dma_wait3A_141 = arith.constant 0 : i32
        %dma_wait3A_142 = tpu.memref_slice %arg5[%mul3A_63, %dma_wait3A_141] : memref<6144x112xi32, #tpu.memory_space<hbm>> -> memref<2x112xi32, #tpu.memory_space<hbm>>
        %dma_wait3A_143 = arith.constant 0 : i32
        %dma_wait3A_144 = tpu.memref_slice %arg5[%mul3A_63, %dma_wait3A_143] : memref<6144x112xi32, #tpu.memory_space<hbm>> -> memref<2x112xi32, #tpu.memory_space<hbm>>
        tpu.wait_dma2 semaphore(%run_scoped3A_136 : memref<!tpu.dma_semaphore, #tpu.memory_space<semaphore_mem>>) src(%dma_wait3A_144 : memref<2x112xi32, #tpu.memory_space<hbm>>) dst(%arg9 : memref<2x112xi32, #tpu.memory_space<vmem>>)
        tpu.yield
      }) : () -> ()
      %dma_start3A_64 = arith.constant 0 : i32
      %dma_start3A_65 = arith.constant 0 : i32
      %dma_start3A_66 = tpu.memref_slice %arg9[%dma_start3A_64, %dma_start3A_65] : memref<2x112xi32, #tpu.memory_space<vmem>> -> memref<1x112xi32, #tpu.memory_space<vmem>>
      %dma_start3A_67 = tpu.memref_squeeze %dma_start3A_66 : memref<1x112xi32, #tpu.memory_space<vmem>> -> memref<112xi32, #tpu.memory_space<vmem>>
      %dma_start3A_68 = arith.constant 0 : i32
      %dma_start3A_69 = arith.constant 0 : i32
      %dma_start3A_70 = tpu.memref_slice %arg2[%dma_start3A_68, %dma_start3A_69] : memref<10112x144xf32, #tpu.memory_space<hbm>> -> memref<10112x144xf32, #tpu.memory_space<hbm>>
      tpu.enqueue_indirect_dma source(%dma_start3A_70 : memref<10112x144xf32, #tpu.memory_space<hbm>>) target(%arg11 : memref<112x144xf32, #tpu.memory_space<vmem>>) offsets(%dma_start3A_67 : memref<112xi32, #tpu.memory_space<vmem>>) semaphore(%arg17 : memref<!tpu.dma_semaphore, #tpu.memory_space<semaphore_mem>>)
      %dma_start3A_71 = arith.constant 1 : i32
      %dma_start3A_72 = arith.constant 0 : i32
      %dma_start3A_73 = tpu.memref_slice %arg9[%dma_start3A_71, %dma_start3A_72] : memref<2x112xi32, #tpu.memory_space<vmem>> -> memref<1x112xi32, #tpu.memory_space<vmem>>
      %dma_start3A_74 = tpu.memref_squeeze %dma_start3A_73 : memref<1x112xi32, #tpu.memory_space<vmem>> -> memref<112xi32, #tpu.memory_space<vmem>>
      %dma_start3A_75 = arith.constant 0 : i32
      %dma_start3A_76 = arith.constant 0 : i32
      %dma_start3A_77 = tpu.memref_slice %arg3[%dma_start3A_75, %dma_start3A_76] : memref<10112x16xf32, #tpu.memory_space<hbm>> -> memref<10112x16xf32, #tpu.memory_space<hbm>>
      tpu.enqueue_indirect_dma source(%dma_start3A_77 : memref<10112x16xf32, #tpu.memory_space<hbm>>) target(%arg13 : memref<112x16xf32, #tpu.memory_space<vmem>>) offsets(%dma_start3A_74 : memref<112xi32, #tpu.memory_space<vmem>>) semaphore(%arg17 : memref<!tpu.dma_semaphore, #tpu.memory_space<semaphore_mem>>)
      %dma_wait3A_78 = arith.constant 0 : i32
      %dma_wait3A_79 = arith.constant 0 : i32
      %dma_wait3A_80 = tpu.memref_slice %arg8[%dma_wait3A_78, %dma_wait3A_79] : memref<2x112xi32, #tpu.memory_space<vmem>> -> memref<1x112xi32, #tpu.memory_space<vmem>>
      %dma_wait3A_81 = tpu.memref_squeeze %dma_wait3A_80 : memref<1x112xi32, #tpu.memory_space<vmem>> -> memref<112xi32, #tpu.memory_space<vmem>>
      %dma_wait3A_82 = arith.constant 0 : i32
      %dma_wait3A_83 = arith.constant 0 : i32
      %dma_wait3A_84 = tpu.memref_slice %arg2[%dma_wait3A_82, %dma_wait3A_83] : memref<10112x144xf32, #tpu.memory_space<hbm>> -> memref<10112x144xf32, #tpu.memory_space<hbm>>
      tpu.wait_indirect_dma semaphore(%arg16 : memref<!tpu.dma_semaphore, #tpu.memory_space<semaphore_mem>>) src(%dma_wait3A_84 : memref<10112x144xf32, #tpu.memory_space<hbm>>) dst(%arg10 : memref<112x144xf32, #tpu.memory_space<vmem>>)
      %dma_wait3A_85 = arith.constant 1 : i32
      %dma_wait3A_86 = arith.constant 0 : i32
      %dma_wait3A_87 = tpu.memref_slice %arg8[%dma_wait3A_85, %dma_wait3A_86] : memref<2x112xi32, #tpu.memory_space<vmem>> -> memref<1x112xi32, #tpu.memory_space<vmem>>
      %dma_wait3A_88 = tpu.memref_squeeze %dma_wait3A_87 : memref<1x112xi32, #tpu.memory_space<vmem>> -> memref<112xi32, #tpu.memory_space<vmem>>
      %dma_wait3A_89 = arith.constant 0 : i32
      %dma_wait3A_90 = arith.constant 0 : i32
      %dma_wait3A_91 = tpu.memref_slice %arg3[%dma_wait3A_89, %dma_wait3A_90] : memref<10112x16xf32, #tpu.memory_space<hbm>> -> memref<10112x16xf32, #tpu.memory_space<hbm>>
      tpu.wait_indirect_dma semaphore(%arg16 : memref<!tpu.dma_semaphore, #tpu.memory_space<semaphore_mem>>) src(%dma_wait3A_91 : memref<10112x16xf32, #tpu.memory_space<hbm>>) dst(%arg12 : memref<112x16xf32, #tpu.memory_space<vmem>>)
      %parallel_loop3A = arith.constant 0 : i32
      %parallel_loop3A_92 = arith.constant 112 : i32
      %parallel_loop3A_93 = arith.constant 1 : i32
      scf.for %parallel_loop3A_136 = %parallel_loop3A to %parallel_loop3A_92 step %parallel_loop3A_93  : i32 {
        %parallel_loop3A_137 = arith.index_cast %parallel_loop3A_136 : i32 to index
        %parallel_loop3A_138 = arith.constant 0 : index
        %parallel_loop3A_139 = tpu.vector_load %arg10[%parallel_loop3A_137, %parallel_loop3A_138] {strides = array<i32>} : memref<112x144xf32, #tpu.memory_space<vmem>>, vector<1x16xf32>,
        %parallel_loop3A_140 = vector.shape_cast %parallel_loop3A_139 : vector<1x16xf32> to vector<16xf32>
        %parallel_loop3A_141 = arith.index_cast %parallel_loop3A_136 : i32 to index
        %parallel_loop3A_142 = arith.constant 0 : index
        %parallel_loop3A_143 = tpu.vector_load %arg12[%parallel_loop3A_141, %parallel_loop3A_142] {strides = array<i32>} : memref<112x16xf32, #tpu.memory_space<vmem>>, vector<1x16xf32>,
        %parallel_loop3A_144 = vector.shape_cast %parallel_loop3A_143 : vector<1x16xf32> to vector<16xf32>
        %parallel_loop3A_145 = arith.addf %parallel_loop3A_140, %parallel_loop3A_144 : vector<16xf32>
        %parallel_loop3A_146 = arith.constant 2.000000e-01 : f32
        %parallel_loop3A_147 = vector.broadcast %parallel_loop3A_146 : f32 to vector<16xf32>
        %parallel_loop3A_148 = arith.mulf %parallel_loop3A_145, %parallel_loop3A_147 : vector<16xf32>
        %parallel_loop3A_149 = arith.maximumf %parallel_loop3A_145, %parallel_loop3A_148 : vector<16xf32>
        %parallel_loop3A_150 = arith.subf %parallel_loop3A_149, %get3A_8 : vector<16xf32>
        %parallel_loop3A_151 = math.exp %parallel_loop3A_150 : vector<16xf32>
        %parallel_loop3A_152 = arith.index_cast %parallel_loop3A_136 : i32 to index
        %parallel_loop3A_153 = arith.constant 0 : index
        %parallel_loop3A_154 = tpu.vector_load %arg10[%parallel_loop3A_152, %parallel_loop3A_153] {strides = array<i32>} : memref<112x144xf32, #tpu.memory_space<vmem>>, vector<1x16xf32>,
        %parallel_loop3A_155 = vector.shape_cast %parallel_loop3A_154 : vector<1x16xf32> to vector<16xf32>
        %parallel_loop3A_156 = vector.shape_cast %parallel_loop3A_151 : vector<16xf32> to vector<1x16xf32>
        tpu.vector_store %arg10[%parallel_loop3A_152, %parallel_loop3A_153], %parallel_loop3A_156 {strides = array<i32>} : memref<112x144xf32, #tpu.memory_space<vmem>>, vector<1x16xf32>,
        %parallel_loop3A_157 = vector.extract_strided_slice %parallel_loop3A_151 {offsets = [0], sizes = [1], strides = [1]} : vector<16xf32> to vector<1xf32>
        %parallel_loop3A_158 = vector.extract %parallel_loop3A_157[0] : f32 from vector<1xf32>
        %parallel_loop3A_159 = vector.broadcast %parallel_loop3A_158 : f32 to vector<16xf32>
        %parallel_loop3A_160 = arith.index_cast %parallel_loop3A_136 : i32 to index
        %parallel_loop3A_161 = arith.constant 16 : index
        %parallel_loop3A_162 = tpu.vector_load %arg10[%parallel_loop3A_160, %parallel_loop3A_161] {strides = array<i32>} : memref<112x144xf32, #tpu.memory_space<vmem>>, vector<1x16xf32>,
        %parallel_loop3A_163 = vector.shape_cast %parallel_loop3A_162 : vector<1x16xf32> to vector<16xf32>
        %parallel_loop3A_164 = arith.mulf %parallel_loop3A_163, %parallel_loop3A_159 : vector<16xf32>
        %parallel_loop3A_165 = arith.index_cast %parallel_loop3A_136 : i32 to index
        %parallel_loop3A_166 = arith.constant 16 : index
        %parallel_loop3A_167 = tpu.vector_load %arg10[%parallel_loop3A_165, %parallel_loop3A_166] {strides = array<i32>} : memref<112x144xf32, #tpu.memory_space<vmem>>, vector<1x16xf32>,
        %parallel_loop3A_168 = vector.shape_cast %parallel_loop3A_167 : vector<1x16xf32> to vector<16xf32>
        %parallel_loop3A_169 = vector.shape_cast %parallel_loop3A_164 : vector<16xf32> to vector<1x16xf32>
        tpu.vector_store %arg10[%parallel_loop3A_165, %parallel_loop3A_166], %parallel_loop3A_169 {strides = array<i32>} : memref<112x144xf32, #tpu.memory_space<vmem>>, vector<1x16xf32>,
        %parallel_loop3A_170 = vector.extract_strided_slice %parallel_loop3A_151 {offsets = [1], sizes = [1], strides = [1]} : vector<16xf32> to vector<1xf32>
        %parallel_loop3A_171 = vector.extract %parallel_loop3A_170[0] : f32 from vector<1xf32>
        %parallel_loop3A_172 = vector.broadcast %parallel_loop3A_171 : f32 to vector<16xf32>
        %parallel_loop3A_173 = arith.index_cast %parallel_loop3A_136 : i32 to index
        %parallel_loop3A_174 = arith.constant 32 : index
        %parallel_loop3A_175 = tpu.vector_load %arg10[%parallel_loop3A_173, %parallel_loop3A_174] {strides = array<i32>} : memref<112x144xf32, #tpu.memory_space<vmem>>, vector<1x16xf32>,
        %parallel_loop3A_176 = vector.shape_cast %parallel_loop3A_175 : vector<1x16xf32> to vector<16xf32>
        %parallel_loop3A_177 = arith.mulf %parallel_loop3A_176, %parallel_loop3A_172 : vector<16xf32>
        %parallel_loop3A_178 = arith.index_cast %parallel_loop3A_136 : i32 to index
        %parallel_loop3A_179 = arith.constant 32 : index
        %parallel_loop3A_180 = tpu.vector_load %arg10[%parallel_loop3A_178, %parallel_loop3A_179] {strides = array<i32>} : memref<112x144xf32, #tpu.memory_space<vmem>>, vector<1x16xf32>,
        %parallel_loop3A_181 = vector.shape_cast %parallel_loop3A_180 : vector<1x16xf32> to vector<16xf32>
        %parallel_loop3A_182 = vector.shape_cast %parallel_loop3A_177 : vector<16xf32> to vector<1x16xf32>
        tpu.vector_store %arg10[%parallel_loop3A_178, %parallel_loop3A_179], %parallel_loop3A_182 {strides = array<i32>} : memref<112x144xf32, #tpu.memory_space<vmem>>, vector<1x16xf32>,
        %parallel_loop3A_183 = vector.extract_strided_slice %parallel_loop3A_151 {offsets = [2], sizes = [1], strides = [1]} : vector<16xf32> to vector<1xf32>
        %parallel_loop3A_184 = vector.extract %parallel_loop3A_183[0] : f32 from vector<1xf32>
        %parallel_loop3A_185 = vector.broadcast %parallel_loop3A_184 : f32 to vector<16xf32>
        %parallel_loop3A_186 = arith.index_cast %parallel_loop3A_136 : i32 to index
        %parallel_loop3A_187 = arith.constant 48 : index
        %parallel_loop3A_188 = tpu.vector_load %arg10[%parallel_loop3A_186, %parallel_loop3A_187] {strides = array<i32>} : memref<112x144xf32, #tpu.memory_space<vmem>>, vector<1x16xf32>,
        %parallel_loop3A_189 = vector.shape_cast %parallel_loop3A_188 : vector<1x16xf32> to vector<16xf32>
        %parallel_loop3A_190 = arith.mulf %parallel_loop3A_189, %parallel_loop3A_185 : vector<16xf32>
        %parallel_loop3A_191 = arith.index_cast %parallel_loop3A_136 : i32 to index
        %parallel_loop3A_192 = arith.constant 48 : index
        %parallel_loop3A_193 = tpu.vector_load %arg10[%parallel_loop3A_191, %parallel_loop3A_192] {strides = array<i32>} : memref<112x144xf32, #tpu.memory_space<vmem>>, vector<1x16xf32>,
        %parallel_loop3A_194 = vector.shape_cast %parallel_loop3A_193 : vector<1x16xf32> to vector<16xf32>
        %parallel_loop3A_195 = vector.shape_cast %parallel_loop3A_190 : vector<16xf32> to vector<1x16xf32>
        tpu.vector_store %arg10[%parallel_loop3A_191, %parallel_loop3A_192], %parallel_loop3A_195 {strides = array<i32>} : memref<112x144xf32, #tpu.memory_space<vmem>>, vector<1x16xf32>,
        %parallel_loop3A_196 = vector.extract_strided_slice %parallel_loop3A_151 {offsets = [3], sizes = [1], strides = [1]} : vector<16xf32> to vector<1xf32>
        %parallel_loop3A_197 = vector.extract %parallel_loop3A_196[0] : f32 from vector<1xf32>
        %parallel_loop3A_198 = vector.broadcast %parallel_loop3A_197 : f32 to vector<16xf32>
        %parallel_loop3A_199 = arith.index_cast %parallel_loop3A_136 : i32 to index
        %parallel_loop3A_200 = arith.constant 64 : index
        %parallel_loop3A_201 = tpu.vector_load %arg10[%parallel_loop3A_199, %parallel_loop3A_200] {strides = array<i32>} : memref<112x144xf32, #tpu.memory_space<vmem>>, vector<1x16xf32>,
        %parallel_loop3A_202 = vector.shape_cast %parallel_loop3A_201 : vector<1x16xf32> to vector<16xf32>
        %parallel_loop3A_203 = arith.mulf %parallel_loop3A_202, %parallel_loop3A_198 : vector<16xf32>
        %parallel_loop3A_204 = arith.index_cast %parallel_loop3A_136 : i32 to index
        %parallel_loop3A_205 = arith.constant 64 : index
        %parallel_loop3A_206 = tpu.vector_load %arg10[%parallel_loop3A_204, %parallel_loop3A_205] {strides = array<i32>} : memref<112x144xf32, #tpu.memory_space<vmem>>, vector<1x16xf32>,
        %parallel_loop3A_207 = vector.shape_cast %parallel_loop3A_206 : vector<1x16xf32> to vector<16xf32>
        %parallel_loop3A_208 = vector.shape_cast %parallel_loop3A_203 : vector<16xf32> to vector<1x16xf32>
        tpu.vector_store %arg10[%parallel_loop3A_204, %parallel_loop3A_205], %parallel_loop3A_208 {strides = array<i32>} : memref<112x144xf32, #tpu.memory_space<vmem>>, vector<1x16xf32>,
        %parallel_loop3A_209 = vector.extract_strided_slice %parallel_loop3A_151 {offsets = [4], sizes = [1], strides = [1]} : vector<16xf32> to vector<1xf32>
        %parallel_loop3A_210 = vector.extract %parallel_loop3A_209[0] : f32 from vector<1xf32>
        %parallel_loop3A_211 = vector.broadcast %parallel_loop3A_210 : f32 to vector<16xf32>
        %parallel_loop3A_212 = arith.index_cast %parallel_loop3A_136 : i32 to index
        %parallel_loop3A_213 = arith.constant 80 : index
        %parallel_loop3A_214 = tpu.vector_load %arg10[%parallel_loop3A_212, %parallel_loop3A_213] {strides = array<i32>} : memref<112x144xf32, #tpu.memory_space<vmem>>, vector<1x16xf32>,
        %parallel_loop3A_215 = vector.shape_cast %parallel_loop3A_214 : vector<1x16xf32> to vector<16xf32>
        %parallel_loop3A_216 = arith.mulf %parallel_loop3A_215, %parallel_loop3A_211 : vector<16xf32>
        %parallel_loop3A_217 = arith.index_cast %parallel_loop3A_136 : i32 to index
        %parallel_loop3A_218 = arith.constant 80 : index
        %parallel_loop3A_219 = tpu.vector_load %arg10[%parallel_loop3A_217, %parallel_loop3A_218] {strides = array<i32>} : memref<112x144xf32, #tpu.memory_space<vmem>>, vector<1x16xf32>,
        %parallel_loop3A_220 = vector.shape_cast %parallel_loop3A_219 : vector<1x16xf32> to vector<16xf32>
        %parallel_loop3A_221 = vector.shape_cast %parallel_loop3A_216 : vector<16xf32> to vector<1x16xf32>
        tpu.vector_store %arg10[%parallel_loop3A_217, %parallel_loop3A_218], %parallel_loop3A_221 {strides = array<i32>} : memref<112x144xf32, #tpu.memory_space<vmem>>, vector<1x16xf32>,
        %parallel_loop3A_222 = vector.extract_strided_slice %parallel_loop3A_151 {offsets = [5], sizes = [1], strides = [1]} : vector<16xf32> to vector<1xf32>
        %parallel_loop3A_223 = vector.extract %parallel_loop3A_222[0] : f32 from vector<1xf32>
        %parallel_loop3A_224 = vector.broadcast %parallel_loop3A_223 : f32 to vector<16xf32>
        %parallel_loop3A_225 = arith.index_cast %parallel_loop3A_136 : i32 to index
        %parallel_loop3A_226 = arith.constant 96 : index
        %parallel_loop3A_227 = tpu.vector_load %arg10[%parallel_loop3A_225, %parallel_loop3A_226] {strides = array<i32>} : memref<112x144xf32, #tpu.memory_space<vmem>>, vector<1x16xf32>,
        %parallel_loop3A_228 = vector.shape_cast %parallel_loop3A_227 : vector<1x16xf32> to vector<16xf32>
        %parallel_loop3A_229 = arith.mulf %parallel_loop3A_228, %parallel_loop3A_224 : vector<16xf32>
        %parallel_loop3A_230 = arith.index_cast %parallel_loop3A_136 : i32 to index
        %parallel_loop3A_231 = arith.constant 96 : index
        %parallel_loop3A_232 = tpu.vector_load %arg10[%parallel_loop3A_230, %parallel_loop3A_231] {strides = array<i32>} : memref<112x144xf32, #tpu.memory_space<vmem>>, vector<1x16xf32>,
        %parallel_loop3A_233 = vector.shape_cast %parallel_loop3A_232 : vector<1x16xf32> to vector<16xf32>
        %parallel_loop3A_234 = vector.shape_cast %parallel_loop3A_229 : vector<16xf32> to vector<1x16xf32>
        tpu.vector_store %arg10[%parallel_loop3A_230, %parallel_loop3A_231], %parallel_loop3A_234 {strides = array<i32>} : memref<112x144xf32, #tpu.memory_space<vmem>>, vector<1x16xf32>,
        %parallel_loop3A_235 = vector.extract_strided_slice %parallel_loop3A_151 {offsets = [6], sizes = [1], strides = [1]} : vector<16xf32> to vector<1xf32>
        %parallel_loop3A_236 = vector.extract %parallel_loop3A_235[0] : f32 from vector<1xf32>
        %parallel_loop3A_237 = vector.broadcast %parallel_loop3A_236 : f32 to vector<16xf32>
        %parallel_loop3A_238 = arith.index_cast %parallel_loop3A_136 : i32 to index
        %parallel_loop3A_239 = arith.constant 112 : index
        %parallel_loop3A_240 = tpu.vector_load %arg10[%parallel_loop3A_238, %parallel_loop3A_239] {strides = array<i32>} : memref<112x144xf32, #tpu.memory_space<vmem>>, vector<1x16xf32>,
        %parallel_loop3A_241 = vector.shape_cast %parallel_loop3A_240 : vector<1x16xf32> to vector<16xf32>
        %parallel_loop3A_242 = arith.mulf %parallel_loop3A_241, %parallel_loop3A_237 : vector<16xf32>
        %parallel_loop3A_243 = arith.index_cast %parallel_loop3A_136 : i32 to index
        %parallel_loop3A_244 = arith.constant 112 : index
        %parallel_loop3A_245 = tpu.vector_load %arg10[%parallel_loop3A_243, %parallel_loop3A_244] {strides = array<i32>} : memref<112x144xf32, #tpu.memory_space<vmem>>, vector<1x16xf32>,
        %parallel_loop3A_246 = vector.shape_cast %parallel_loop3A_245 : vector<1x16xf32> to vector<16xf32>
        %parallel_loop3A_247 = vector.shape_cast %parallel_loop3A_242 : vector<16xf32> to vector<1x16xf32>
        tpu.vector_store %arg10[%parallel_loop3A_243, %parallel_loop3A_244], %parallel_loop3A_247 {strides = array<i32>} : memref<112x144xf32, #tpu.memory_space<vmem>>, vector<1x16xf32>,
        %parallel_loop3A_248 = vector.extract_strided_slice %parallel_loop3A_151 {offsets = [7], sizes = [1], strides = [1]} : vector<16xf32> to vector<1xf32>
        %parallel_loop3A_249 = vector.extract %parallel_loop3A_248[0] : f32 from vector<1xf32>
        %parallel_loop3A_250 = vector.broadcast %parallel_loop3A_249 : f32 to vector<16xf32>
        %parallel_loop3A_251 = arith.index_cast %parallel_loop3A_136 : i32 to index
        %parallel_loop3A_252 = arith.constant 128 : index
        %parallel_loop3A_253 = tpu.vector_load %arg10[%parallel_loop3A_251, %parallel_loop3A_252] {strides = array<i32>} : memref<112x144xf32, #tpu.memory_space<vmem>>, vector<1x16xf32>,
        %parallel_loop3A_254 = vector.shape_cast %parallel_loop3A_253 : vector<1x16xf32> to vector<16xf32>
        %parallel_loop3A_255 = arith.mulf %parallel_loop3A_254, %parallel_loop3A_250 : vector<16xf32>
        %parallel_loop3A_256 = arith.index_cast %parallel_loop3A_136 : i32 to index
        %parallel_loop3A_257 = arith.constant 128 : index
        %parallel_loop3A_258 = tpu.vector_load %arg10[%parallel_loop3A_256, %parallel_loop3A_257] {strides = array<i32>} : memref<112x144xf32, #tpu.memory_space<vmem>>, vector<1x16xf32>,
        %parallel_loop3A_259 = vector.shape_cast %parallel_loop3A_258 : vector<1x16xf32> to vector<16xf32>
        %parallel_loop3A_260 = vector.shape_cast %parallel_loop3A_255 : vector<16xf32> to vector<1x16xf32>
        tpu.vector_store %arg10[%parallel_loop3A_256, %parallel_loop3A_257], %parallel_loop3A_260 {strides = array<i32>} : memref<112x144xf32, #tpu.memory_space<vmem>>, vector<1x16xf32>,
      } {sc.loop_unroll_factor = 4 : i64, sc.parallel_access}
      %run_scoped3A = arith.constant 1 : i32
      "tpu.region"() ({
        %run_scoped3A_136 = tpu.sem_alloc : memref<!tpu.dma_semaphore, #tpu.memory_space<semaphore_mem>>
        %dma_start3A_137 = arith.constant 0 : i32
        %dma_start3A_138 = tpu.memref_slice %arg8[%run_scoped3A, %dma_start3A_137] : memref<2x112xi32, #tpu.memory_space<vmem>> -> memref<1x112xi32, #tpu.memory_space<vmem>>
        %dma_start3A_139 = tpu.memref_squeeze %dma_start3A_138 : memref<1x112xi32, #tpu.memory_space<vmem>> -> memref<112xi32, #tpu.memory_space<vmem>>
        %dma_start3A_140 = arith.constant 0 : i32
        %dma_start3A_141 = arith.constant 0 : i32
        %dma_start3A_142 = tpu.memref_slice %arg15[%dma_start3A_140, %dma_start3A_141] : memref<10112x144xf32, #tpu.memory_space<vmem_shared>> -> memref<10112x144xf32, #tpu.memory_space<vmem_shared>>
        tpu.enqueue_indirect_dma source(%arg10 : memref<112x144xf32, #tpu.memory_space<vmem>>) target(%dma_start3A_142 : memref<10112x144xf32, #tpu.memory_space<vmem_shared>>) offsets(%dma_start3A_139 : memref<112xi32, #tpu.memory_space<vmem>>) semaphore(%run_scoped3A_136 : memref<!tpu.dma_semaphore, #tpu.memory_space<semaphore_mem>>) {add = true}
        %dma_wait3A_143 = arith.constant 0 : i32
        %dma_wait3A_144 = tpu.memref_slice %arg8[%run_scoped3A, %dma_wait3A_143] : memref<2x112xi32, #tpu.memory_space<vmem>> -> memref<1x112xi32, #tpu.memory_space<vmem>>
        %dma_wait3A_145 = tpu.memref_squeeze %dma_wait3A_144 : memref<1x112xi32, #tpu.memory_space<vmem>> -> memref<112xi32, #tpu.memory_space<vmem>>
        %dma_wait3A_146 = arith.constant 0 : i32
        %dma_wait3A_147 = arith.constant 0 : i32
        %dma_wait3A_148 = tpu.memref_slice %arg15[%dma_wait3A_146, %dma_wait3A_147] : memref<10112x144xf32, #tpu.memory_space<vmem_shared>> -> memref<10112x144xf32, #tpu.memory_space<vmem_shared>>
        tpu.wait_indirect_dma semaphore(%run_scoped3A_136 : memref<!tpu.dma_semaphore, #tpu.memory_space<semaphore_mem>>) src(%arg10 : memref<112x144xf32, #tpu.memory_space<vmem>>) dst(%dma_wait3A_148 : memref<10112x144xf32, #tpu.memory_space<vmem_shared>>)
        tpu.yield
      }) : () -> ()
      %mul3A_94 = arith.constant 2 : i32
      %mul3A_95 = arith.muli %mul3A_94, %add3A_54 : i32
      %add3A_96 = arith.constant 2 : i32
      %add3A_97 = arith.addi %mul3A_95, %add3A_96 : i32
      %min3A = arith.constant 95 : i32
      %min3A_98 = arith.minsi %add3A_97, %min3A : i32
      %mul3A_99 = arith.constant 96 : i32
      %mul3A_100 = arith.muli %add3A, %mul3A_99 : i32
      %add3A_101 = arith.addi %mul3A_100, %min3A_98 : i32
      %mul3A_102 = arith.constant 2 : i32
      %mul3A_103 = arith.muli %add3A_101, %mul3A_102 : i32
      "tpu.region"() ({
        %run_scoped3A_136 = tpu.sem_alloc : memref<!tpu.dma_semaphore, #tpu.memory_space<semaphore_mem>>
        %dma_start3A_137 = arith.constant 0 : i32
        %dma_start3A_138 = tpu.memref_slice %arg5[%mul3A_103, %dma_start3A_137] : memref<6144x112xi32, #tpu.memory_space<hbm>> -> memref<2x112xi32, #tpu.memory_space<hbm>>
        %dma_start3A_139 = arith.constant 0 : i32
        %dma_start3A_140 = tpu.memref_slice %arg5[%mul3A_103, %dma_start3A_139] : memref<6144x112xi32, #tpu.memory_space<hbm>> -> memref<2x112xi32, #tpu.memory_space<hbm>>
        tpu.enqueue_dma source(%dma_start3A_140 : memref<2x112xi32, #tpu.memory_space<hbm>>) target(%arg8 : memref<2x112xi32, #tpu.memory_space<vmem>>) target_semaphore(%run_scoped3A_136 : memref<!tpu.dma_semaphore, #tpu.memory_space<semaphore_mem>>)
        %dma_wait3A_141 = arith.constant 0 : i32
        %dma_wait3A_142 = tpu.memref_slice %arg5[%mul3A_103, %dma_wait3A_141] : memref<6144x112xi32, #tpu.memory_space<hbm>> -> memref<2x112xi32, #tpu.memory_space<hbm>>
        %dma_wait3A_143 = arith.constant 0 : i32
        %dma_wait3A_144 = tpu.memref_slice %arg5[%mul3A_103, %dma_wait3A_143] : memref<6144x112xi32, #tpu.memory_space<hbm>> -> memref<2x112xi32, #tpu.memory_space<hbm>>
        tpu.wait_dma2 semaphore(%run_scoped3A_136 : memref<!tpu.dma_semaphore, #tpu.memory_space<semaphore_mem>>) src(%dma_wait3A_144 : memref<2x112xi32, #tpu.memory_space<hbm>>) dst(%arg8 : memref<2x112xi32, #tpu.memory_space<vmem>>)
        tpu.yield
      }) : () -> ()
      %dma_start3A_104 = arith.constant 0 : i32
      %dma_start3A_105 = arith.constant 0 : i32
      %dma_start3A_106 = tpu.memref_slice %arg8[%dma_start3A_104, %dma_start3A_105] : memref<2x112xi32, #tpu.memory_space<vmem>> -> memref<1x112xi32, #tpu.memory_space<vmem>>
      %dma_start3A_107 = tpu.memref_squeeze %dma_start3A_106 : memref<1x112xi32, #tpu.memory_space<vmem>> -> memref<112xi32, #tpu.memory_space<vmem>>
      %dma_start3A_108 = arith.constant 0 : i32
      %dma_start3A_109 = arith.constant 0 : i32
      %dma_start3A_110 = tpu.memref_slice %arg2[%dma_start3A_108, %dma_start3A_109] : memref<10112x144xf32, #tpu.memory_space<hbm>> -> memref<10112x144xf32, #tpu.memory_space<hbm>>
      tpu.enqueue_indirect_dma source(%dma_start3A_110 : memref<10112x144xf32, #tpu.memory_space<hbm>>) target(%arg10 : memref<112x144xf32, #tpu.memory_space<vmem>>) offsets(%dma_start3A_107 : memref<112xi32, #tpu.memory_space<vmem>>) semaphore(%arg16 : memref<!tpu.dma_semaphore, #tpu.memory_space<semaphore_mem>>)
      %dma_start3A_111 = arith.constant 1 : i32
      %dma_start3A_112 = arith.constant 0 : i32
      %dma_start3A_113 = tpu.memref_slice %arg8[%dma_start3A_111, %dma_start3A_112] : memref<2x112xi32, #tpu.memory_space<vmem>> -> memref<1x112xi32, #tpu.memory_space<vmem>>
      %dma_start3A_114 = tpu.memref_squeeze %dma_start3A_113 : memref<1x112xi32, #tpu.memory_space<vmem>> -> memref<112xi32, #tpu.memory_space<vmem>>
      %dma_start3A_115 = arith.constant 0 : i32
      %dma_start3A_116 = arith.constant 0 : i32
      %dma_start3A_117 = tpu.memref_slice %arg3[%dma_start3A_115, %dma_start3A_116] : memref<10112x16xf32, #tpu.memory_space<hbm>> -> memref<10112x16xf32, #tpu.memory_space<hbm>>
      tpu.enqueue_indirect_dma source(%dma_start3A_117 : memref<10112x16xf32, #tpu.memory_space<hbm>>) target(%arg12 : memref<112x16xf32, #tpu.memory_space<vmem>>) offsets(%dma_start3A_114 : memref<112xi32, #tpu.memory_space<vmem>>) semaphore(%arg16 : memref<!tpu.dma_semaphore, #tpu.memory_space<semaphore_mem>>)
      %dma_wait3A_118 = arith.constant 0 : i32
      %dma_wait3A_119 = arith.constant 0 : i32
      %dma_wait3A_120 = tpu.memref_slice %arg9[%dma_wait3A_118, %dma_wait3A_119] : memref<2x112xi32, #tpu.memory_space<vmem>> -> memref<1x112xi32, #tpu.memory_space<vmem>>
      %dma_wait3A_121 = tpu.memref_squeeze %dma_wait3A_120 : memref<1x112xi32, #tpu.memory_space<vmem>> -> memref<112xi32, #tpu.memory_space<vmem>>
      %dma_wait3A_122 = arith.constant 0 : i32
      %dma_wait3A_123 = arith.constant 0 : i32
      %dma_wait3A_124 = tpu.memref_slice %arg2[%dma_wait3A_122, %dma_wait3A_123] : memref<10112x144xf32, #tpu.memory_space<hbm>> -> memref<10112x144xf32, #tpu.memory_space<hbm>>
      tpu.wait_indirect_dma semaphore(%arg17 : memref<!tpu.dma_semaphore, #tpu.memory_space<semaphore_mem>>) src(%dma_wait3A_124 : memref<10112x144xf32, #tpu.memory_space<hbm>>) dst(%arg11 : memref<112x144xf32, #tpu.memory_space<vmem>>)
      %dma_wait3A_125 = arith.constant 1 : i32
      %dma_wait3A_126 = arith.constant 0 : i32
      %dma_wait3A_127 = tpu.memref_slice %arg9[%dma_wait3A_125, %dma_wait3A_126] : memref<2x112xi32, #tpu.memory_space<vmem>> -> memref<1x112xi32, #tpu.memory_space<vmem>>
      %dma_wait3A_128 = tpu.memref_squeeze %dma_wait3A_127 : memref<1x112xi32, #tpu.memory_space<vmem>> -> memref<112xi32, #tpu.memory_space<vmem>>
      %dma_wait3A_129 = arith.constant 0 : i32
      %dma_wait3A_130 = arith.constant 0 : i32
      %dma_wait3A_131 = tpu.memref_slice %arg3[%dma_wait3A_129, %dma_wait3A_130] : memref<10112x16xf32, #tpu.memory_space<hbm>> -> memref<10112x16xf32, #tpu.memory_space<hbm>>
      tpu.wait_indirect_dma semaphore(%arg17 : memref<!tpu.dma_semaphore, #tpu.memory_space<semaphore_mem>>) src(%dma_wait3A_131 : memref<10112x16xf32, #tpu.memory_space<hbm>>) dst(%arg13 : memref<112x16xf32, #tpu.memory_space<vmem>>)
      %parallel_loop3A_132 = arith.constant 0 : i32
      %parallel_loop3A_133 = arith.constant 112 : i32
      %parallel_loop3A_134 = arith.constant 1 : i32
      scf.for %parallel_loop3A_136 = %parallel_loop3A_132 to %parallel_loop3A_133 step %parallel_loop3A_134  : i32 {
        %parallel_loop3A_137 = arith.index_cast %parallel_loop3A_136 : i32 to index
        %parallel_loop3A_138 = arith.constant 0 : index
        %parallel_loop3A_139 = tpu.vector_load %arg11[%parallel_loop3A_137, %parallel_loop3A_138] {strides = array<i32>} : memref<112x144xf32, #tpu.memory_space<vmem>>, vector<1x16xf32>,
        %parallel_loop3A_140 = vector.shape_cast %parallel_loop3A_139 : vector<1x16xf32> to vector<16xf32>
        %parallel_loop3A_141 = arith.index_cast %parallel_loop3A_136 : i32 to index
        %parallel_loop3A_142 = arith.constant 0 : index
        %parallel_loop3A_143 = tpu.vector_load %arg13[%parallel_loop3A_141, %parallel_loop3A_142] {strides = array<i32>} : memref<112x16xf32, #tpu.memory_space<vmem>>, vector<1x16xf32>,
        %parallel_loop3A_144 = vector.shape_cast %parallel_loop3A_143 : vector<1x16xf32> to vector<16xf32>
        %parallel_loop3A_145 = arith.addf %parallel_loop3A_140, %parallel_loop3A_144 : vector<16xf32>
        %parallel_loop3A_146 = arith.constant 2.000000e-01 : f32
        %parallel_loop3A_147 = vector.broadcast %parallel_loop3A_146 : f32 to vector<16xf32>
        %parallel_loop3A_148 = arith.mulf %parallel_loop3A_145, %parallel_loop3A_147 : vector<16xf32>
        %parallel_loop3A_149 = arith.maximumf %parallel_loop3A_145, %parallel_loop3A_148 : vector<16xf32>
        %parallel_loop3A_150 = arith.subf %parallel_loop3A_149, %get3A_8 : vector<16xf32>
        %parallel_loop3A_151 = math.exp %parallel_loop3A_150 : vector<16xf32>
        %parallel_loop3A_152 = arith.index_cast %parallel_loop3A_136 : i32 to index
        %parallel_loop3A_153 = arith.constant 0 : index
        %parallel_loop3A_154 = tpu.vector_load %arg11[%parallel_loop3A_152, %parallel_loop3A_153] {strides = array<i32>} : memref<112x144xf32, #tpu.memory_space<vmem>>, vector<1x16xf32>,
        %parallel_loop3A_155 = vector.shape_cast %parallel_loop3A_154 : vector<1x16xf32> to vector<16xf32>
        %parallel_loop3A_156 = vector.shape_cast %parallel_loop3A_151 : vector<16xf32> to vector<1x16xf32>
        tpu.vector_store %arg11[%parallel_loop3A_152, %parallel_loop3A_153], %parallel_loop3A_156 {strides = array<i32>} : memref<112x144xf32, #tpu.memory_space<vmem>>, vector<1x16xf32>,
        %parallel_loop3A_157 = vector.extract_strided_slice %parallel_loop3A_151 {offsets = [0], sizes = [1], strides = [1]} : vector<16xf32> to vector<1xf32>
        %parallel_loop3A_158 = vector.extract %parallel_loop3A_157[0] : f32 from vector<1xf32>
        %parallel_loop3A_159 = vector.broadcast %parallel_loop3A_158 : f32 to vector<16xf32>
        %parallel_loop3A_160 = arith.index_cast %parallel_loop3A_136 : i32 to index
        %parallel_loop3A_161 = arith.constant 16 : index
        %parallel_loop3A_162 = tpu.vector_load %arg11[%parallel_loop3A_160, %parallel_loop3A_161] {strides = array<i32>} : memref<112x144xf32, #tpu.memory_space<vmem>>, vector<1x16xf32>,
        %parallel_loop3A_163 = vector.shape_cast %parallel_loop3A_162 : vector<1x16xf32> to vector<16xf32>
        %parallel_loop3A_164 = arith.mulf %parallel_loop3A_163, %parallel_loop3A_159 : vector<16xf32>
        %parallel_loop3A_165 = arith.index_cast %parallel_loop3A_136 : i32 to index
        %parallel_loop3A_166 = arith.constant 16 : index
        %parallel_loop3A_167 = tpu.vector_load %arg11[%parallel_loop3A_165, %parallel_loop3A_166] {strides = array<i32>} : memref<112x144xf32, #tpu.memory_space<vmem>>, vector<1x16xf32>,
        %parallel_loop3A_168 = vector.shape_cast %parallel_loop3A_167 : vector<1x16xf32> to vector<16xf32>
        %parallel_loop3A_169 = vector.shape_cast %parallel_loop3A_164 : vector<16xf32> to vector<1x16xf32>
        tpu.vector_store %arg11[%parallel_loop3A_165, %parallel_loop3A_166], %parallel_loop3A_169 {strides = array<i32>} : memref<112x144xf32, #tpu.memory_space<vmem>>, vector<1x16xf32>,
        %parallel_loop3A_170 = vector.extract_strided_slice %parallel_loop3A_151 {offsets = [1], sizes = [1], strides = [1]} : vector<16xf32> to vector<1xf32>
        %parallel_loop3A_171 = vector.extract %parallel_loop3A_170[0] : f32 from vector<1xf32>
        %parallel_loop3A_172 = vector.broadcast %parallel_loop3A_171 : f32 to vector<16xf32>
        %parallel_loop3A_173 = arith.index_cast %parallel_loop3A_136 : i32 to index
        %parallel_loop3A_174 = arith.constant 32 : index
        %parallel_loop3A_175 = tpu.vector_load %arg11[%parallel_loop3A_173, %parallel_loop3A_174] {strides = array<i32>} : memref<112x144xf32, #tpu.memory_space<vmem>>, vector<1x16xf32>,
        %parallel_loop3A_176 = vector.shape_cast %parallel_loop3A_175 : vector<1x16xf32> to vector<16xf32>
        %parallel_loop3A_177 = arith.mulf %parallel_loop3A_176, %parallel_loop3A_172 : vector<16xf32>
        %parallel_loop3A_178 = arith.index_cast %parallel_loop3A_136 : i32 to index
        %parallel_loop3A_179 = arith.constant 32 : index
        %parallel_loop3A_180 = tpu.vector_load %arg11[%parallel_loop3A_178, %parallel_loop3A_179] {strides = array<i32>} : memref<112x144xf32, #tpu.memory_space<vmem>>, vector<1x16xf32>,
        %parallel_loop3A_181 = vector.shape_cast %parallel_loop3A_180 : vector<1x16xf32> to vector<16xf32>
        %parallel_loop3A_182 = vector.shape_cast %parallel_loop3A_177 : vector<16xf32> to vector<1x16xf32>
        tpu.vector_store %arg11[%parallel_loop3A_178, %parallel_loop3A_179], %parallel_loop3A_182 {strides = array<i32>} : memref<112x144xf32, #tpu.memory_space<vmem>>, vector<1x16xf32>,
        %parallel_loop3A_183 = vector.extract_strided_slice %parallel_loop3A_151 {offsets = [2], sizes = [1], strides = [1]} : vector<16xf32> to vector<1xf32>
        %parallel_loop3A_184 = vector.extract %parallel_loop3A_183[0] : f32 from vector<1xf32>
        %parallel_loop3A_185 = vector.broadcast %parallel_loop3A_184 : f32 to vector<16xf32>
        %parallel_loop3A_186 = arith.index_cast %parallel_loop3A_136 : i32 to index
        %parallel_loop3A_187 = arith.constant 48 : index
        %parallel_loop3A_188 = tpu.vector_load %arg11[%parallel_loop3A_186, %parallel_loop3A_187] {strides = array<i32>} : memref<112x144xf32, #tpu.memory_space<vmem>>, vector<1x16xf32>,
        %parallel_loop3A_189 = vector.shape_cast %parallel_loop3A_188 : vector<1x16xf32> to vector<16xf32>
        %parallel_loop3A_190 = arith.mulf %parallel_loop3A_189, %parallel_loop3A_185 : vector<16xf32>
        %parallel_loop3A_191 = arith.index_cast %parallel_loop3A_136 : i32 to index
        %parallel_loop3A_192 = arith.constant 48 : index
        %parallel_loop3A_193 = tpu.vector_load %arg11[%parallel_loop3A_191, %parallel_loop3A_192] {strides = array<i32>} : memref<112x144xf32, #tpu.memory_space<vmem>>, vector<1x16xf32>,
        %parallel_loop3A_194 = vector.shape_cast %parallel_loop3A_193 : vector<1x16xf32> to vector<16xf32>
        %parallel_loop3A_195 = vector.shape_cast %parallel_loop3A_190 : vector<16xf32> to vector<1x16xf32>
        tpu.vector_store %arg11[%parallel_loop3A_191, %parallel_loop3A_192], %parallel_loop3A_195 {strides = array<i32>} : memref<112x144xf32, #tpu.memory_space<vmem>>, vector<1x16xf32>,
        %parallel_loop3A_196 = vector.extract_strided_slice %parallel_loop3A_151 {offsets = [3], sizes = [1], strides = [1]} : vector<16xf32> to vector<1xf32>
        %parallel_loop3A_197 = vector.extract %parallel_loop3A_196[0] : f32 from vector<1xf32>
        %parallel_loop3A_198 = vector.broadcast %parallel_loop3A_197 : f32 to vector<16xf32>
        %parallel_loop3A_199 = arith.index_cast %parallel_loop3A_136 : i32 to index
        %parallel_loop3A_200 = arith.constant 64 : index
        %parallel_loop3A_201 = tpu.vector_load %arg11[%parallel_loop3A_199, %parallel_loop3A_200] {strides = array<i32>} : memref<112x144xf32, #tpu.memory_space<vmem>>, vector<1x16xf32>,
        %parallel_loop3A_202 = vector.shape_cast %parallel_loop3A_201 : vector<1x16xf32> to vector<16xf32>
        %parallel_loop3A_203 = arith.mulf %parallel_loop3A_202, %parallel_loop3A_198 : vector<16xf32>
        %parallel_loop3A_204 = arith.index_cast %parallel_loop3A_136 : i32 to index
        %parallel_loop3A_205 = arith.constant 64 : index
        %parallel_loop3A_206 = tpu.vector_load %arg11[%parallel_loop3A_204, %parallel_loop3A_205] {strides = array<i32>} : memref<112x144xf32, #tpu.memory_space<vmem>>, vector<1x16xf32>,
        %parallel_loop3A_207 = vector.shape_cast %parallel_loop3A_206 : vector<1x16xf32> to vector<16xf32>
        %parallel_loop3A_208 = vector.shape_cast %parallel_loop3A_203 : vector<16xf32> to vector<1x16xf32>
        tpu.vector_store %arg11[%parallel_loop3A_204, %parallel_loop3A_205], %parallel_loop3A_208 {strides = array<i32>} : memref<112x144xf32, #tpu.memory_space<vmem>>, vector<1x16xf32>,
        %parallel_loop3A_209 = vector.extract_strided_slice %parallel_loop3A_151 {offsets = [4], sizes = [1], strides = [1]} : vector<16xf32> to vector<1xf32>
        %parallel_loop3A_210 = vector.extract %parallel_loop3A_209[0] : f32 from vector<1xf32>
        %parallel_loop3A_211 = vector.broadcast %parallel_loop3A_210 : f32 to vector<16xf32>
        %parallel_loop3A_212 = arith.index_cast %parallel_loop3A_136 : i32 to index
        %parallel_loop3A_213 = arith.constant 80 : index
        %parallel_loop3A_214 = tpu.vector_load %arg11[%parallel_loop3A_212, %parallel_loop3A_213] {strides = array<i32>} : memref<112x144xf32, #tpu.memory_space<vmem>>, vector<1x16xf32>,
        %parallel_loop3A_215 = vector.shape_cast %parallel_loop3A_214 : vector<1x16xf32> to vector<16xf32>
        %parallel_loop3A_216 = arith.mulf %parallel_loop3A_215, %parallel_loop3A_211 : vector<16xf32>
        %parallel_loop3A_217 = arith.index_cast %parallel_loop3A_136 : i32 to index
        %parallel_loop3A_218 = arith.constant 80 : index
        %parallel_loop3A_219 = tpu.vector_load %arg11[%parallel_loop3A_217, %parallel_loop3A_218] {strides = array<i32>} : memref<112x144xf32, #tpu.memory_space<vmem>>, vector<1x16xf32>,
        %parallel_loop3A_220 = vector.shape_cast %parallel_loop3A_219 : vector<1x16xf32> to vector<16xf32>
        %parallel_loop3A_221 = vector.shape_cast %parallel_loop3A_216 : vector<16xf32> to vector<1x16xf32>
        tpu.vector_store %arg11[%parallel_loop3A_217, %parallel_loop3A_218], %parallel_loop3A_221 {strides = array<i32>} : memref<112x144xf32, #tpu.memory_space<vmem>>, vector<1x16xf32>,
        %parallel_loop3A_222 = vector.extract_strided_slice %parallel_loop3A_151 {offsets = [5], sizes = [1], strides = [1]} : vector<16xf32> to vector<1xf32>
        %parallel_loop3A_223 = vector.extract %parallel_loop3A_222[0] : f32 from vector<1xf32>
        %parallel_loop3A_224 = vector.broadcast %parallel_loop3A_223 : f32 to vector<16xf32>
        %parallel_loop3A_225 = arith.index_cast %parallel_loop3A_136 : i32 to index
        %parallel_loop3A_226 = arith.constant 96 : index
        %parallel_loop3A_227 = tpu.vector_load %arg11[%parallel_loop3A_225, %parallel_loop3A_226] {strides = array<i32>} : memref<112x144xf32, #tpu.memory_space<vmem>>, vector<1x16xf32>,
        %parallel_loop3A_228 = vector.shape_cast %parallel_loop3A_227 : vector<1x16xf32> to vector<16xf32>
        %parallel_loop3A_229 = arith.mulf %parallel_loop3A_228, %parallel_loop3A_224 : vector<16xf32>
        %parallel_loop3A_230 = arith.index_cast %parallel_loop3A_136 : i32 to index
        %parallel_loop3A_231 = arith.constant 96 : index
        %parallel_loop3A_232 = tpu.vector_load %arg11[%parallel_loop3A_230, %parallel_loop3A_231] {strides = array<i32>} : memref<112x144xf32, #tpu.memory_space<vmem>>, vector<1x16xf32>,
        %parallel_loop3A_233 = vector.shape_cast %parallel_loop3A_232 : vector<1x16xf32> to vector<16xf32>
        %parallel_loop3A_234 = vector.shape_cast %parallel_loop3A_229 : vector<16xf32> to vector<1x16xf32>
        tpu.vector_store %arg11[%parallel_loop3A_230, %parallel_loop3A_231], %parallel_loop3A_234 {strides = array<i32>} : memref<112x144xf32, #tpu.memory_space<vmem>>, vector<1x16xf32>,
        %parallel_loop3A_235 = vector.extract_strided_slice %parallel_loop3A_151 {offsets = [6], sizes = [1], strides = [1]} : vector<16xf32> to vector<1xf32>
        %parallel_loop3A_236 = vector.extract %parallel_loop3A_235[0] : f32 from vector<1xf32>
        %parallel_loop3A_237 = vector.broadcast %parallel_loop3A_236 : f32 to vector<16xf32>
        %parallel_loop3A_238 = arith.index_cast %parallel_loop3A_136 : i32 to index
        %parallel_loop3A_239 = arith.constant 112 : index
        %parallel_loop3A_240 = tpu.vector_load %arg11[%parallel_loop3A_238, %parallel_loop3A_239] {strides = array<i32>} : memref<112x144xf32, #tpu.memory_space<vmem>>, vector<1x16xf32>,
        %parallel_loop3A_241 = vector.shape_cast %parallel_loop3A_240 : vector<1x16xf32> to vector<16xf32>
        %parallel_loop3A_242 = arith.mulf %parallel_loop3A_241, %parallel_loop3A_237 : vector<16xf32>
        %parallel_loop3A_243 = arith.index_cast %parallel_loop3A_136 : i32 to index
        %parallel_loop3A_244 = arith.constant 112 : index
        %parallel_loop3A_245 = tpu.vector_load %arg11[%parallel_loop3A_243, %parallel_loop3A_244] {strides = array<i32>} : memref<112x144xf32, #tpu.memory_space<vmem>>, vector<1x16xf32>,
        %parallel_loop3A_246 = vector.shape_cast %parallel_loop3A_245 : vector<1x16xf32> to vector<16xf32>
        %parallel_loop3A_247 = vector.shape_cast %parallel_loop3A_242 : vector<16xf32> to vector<1x16xf32>
        tpu.vector_store %arg11[%parallel_loop3A_243, %parallel_loop3A_244], %parallel_loop3A_247 {strides = array<i32>} : memref<112x144xf32, #tpu.memory_space<vmem>>, vector<1x16xf32>,
        %parallel_loop3A_248 = vector.extract_strided_slice %parallel_loop3A_151 {offsets = [7], sizes = [1], strides = [1]} : vector<16xf32> to vector<1xf32>
        %parallel_loop3A_249 = vector.extract %parallel_loop3A_248[0] : f32 from vector<1xf32>
        %parallel_loop3A_250 = vector.broadcast %parallel_loop3A_249 : f32 to vector<16xf32>
        %parallel_loop3A_251 = arith.index_cast %parallel_loop3A_136 : i32 to index
        %parallel_loop3A_252 = arith.constant 128 : index
        %parallel_loop3A_253 = tpu.vector_load %arg11[%parallel_loop3A_251, %parallel_loop3A_252] {strides = array<i32>} : memref<112x144xf32, #tpu.memory_space<vmem>>, vector<1x16xf32>,
        %parallel_loop3A_254 = vector.shape_cast %parallel_loop3A_253 : vector<1x16xf32> to vector<16xf32>
        %parallel_loop3A_255 = arith.mulf %parallel_loop3A_254, %parallel_loop3A_250 : vector<16xf32>
        %parallel_loop3A_256 = arith.index_cast %parallel_loop3A_136 : i32 to index
        %parallel_loop3A_257 = arith.constant 128 : index
        %parallel_loop3A_258 = tpu.vector_load %arg11[%parallel_loop3A_256, %parallel_loop3A_257] {strides = array<i32>} : memref<112x144xf32, #tpu.memory_space<vmem>>, vector<1x16xf32>,
        %parallel_loop3A_259 = vector.shape_cast %parallel_loop3A_258 : vector<1x16xf32> to vector<16xf32>
        %parallel_loop3A_260 = vector.shape_cast %parallel_loop3A_255 : vector<16xf32> to vector<1x16xf32>
        tpu.vector_store %arg11[%parallel_loop3A_256, %parallel_loop3A_257], %parallel_loop3A_260 {strides = array<i32>} : memref<112x144xf32, #tpu.memory_space<vmem>>, vector<1x16xf32>,
      } {sc.loop_unroll_factor = 4 : i64, sc.parallel_access}
      %run_scoped3A_135 = arith.constant 1 : i32
      "tpu.region"() ({
        %run_scoped3A_136 = tpu.sem_alloc : memref<!tpu.dma_semaphore, #tpu.memory_space<semaphore_mem>>
        %dma_start3A_137 = arith.constant 0 : i32
        %dma_start3A_138 = tpu.memref_slice %arg9[%run_scoped3A_135, %dma_start3A_137] : memref<2x112xi32, #tpu.memory_space<vmem>> -> memref<1x112xi32, #tpu.memory_space<vmem>>
        %dma_start3A_139 = tpu.memref_squeeze %dma_start3A_138 : memref<1x112xi32, #tpu.memory_space<vmem>> -> memref<112xi32, #tpu.memory_space<vmem>>
        %dma_start3A_140 = arith.constant 0 : i32
        %dma_start3A_141 = arith.constant 0 : i32
        %dma_start3A_142 = tpu.memref_slice %arg15[%dma_start3A_140, %dma_start3A_141] : memref<10112x144xf32, #tpu.memory_space<vmem_shared>> -> memref<10112x144xf32, #tpu.memory_space<vmem_shared>>
        tpu.enqueue_indirect_dma source(%arg11 : memref<112x144xf32, #tpu.memory_space<vmem>>) target(%dma_start3A_142 : memref<10112x144xf32, #tpu.memory_space<vmem_shared>>) offsets(%dma_start3A_139 : memref<112xi32, #tpu.memory_space<vmem>>) semaphore(%run_scoped3A_136 : memref<!tpu.dma_semaphore, #tpu.memory_space<semaphore_mem>>) {add = true}
        %dma_wait3A_143 = arith.constant 0 : i32
        %dma_wait3A_144 = tpu.memref_slice %arg9[%run_scoped3A_135, %dma_wait3A_143] : memref<2x112xi32, #tpu.memory_space<vmem>> -> memref<1x112xi32, #tpu.memory_space<vmem>>
        %dma_wait3A_145 = tpu.memref_squeeze %dma_wait3A_144 : memref<1x112xi32, #tpu.memory_space<vmem>> -> memref<112xi32, #tpu.memory_space<vmem>>
        %dma_wait3A_146 = arith.constant 0 : i32
        %dma_wait3A_147 = arith.constant 0 : i32
        %dma_wait3A_148 = tpu.memref_slice %arg15[%dma_wait3A_146, %dma_wait3A_147] : memref<10112x144xf32, #tpu.memory_space<vmem_shared>> -> memref<10112x144xf32, #tpu.memory_space<vmem_shared>>
        tpu.wait_indirect_dma semaphore(%run_scoped3A_136 : memref<!tpu.dma_semaphore, #tpu.memory_space<semaphore_mem>>) src(%arg11 : memref<112x144xf32, #tpu.memory_space<vmem>>) dst(%dma_wait3A_148 : memref<10112x144xf32, #tpu.memory_space<vmem_shared>>)
        tpu.yield
      }) : () -> ()
    }
    %scan3A_31 = arith.constant 48 : i32
    %dma_wait3A = arith.constant 0 : i32
    %dma_wait3A_32 = arith.constant 0 : i32
    %dma_wait3A_33 = tpu.memref_slice %arg8[%dma_wait3A, %dma_wait3A_32] : memref<2x112xi32, #tpu.memory_space<vmem>> -> memref<1x112xi32, #tpu.memory_space<vmem>>
    %dma_wait3A_34 = tpu.memref_squeeze %dma_wait3A_33 : memref<1x112xi32, #tpu.memory_space<vmem>> -> memref<112xi32, #tpu.memory_space<vmem>>
    %dma_wait3A_35 = arith.constant 0 : i32
    %dma_wait3A_36 = arith.constant 0 : i32
    %dma_wait3A_37 = tpu.memref_slice %arg2[%dma_wait3A_35, %dma_wait3A_36] : memref<10112x144xf32, #tpu.memory_space<hbm>> -> memref<10112x144xf32, #tpu.memory_space<hbm>>
    tpu.wait_indirect_dma semaphore(%arg16 : memref<!tpu.dma_semaphore, #tpu.memory_space<semaphore_mem>>) src(%dma_wait3A_37 : memref<10112x144xf32, #tpu.memory_space<hbm>>) dst(%arg10 : memref<112x144xf32, #tpu.memory_space<vmem>>)
    %dma_wait3A_38 = arith.constant 1 : i32
    %dma_wait3A_39 = arith.constant 0 : i32
    %dma_wait3A_40 = tpu.memref_slice %arg8[%dma_wait3A_38, %dma_wait3A_39] : memref<2x112xi32, #tpu.memory_space<vmem>> -> memref<1x112xi32, #tpu.memory_space<vmem>>
    %dma_wait3A_41 = tpu.memref_squeeze %dma_wait3A_40 : memref<1x112xi32, #tpu.memory_space<vmem>> -> memref<112xi32, #tpu.memory_space<vmem>>
    %dma_wait3A_42 = arith.constant 0 : i32
    %dma_wait3A_43 = arith.constant 0 : i32
    %dma_wait3A_44 = tpu.memref_slice %arg3[%dma_wait3A_42, %dma_wait3A_43] : memref<10112x16xf32, #tpu.memory_space<hbm>> -> memref<10112x16xf32, #tpu.memory_space<hbm>>
    tpu.wait_indirect_dma semaphore(%arg16 : memref<!tpu.dma_semaphore, #tpu.memory_space<semaphore_mem>>) src(%dma_wait3A_44 : memref<10112x16xf32, #tpu.memory_space<hbm>>) dst(%arg12 : memref<112x16xf32, #tpu.memory_space<vmem>>)
    %barrier3A_45 = arith.constant 0 : index
    tpu.barrier barrier_id(%barrier3A_45)
    %mul3A_46 = arith.constant 632 : i32
    %mul3A_47 = arith.muli %arg1, %mul3A_46 : i32
    %mul3A_48 = arith.constant 632 : i32
    %mul3A_49 = arith.muli %arg1, %mul3A_48 : i32
    "tpu.region"() ({
      %run_scoped3A = tpu.sem_alloc : memref<!tpu.dma_semaphore, #tpu.memory_space<semaphore_mem>>
      %dma_start3A_50 = arith.constant 0 : i32
      %dma_start3A_51 = tpu.memref_slice %arg7[%arg0, %mul3A_49, %dma_start3A_50] : memref<2x10112x144xf32, #tpu.memory_space<hbm>> -> memref<1x632x144xf32, #tpu.memory_space<hbm>>
      %dma_start3A_52 = tpu.memref_squeeze %dma_start3A_51 : memref<1x632x144xf32, #tpu.memory_space<hbm>> -> memref<632x144xf32, #tpu.memory_space<hbm>>
      %dma_start3A_53 = arith.constant 0 : i32
      %dma_start3A_54 = tpu.memref_slice %arg15[%mul3A_47, %dma_start3A_53] : memref<10112x144xf32, #tpu.memory_space<vmem_shared>> -> memref<632x144xf32, #tpu.memory_space<vmem_shared>>
      tpu.enqueue_dma source(%dma_start3A_54 : memref<632x144xf32, #tpu.memory_space<vmem_shared>>) target(%dma_start3A_52 : memref<632x144xf32, #tpu.memory_space<hbm>>) target_semaphore(%run_scoped3A : memref<!tpu.dma_semaphore, #tpu.memory_space<semaphore_mem>>)
      %dma_wait3A_55 = arith.constant 0 : i32
      %dma_wait3A_56 = tpu.memref_slice %arg7[%arg0, %mul3A_49, %dma_wait3A_55] : memref<2x10112x144xf32, #tpu.memory_space<hbm>> -> memref<1x632x144xf32, #tpu.memory_space<hbm>>
      %dma_wait3A_57 = tpu.memref_squeeze %dma_wait3A_56 : memref<1x632x144xf32, #tpu.memory_space<hbm>> -> memref<632x144xf32, #tpu.memory_space<hbm>>
      %dma_wait3A_58 = arith.constant 0 : i32
      %dma_wait3A_59 = tpu.memref_slice %arg15[%mul3A_47, %dma_wait3A_58] : memref<10112x144xf32, #tpu.memory_space<vmem_shared>> -> memref<632x144xf32, #tpu.memory_space<vmem_shared>>
      tpu.wait_dma2 semaphore(%run_scoped3A : memref<!tpu.dma_semaphore, #tpu.memory_space<semaphore_mem>>) src(%dma_wait3A_59 : memref<632x144xf32, #tpu.memory_space<vmem_shared>>) dst(%dma_wait3A_57 : memref<632x144xf32, #tpu.memory_space<hbm>>)
      tpu.yield
    }) : () -> ()
    return
  }
}

#map = affine_map<(d0, d1) -> (0, 0)>
#map1 = affine_map<(d0, d1) -> (0, 0, 0)>
module attributes {stable_mosaic.version = 14 : i64} {
  func.func @kern(%arg0: i32, %arg1: i32, %arg2: memref<10112x32xf32, #tpu.memory_space<hbm>>, %arg3: memref<10112x16xf32, #tpu.memory_space<hbm>>, %arg4: memref<1x16xf32, #tpu.memory_space<hbm>>, %arg5: memref<1792x384xi32, #tpu.memory_space<hbm>>, %arg6: memref<10112x32xf32, #tpu.memory_space<hbm>>, %arg7: memref<2x10112x32xf32, #tpu.memory_space<hbm>>, %arg8: memref<2x384xi32, #tpu.memory_space<vmem>>, %arg9: memref<2x384xi32, #tpu.memory_space<vmem>>, %arg10: memref<384x32xf32, #tpu.memory_space<vmem>>, %arg11: memref<384x32xf32, #tpu.memory_space<vmem>>, %arg12: memref<384x16xf32, #tpu.memory_space<vmem>>, %arg13: memref<384x16xf32, #tpu.memory_space<vmem>>, %arg14: memref<1x16xf32, #tpu.memory_space<vmem>>, %arg15: memref<10112x32xf32, #tpu.memory_space<vmem_shared>>, %arg16: memref<!tpu.dma_semaphore, #tpu.memory_space<semaphore_mem>>, %arg17: memref<!tpu.dma_semaphore, #tpu.memory_space<semaphore_mem>>) attributes {dimension_semantics = [#tpu.dimension_semantics<core_parallel>, #tpu.dimension_semantics<subcore_parallel>], iteration_bounds = array<i64: 2, 16>, scalar_prefetch = 0 : i64, scratch_operands = 10 : i64, tpu.core_type = #tpu.core_type<sc_vector_subcore>, window_params = [{transform_indices = #map}, {transform_indices = #map}, {transform_indices = #map}, {transform_indices = #map}, {transform_indices = #map}, {transform_indices = #map1}]} {
    %mul3A = arith.constant 16 : i32
    %mul3A_0 = arith.muli %arg0, %mul3A : i32
    %add3A = arith.addi %mul3A_0, %arg1 : i32
    %mul3A_1 = arith.constant 632 : i32
    %mul3A_2 = arith.muli %arg1, %mul3A_1 : i32
    %mul3A_3 = arith.constant 632 : i32
    %mul3A_4 = arith.muli %arg1, %mul3A_3 : i32
    "tpu.region"() ({
      %run_scoped3A = tpu.sem_alloc : memref<!tpu.dma_semaphore, #tpu.memory_space<semaphore_mem>>
      %dma_start3A_50 = arith.constant 0 : i32
      %dma_start3A_51 = tpu.memref_slice %arg15[%mul3A_4, %dma_start3A_50] : memref<10112x32xf32, #tpu.memory_space<vmem_shared>> -> memref<632x32xf32, #tpu.memory_space<vmem_shared>>
      %dma_start3A_52 = arith.constant 0 : i32
      %dma_start3A_53 = tpu.memref_slice %arg6[%mul3A_2, %dma_start3A_52] : memref<10112x32xf32, #tpu.memory_space<hbm>> -> memref<632x32xf32, #tpu.memory_space<hbm>>
      tpu.enqueue_dma source(%dma_start3A_53 : memref<632x32xf32, #tpu.memory_space<hbm>>) target(%dma_start3A_51 : memref<632x32xf32, #tpu.memory_space<vmem_shared>>) target_semaphore(%run_scoped3A : memref<!tpu.dma_semaphore, #tpu.memory_space<semaphore_mem>>)
      %dma_wait3A_54 = arith.constant 0 : i32
      %dma_wait3A_55 = tpu.memref_slice %arg15[%mul3A_4, %dma_wait3A_54] : memref<10112x32xf32, #tpu.memory_space<vmem_shared>> -> memref<632x32xf32, #tpu.memory_space<vmem_shared>>
      %dma_wait3A_56 = arith.constant 0 : i32
      %dma_wait3A_57 = tpu.memref_slice %arg6[%mul3A_2, %dma_wait3A_56] : memref<10112x32xf32, #tpu.memory_space<hbm>> -> memref<632x32xf32, #tpu.memory_space<hbm>>
      tpu.wait_dma2 semaphore(%run_scoped3A : memref<!tpu.dma_semaphore, #tpu.memory_space<semaphore_mem>>) src(%dma_wait3A_57 : memref<632x32xf32, #tpu.memory_space<hbm>>) dst(%dma_wait3A_55 : memref<632x32xf32, #tpu.memory_space<vmem_shared>>)
      tpu.yield
    }) : () -> ()
    "tpu.region"() ({
      %run_scoped3A = tpu.sem_alloc : memref<!tpu.dma_semaphore, #tpu.memory_space<semaphore_mem>>
      tpu.enqueue_dma source(%arg4 : memref<1x16xf32, #tpu.memory_space<hbm>>) target(%arg14 : memref<1x16xf32, #tpu.memory_space<vmem>>) target_semaphore(%run_scoped3A : memref<!tpu.dma_semaphore, #tpu.memory_space<semaphore_mem>>)
      tpu.wait_dma2 semaphore(%run_scoped3A : memref<!tpu.dma_semaphore, #tpu.memory_space<semaphore_mem>>) src(%arg4 : memref<1x16xf32, #tpu.memory_space<hbm>>) dst(%arg14 : memref<1x16xf32, #tpu.memory_space<vmem>>)
      tpu.yield
    }) : () -> ()
    %barrier3A = arith.constant 0 : index
    tpu.barrier barrier_id(%barrier3A)
    %get3A = arith.constant 0 : i32
    %get3A_5 = arith.index_cast %get3A : i32 to index
    %get3A_6 = arith.constant 0 : index
    %get3A_7 = tpu.vector_load %arg14[%get3A_5, %get3A_6] {strides = array<i32>} : memref<1x16xf32, #tpu.memory_space<vmem>>, vector<1x16xf32>,
    %get3A_8 = vector.shape_cast %get3A_7 : vector<1x16xf32> to vector<16xf32>
    %mul3A_9 = arith.constant 28 : i32
    %mul3A_10 = arith.muli %add3A, %mul3A_9 : i32
    %add3A_11 = arith.constant 0 : i32
    %add3A_12 = arith.addi %mul3A_10, %add3A_11 : i32
    %mul3A_13 = arith.constant 2 : i32
    %mul3A_14 = arith.muli %add3A_12, %mul3A_13 : i32
    "tpu.region"() ({
      %run_scoped3A = tpu.sem_alloc : memref<!tpu.dma_semaphore, #tpu.memory_space<semaphore_mem>>
      %dma_start3A_50 = arith.constant 0 : i32
      %dma_start3A_51 = tpu.memref_slice %arg5[%mul3A_14, %dma_start3A_50] : memref<1792x384xi32, #tpu.memory_space<hbm>> -> memref<2x384xi32, #tpu.memory_space<hbm>>
      %dma_start3A_52 = arith.constant 0 : i32
      %dma_start3A_53 = tpu.memref_slice %arg5[%mul3A_14, %dma_start3A_52] : memref<1792x384xi32, #tpu.memory_space<hbm>> -> memref<2x384xi32, #tpu.memory_space<hbm>>
      tpu.enqueue_dma source(%dma_start3A_53 : memref<2x384xi32, #tpu.memory_space<hbm>>) target(%arg8 : memref<2x384xi32, #tpu.memory_space<vmem>>) target_semaphore(%run_scoped3A : memref<!tpu.dma_semaphore, #tpu.memory_space<semaphore_mem>>)
      %dma_wait3A_54 = arith.constant 0 : i32
      %dma_wait3A_55 = tpu.memref_slice %arg5[%mul3A_14, %dma_wait3A_54] : memref<1792x384xi32, #tpu.memory_space<hbm>> -> memref<2x384xi32, #tpu.memory_space<hbm>>
      %dma_wait3A_56 = arith.constant 0 : i32
      %dma_wait3A_57 = tpu.memref_slice %arg5[%mul3A_14, %dma_wait3A_56] : memref<1792x384xi32, #tpu.memory_space<hbm>> -> memref<2x384xi32, #tpu.memory_space<hbm>>
      tpu.wait_dma2 semaphore(%run_scoped3A : memref<!tpu.dma_semaphore, #tpu.memory_space<semaphore_mem>>) src(%dma_wait3A_57 : memref<2x384xi32, #tpu.memory_space<hbm>>) dst(%arg8 : memref<2x384xi32, #tpu.memory_space<vmem>>)
      tpu.yield
    }) : () -> ()
    %dma_start3A = arith.constant 0 : i32
    %dma_start3A_15 = arith.constant 0 : i32
    %dma_start3A_16 = tpu.memref_slice %arg8[%dma_start3A, %dma_start3A_15] : memref<2x384xi32, #tpu.memory_space<vmem>> -> memref<1x384xi32, #tpu.memory_space<vmem>>
    %dma_start3A_17 = tpu.memref_squeeze %dma_start3A_16 : memref<1x384xi32, #tpu.memory_space<vmem>> -> memref<384xi32, #tpu.memory_space<vmem>>
    %dma_start3A_18 = arith.constant 0 : i32
    %dma_start3A_19 = arith.constant 0 : i32
    %dma_start3A_20 = tpu.memref_slice %arg2[%dma_start3A_18, %dma_start3A_19] : memref<10112x32xf32, #tpu.memory_space<hbm>> -> memref<10112x32xf32, #tpu.memory_space<hbm>>
    tpu.enqueue_indirect_dma source(%dma_start3A_20 : memref<10112x32xf32, #tpu.memory_space<hbm>>) target(%arg10 : memref<384x32xf32, #tpu.memory_space<vmem>>) offsets(%dma_start3A_17 : memref<384xi32, #tpu.memory_space<vmem>>) semaphore(%arg16 : memref<!tpu.dma_semaphore, #tpu.memory_space<semaphore_mem>>)
    %dma_start3A_21 = arith.constant 1 : i32
    %dma_start3A_22 = arith.constant 0 : i32
    %dma_start3A_23 = tpu.memref_slice %arg8[%dma_start3A_21, %dma_start3A_22] : memref<2x384xi32, #tpu.memory_space<vmem>> -> memref<1x384xi32, #tpu.memory_space<vmem>>
    %dma_start3A_24 = tpu.memref_squeeze %dma_start3A_23 : memref<1x384xi32, #tpu.memory_space<vmem>> -> memref<384xi32, #tpu.memory_space<vmem>>
    %dma_start3A_25 = arith.constant 0 : i32
    %dma_start3A_26 = arith.constant 0 : i32
    %dma_start3A_27 = tpu.memref_slice %arg3[%dma_start3A_25, %dma_start3A_26] : memref<10112x16xf32, #tpu.memory_space<hbm>> -> memref<10112x16xf32, #tpu.memory_space<hbm>>
    tpu.enqueue_indirect_dma source(%dma_start3A_27 : memref<10112x16xf32, #tpu.memory_space<hbm>>) target(%arg12 : memref<384x16xf32, #tpu.memory_space<vmem>>) offsets(%dma_start3A_24 : memref<384xi32, #tpu.memory_space<vmem>>) semaphore(%arg16 : memref<!tpu.dma_semaphore, #tpu.memory_space<semaphore_mem>>)
    %scan3A = arith.constant 0 : i32
    %scan3A_28 = arith.constant 14 : i32
    %scan3A_29 = arith.addi %scan3A, %scan3A_28 : i32
    %scan3A_30 = arith.constant 1 : i32
    scf.for %scan3A_50 = %scan3A to %scan3A_29 step %scan3A_30  : i32 {
      %mul3A_51 = arith.constant 1 : i32
      %mul3A_52 = arith.muli %scan3A_50, %mul3A_51 : i32
      %add3A_53 = arith.constant 0 : i32
      %add3A_54 = arith.addi %add3A_53, %mul3A_52 : i32
      %mul3A_55 = arith.constant 2 : i32
      %mul3A_56 = arith.muli %mul3A_55, %add3A_54 : i32
      %add3A_57 = arith.constant 1 : i32
      %add3A_58 = arith.addi %mul3A_56, %add3A_57 : i32
      %mul3A_59 = arith.constant 28 : i32
      %mul3A_60 = arith.muli %add3A, %mul3A_59 : i32
      %add3A_61 = arith.addi %mul3A_60, %add3A_58 : i32
      %mul3A_62 = arith.constant 2 : i32
      %mul3A_63 = arith.muli %add3A_61, %mul3A_62 : i32
      "tpu.region"() ({
        %run_scoped3A_136 = tpu.sem_alloc : memref<!tpu.dma_semaphore, #tpu.memory_space<semaphore_mem>>
        %dma_start3A_137 = arith.constant 0 : i32
        %dma_start3A_138 = tpu.memref_slice %arg5[%mul3A_63, %dma_start3A_137] : memref<1792x384xi32, #tpu.memory_space<hbm>> -> memref<2x384xi32, #tpu.memory_space<hbm>>
        %dma_start3A_139 = arith.constant 0 : i32
        %dma_start3A_140 = tpu.memref_slice %arg5[%mul3A_63, %dma_start3A_139] : memref<1792x384xi32, #tpu.memory_space<hbm>> -> memref<2x384xi32, #tpu.memory_space<hbm>>
        tpu.enqueue_dma source(%dma_start3A_140 : memref<2x384xi32, #tpu.memory_space<hbm>>) target(%arg9 : memref<2x384xi32, #tpu.memory_space<vmem>>) target_semaphore(%run_scoped3A_136 : memref<!tpu.dma_semaphore, #tpu.memory_space<semaphore_mem>>)
        %dma_wait3A_141 = arith.constant 0 : i32
        %dma_wait3A_142 = tpu.memref_slice %arg5[%mul3A_63, %dma_wait3A_141] : memref<1792x384xi32, #tpu.memory_space<hbm>> -> memref<2x384xi32, #tpu.memory_space<hbm>>
        %dma_wait3A_143 = arith.constant 0 : i32
        %dma_wait3A_144 = tpu.memref_slice %arg5[%mul3A_63, %dma_wait3A_143] : memref<1792x384xi32, #tpu.memory_space<hbm>> -> memref<2x384xi32, #tpu.memory_space<hbm>>
        tpu.wait_dma2 semaphore(%run_scoped3A_136 : memref<!tpu.dma_semaphore, #tpu.memory_space<semaphore_mem>>) src(%dma_wait3A_144 : memref<2x384xi32, #tpu.memory_space<hbm>>) dst(%arg9 : memref<2x384xi32, #tpu.memory_space<vmem>>)
        tpu.yield
      }) : () -> ()
      %dma_start3A_64 = arith.constant 0 : i32
      %dma_start3A_65 = arith.constant 0 : i32
      %dma_start3A_66 = tpu.memref_slice %arg9[%dma_start3A_64, %dma_start3A_65] : memref<2x384xi32, #tpu.memory_space<vmem>> -> memref<1x384xi32, #tpu.memory_space<vmem>>
      %dma_start3A_67 = tpu.memref_squeeze %dma_start3A_66 : memref<1x384xi32, #tpu.memory_space<vmem>> -> memref<384xi32, #tpu.memory_space<vmem>>
      %dma_start3A_68 = arith.constant 0 : i32
      %dma_start3A_69 = arith.constant 0 : i32
      %dma_start3A_70 = tpu.memref_slice %arg2[%dma_start3A_68, %dma_start3A_69] : memref<10112x32xf32, #tpu.memory_space<hbm>> -> memref<10112x32xf32, #tpu.memory_space<hbm>>
      tpu.enqueue_indirect_dma source(%dma_start3A_70 : memref<10112x32xf32, #tpu.memory_space<hbm>>) target(%arg11 : memref<384x32xf32, #tpu.memory_space<vmem>>) offsets(%dma_start3A_67 : memref<384xi32, #tpu.memory_space<vmem>>) semaphore(%arg17 : memref<!tpu.dma_semaphore, #tpu.memory_space<semaphore_mem>>)
      %dma_start3A_71 = arith.constant 1 : i32
      %dma_start3A_72 = arith.constant 0 : i32
      %dma_start3A_73 = tpu.memref_slice %arg9[%dma_start3A_71, %dma_start3A_72] : memref<2x384xi32, #tpu.memory_space<vmem>> -> memref<1x384xi32, #tpu.memory_space<vmem>>
      %dma_start3A_74 = tpu.memref_squeeze %dma_start3A_73 : memref<1x384xi32, #tpu.memory_space<vmem>> -> memref<384xi32, #tpu.memory_space<vmem>>
      %dma_start3A_75 = arith.constant 0 : i32
      %dma_start3A_76 = arith.constant 0 : i32
      %dma_start3A_77 = tpu.memref_slice %arg3[%dma_start3A_75, %dma_start3A_76] : memref<10112x16xf32, #tpu.memory_space<hbm>> -> memref<10112x16xf32, #tpu.memory_space<hbm>>
      tpu.enqueue_indirect_dma source(%dma_start3A_77 : memref<10112x16xf32, #tpu.memory_space<hbm>>) target(%arg13 : memref<384x16xf32, #tpu.memory_space<vmem>>) offsets(%dma_start3A_74 : memref<384xi32, #tpu.memory_space<vmem>>) semaphore(%arg17 : memref<!tpu.dma_semaphore, #tpu.memory_space<semaphore_mem>>)
      %dma_wait3A_78 = arith.constant 0 : i32
      %dma_wait3A_79 = arith.constant 0 : i32
      %dma_wait3A_80 = tpu.memref_slice %arg8[%dma_wait3A_78, %dma_wait3A_79] : memref<2x384xi32, #tpu.memory_space<vmem>> -> memref<1x384xi32, #tpu.memory_space<vmem>>
      %dma_wait3A_81 = tpu.memref_squeeze %dma_wait3A_80 : memref<1x384xi32, #tpu.memory_space<vmem>> -> memref<384xi32, #tpu.memory_space<vmem>>
      %dma_wait3A_82 = arith.constant 0 : i32
      %dma_wait3A_83 = arith.constant 0 : i32
      %dma_wait3A_84 = tpu.memref_slice %arg2[%dma_wait3A_82, %dma_wait3A_83] : memref<10112x32xf32, #tpu.memory_space<hbm>> -> memref<10112x32xf32, #tpu.memory_space<hbm>>
      tpu.wait_indirect_dma semaphore(%arg16 : memref<!tpu.dma_semaphore, #tpu.memory_space<semaphore_mem>>) src(%dma_wait3A_84 : memref<10112x32xf32, #tpu.memory_space<hbm>>) dst(%arg10 : memref<384x32xf32, #tpu.memory_space<vmem>>)
      %dma_wait3A_85 = arith.constant 1 : i32
      %dma_wait3A_86 = arith.constant 0 : i32
      %dma_wait3A_87 = tpu.memref_slice %arg8[%dma_wait3A_85, %dma_wait3A_86] : memref<2x384xi32, #tpu.memory_space<vmem>> -> memref<1x384xi32, #tpu.memory_space<vmem>>
      %dma_wait3A_88 = tpu.memref_squeeze %dma_wait3A_87 : memref<1x384xi32, #tpu.memory_space<vmem>> -> memref<384xi32, #tpu.memory_space<vmem>>
      %dma_wait3A_89 = arith.constant 0 : i32
      %dma_wait3A_90 = arith.constant 0 : i32
      %dma_wait3A_91 = tpu.memref_slice %arg3[%dma_wait3A_89, %dma_wait3A_90] : memref<10112x16xf32, #tpu.memory_space<hbm>> -> memref<10112x16xf32, #tpu.memory_space<hbm>>
      tpu.wait_indirect_dma semaphore(%arg16 : memref<!tpu.dma_semaphore, #tpu.memory_space<semaphore_mem>>) src(%dma_wait3A_91 : memref<10112x16xf32, #tpu.memory_space<hbm>>) dst(%arg12 : memref<384x16xf32, #tpu.memory_space<vmem>>)
      %parallel_loop3A = arith.constant 0 : i32
      %parallel_loop3A_92 = arith.constant 384 : i32
      %parallel_loop3A_93 = arith.constant 1 : i32
      scf.for %parallel_loop3A_136 = %parallel_loop3A to %parallel_loop3A_92 step %parallel_loop3A_93  : i32 {
        %parallel_loop3A_137 = arith.index_cast %parallel_loop3A_136 : i32 to index
        %parallel_loop3A_138 = arith.constant 0 : index
        %parallel_loop3A_139 = tpu.vector_load %arg10[%parallel_loop3A_137, %parallel_loop3A_138] {strides = array<i32>} : memref<384x32xf32, #tpu.memory_space<vmem>>, vector<1x16xf32>,
        %parallel_loop3A_140 = vector.shape_cast %parallel_loop3A_139 : vector<1x16xf32> to vector<16xf32>
        %parallel_loop3A_141 = arith.index_cast %parallel_loop3A_136 : i32 to index
        %parallel_loop3A_142 = arith.constant 0 : index
        %parallel_loop3A_143 = tpu.vector_load %arg12[%parallel_loop3A_141, %parallel_loop3A_142] {strides = array<i32>} : memref<384x16xf32, #tpu.memory_space<vmem>>, vector<1x16xf32>,
        %parallel_loop3A_144 = vector.shape_cast %parallel_loop3A_143 : vector<1x16xf32> to vector<16xf32>
        %parallel_loop3A_145 = arith.addf %parallel_loop3A_140, %parallel_loop3A_144 : vector<16xf32>
        %parallel_loop3A_146 = arith.constant 2.000000e-01 : f32
        %parallel_loop3A_147 = vector.broadcast %parallel_loop3A_146 : f32 to vector<16xf32>
        %parallel_loop3A_148 = arith.mulf %parallel_loop3A_145, %parallel_loop3A_147 : vector<16xf32>
        %parallel_loop3A_149 = arith.maximumf %parallel_loop3A_145, %parallel_loop3A_148 : vector<16xf32>
        %parallel_loop3A_150 = arith.subf %parallel_loop3A_149, %get3A_8 : vector<16xf32>
        %parallel_loop3A_151 = math.exp %parallel_loop3A_150 : vector<16xf32>
        %parallel_loop3A_152 = arith.index_cast %parallel_loop3A_136 : i32 to index
        %parallel_loop3A_153 = arith.constant 0 : index
        %parallel_loop3A_154 = tpu.vector_load %arg10[%parallel_loop3A_152, %parallel_loop3A_153] {strides = array<i32>} : memref<384x32xf32, #tpu.memory_space<vmem>>, vector<1x16xf32>,
        %parallel_loop3A_155 = vector.shape_cast %parallel_loop3A_154 : vector<1x16xf32> to vector<16xf32>
        %parallel_loop3A_156 = vector.shape_cast %parallel_loop3A_151 : vector<16xf32> to vector<1x16xf32>
        tpu.vector_store %arg10[%parallel_loop3A_152, %parallel_loop3A_153], %parallel_loop3A_156 {strides = array<i32>} : memref<384x32xf32, #tpu.memory_space<vmem>>, vector<1x16xf32>,
        %parallel_loop3A_157 = vector.extract_strided_slice %parallel_loop3A_151 {offsets = [0], sizes = [1], strides = [1]} : vector<16xf32> to vector<1xf32>
        %parallel_loop3A_158 = vector.extract %parallel_loop3A_157[0] : f32 from vector<1xf32>
        %parallel_loop3A_159 = vector.broadcast %parallel_loop3A_158 : f32 to vector<16xf32>
        %parallel_loop3A_160 = arith.index_cast %parallel_loop3A_136 : i32 to index
        %parallel_loop3A_161 = arith.constant 16 : index
        %parallel_loop3A_162 = tpu.vector_load %arg10[%parallel_loop3A_160, %parallel_loop3A_161] {strides = array<i32>} : memref<384x32xf32, #tpu.memory_space<vmem>>, vector<1x16xf32>,
        %parallel_loop3A_163 = vector.shape_cast %parallel_loop3A_162 : vector<1x16xf32> to vector<16xf32>
        %parallel_loop3A_164 = arith.mulf %parallel_loop3A_163, %parallel_loop3A_159 : vector<16xf32>
        %parallel_loop3A_165 = arith.index_cast %parallel_loop3A_136 : i32 to index
        %parallel_loop3A_166 = arith.constant 16 : index
        %parallel_loop3A_167 = tpu.vector_load %arg10[%parallel_loop3A_165, %parallel_loop3A_166] {strides = array<i32>} : memref<384x32xf32, #tpu.memory_space<vmem>>, vector<1x16xf32>,
        %parallel_loop3A_168 = vector.shape_cast %parallel_loop3A_167 : vector<1x16xf32> to vector<16xf32>
        %parallel_loop3A_169 = vector.shape_cast %parallel_loop3A_164 : vector<16xf32> to vector<1x16xf32>
        tpu.vector_store %arg10[%parallel_loop3A_165, %parallel_loop3A_166], %parallel_loop3A_169 {strides = array<i32>} : memref<384x32xf32, #tpu.memory_space<vmem>>, vector<1x16xf32>,
      } {sc.loop_unroll_factor = 8 : i64, sc.parallel_access}
      %run_scoped3A = arith.constant 1 : i32
      "tpu.region"() ({
        %run_scoped3A_136 = tpu.sem_alloc : memref<!tpu.dma_semaphore, #tpu.memory_space<semaphore_mem>>
        %dma_start3A_137 = arith.constant 0 : i32
        %dma_start3A_138 = tpu.memref_slice %arg8[%run_scoped3A, %dma_start3A_137] : memref<2x384xi32, #tpu.memory_space<vmem>> -> memref<1x384xi32, #tpu.memory_space<vmem>>
        %dma_start3A_139 = tpu.memref_squeeze %dma_start3A_138 : memref<1x384xi32, #tpu.memory_space<vmem>> -> memref<384xi32, #tpu.memory_space<vmem>>
        %dma_start3A_140 = arith.constant 0 : i32
        %dma_start3A_141 = arith.constant 0 : i32
        %dma_start3A_142 = tpu.memref_slice %arg15[%dma_start3A_140, %dma_start3A_141] : memref<10112x32xf32, #tpu.memory_space<vmem_shared>> -> memref<10112x32xf32, #tpu.memory_space<vmem_shared>>
        tpu.enqueue_indirect_dma source(%arg10 : memref<384x32xf32, #tpu.memory_space<vmem>>) target(%dma_start3A_142 : memref<10112x32xf32, #tpu.memory_space<vmem_shared>>) offsets(%dma_start3A_139 : memref<384xi32, #tpu.memory_space<vmem>>) semaphore(%run_scoped3A_136 : memref<!tpu.dma_semaphore, #tpu.memory_space<semaphore_mem>>) {add = true}
        %dma_wait3A_143 = arith.constant 0 : i32
        %dma_wait3A_144 = tpu.memref_slice %arg8[%run_scoped3A, %dma_wait3A_143] : memref<2x384xi32, #tpu.memory_space<vmem>> -> memref<1x384xi32, #tpu.memory_space<vmem>>
        %dma_wait3A_145 = tpu.memref_squeeze %dma_wait3A_144 : memref<1x384xi32, #tpu.memory_space<vmem>> -> memref<384xi32, #tpu.memory_space<vmem>>
        %dma_wait3A_146 = arith.constant 0 : i32
        %dma_wait3A_147 = arith.constant 0 : i32
        %dma_wait3A_148 = tpu.memref_slice %arg15[%dma_wait3A_146, %dma_wait3A_147] : memref<10112x32xf32, #tpu.memory_space<vmem_shared>> -> memref<10112x32xf32, #tpu.memory_space<vmem_shared>>
        tpu.wait_indirect_dma semaphore(%run_scoped3A_136 : memref<!tpu.dma_semaphore, #tpu.memory_space<semaphore_mem>>) src(%arg10 : memref<384x32xf32, #tpu.memory_space<vmem>>) dst(%dma_wait3A_148 : memref<10112x32xf32, #tpu.memory_space<vmem_shared>>)
        tpu.yield
      }) : () -> ()
      %mul3A_94 = arith.constant 2 : i32
      %mul3A_95 = arith.muli %mul3A_94, %add3A_54 : i32
      %add3A_96 = arith.constant 2 : i32
      %add3A_97 = arith.addi %mul3A_95, %add3A_96 : i32
      %min3A = arith.constant 27 : i32
      %min3A_98 = arith.minsi %add3A_97, %min3A : i32
      %mul3A_99 = arith.constant 28 : i32
      %mul3A_100 = arith.muli %add3A, %mul3A_99 : i32
      %add3A_101 = arith.addi %mul3A_100, %min3A_98 : i32
      %mul3A_102 = arith.constant 2 : i32
      %mul3A_103 = arith.muli %add3A_101, %mul3A_102 : i32
      "tpu.region"() ({
        %run_scoped3A_136 = tpu.sem_alloc : memref<!tpu.dma_semaphore, #tpu.memory_space<semaphore_mem>>
        %dma_start3A_137 = arith.constant 0 : i32
        %dma_start3A_138 = tpu.memref_slice %arg5[%mul3A_103, %dma_start3A_137] : memref<1792x384xi32, #tpu.memory_space<hbm>> -> memref<2x384xi32, #tpu.memory_space<hbm>>
        %dma_start3A_139 = arith.constant 0 : i32
        %dma_start3A_140 = tpu.memref_slice %arg5[%mul3A_103, %dma_start3A_139] : memref<1792x384xi32, #tpu.memory_space<hbm>> -> memref<2x384xi32, #tpu.memory_space<hbm>>
        tpu.enqueue_dma source(%dma_start3A_140 : memref<2x384xi32, #tpu.memory_space<hbm>>) target(%arg8 : memref<2x384xi32, #tpu.memory_space<vmem>>) target_semaphore(%run_scoped3A_136 : memref<!tpu.dma_semaphore, #tpu.memory_space<semaphore_mem>>)
        %dma_wait3A_141 = arith.constant 0 : i32
        %dma_wait3A_142 = tpu.memref_slice %arg5[%mul3A_103, %dma_wait3A_141] : memref<1792x384xi32, #tpu.memory_space<hbm>> -> memref<2x384xi32, #tpu.memory_space<hbm>>
        %dma_wait3A_143 = arith.constant 0 : i32
        %dma_wait3A_144 = tpu.memref_slice %arg5[%mul3A_103, %dma_wait3A_143] : memref<1792x384xi32, #tpu.memory_space<hbm>> -> memref<2x384xi32, #tpu.memory_space<hbm>>
        tpu.wait_dma2 semaphore(%run_scoped3A_136 : memref<!tpu.dma_semaphore, #tpu.memory_space<semaphore_mem>>) src(%dma_wait3A_144 : memref<2x384xi32, #tpu.memory_space<hbm>>) dst(%arg8 : memref<2x384xi32, #tpu.memory_space<vmem>>)
        tpu.yield
      }) : () -> ()
      %dma_start3A_104 = arith.constant 0 : i32
      %dma_start3A_105 = arith.constant 0 : i32
      %dma_start3A_106 = tpu.memref_slice %arg8[%dma_start3A_104, %dma_start3A_105] : memref<2x384xi32, #tpu.memory_space<vmem>> -> memref<1x384xi32, #tpu.memory_space<vmem>>
      %dma_start3A_107 = tpu.memref_squeeze %dma_start3A_106 : memref<1x384xi32, #tpu.memory_space<vmem>> -> memref<384xi32, #tpu.memory_space<vmem>>
      %dma_start3A_108 = arith.constant 0 : i32
      %dma_start3A_109 = arith.constant 0 : i32
      %dma_start3A_110 = tpu.memref_slice %arg2[%dma_start3A_108, %dma_start3A_109] : memref<10112x32xf32, #tpu.memory_space<hbm>> -> memref<10112x32xf32, #tpu.memory_space<hbm>>
      tpu.enqueue_indirect_dma source(%dma_start3A_110 : memref<10112x32xf32, #tpu.memory_space<hbm>>) target(%arg10 : memref<384x32xf32, #tpu.memory_space<vmem>>) offsets(%dma_start3A_107 : memref<384xi32, #tpu.memory_space<vmem>>) semaphore(%arg16 : memref<!tpu.dma_semaphore, #tpu.memory_space<semaphore_mem>>)
      %dma_start3A_111 = arith.constant 1 : i32
      %dma_start3A_112 = arith.constant 0 : i32
      %dma_start3A_113 = tpu.memref_slice %arg8[%dma_start3A_111, %dma_start3A_112] : memref<2x384xi32, #tpu.memory_space<vmem>> -> memref<1x384xi32, #tpu.memory_space<vmem>>
      %dma_start3A_114 = tpu.memref_squeeze %dma_start3A_113 : memref<1x384xi32, #tpu.memory_space<vmem>> -> memref<384xi32, #tpu.memory_space<vmem>>
      %dma_start3A_115 = arith.constant 0 : i32
      %dma_start3A_116 = arith.constant 0 : i32
      %dma_start3A_117 = tpu.memref_slice %arg3[%dma_start3A_115, %dma_start3A_116] : memref<10112x16xf32, #tpu.memory_space<hbm>> -> memref<10112x16xf32, #tpu.memory_space<hbm>>
      tpu.enqueue_indirect_dma source(%dma_start3A_117 : memref<10112x16xf32, #tpu.memory_space<hbm>>) target(%arg12 : memref<384x16xf32, #tpu.memory_space<vmem>>) offsets(%dma_start3A_114 : memref<384xi32, #tpu.memory_space<vmem>>) semaphore(%arg16 : memref<!tpu.dma_semaphore, #tpu.memory_space<semaphore_mem>>)
      %dma_wait3A_118 = arith.constant 0 : i32
      %dma_wait3A_119 = arith.constant 0 : i32
      %dma_wait3A_120 = tpu.memref_slice %arg9[%dma_wait3A_118, %dma_wait3A_119] : memref<2x384xi32, #tpu.memory_space<vmem>> -> memref<1x384xi32, #tpu.memory_space<vmem>>
      %dma_wait3A_121 = tpu.memref_squeeze %dma_wait3A_120 : memref<1x384xi32, #tpu.memory_space<vmem>> -> memref<384xi32, #tpu.memory_space<vmem>>
      %dma_wait3A_122 = arith.constant 0 : i32
      %dma_wait3A_123 = arith.constant 0 : i32
      %dma_wait3A_124 = tpu.memref_slice %arg2[%dma_wait3A_122, %dma_wait3A_123] : memref<10112x32xf32, #tpu.memory_space<hbm>> -> memref<10112x32xf32, #tpu.memory_space<hbm>>
      tpu.wait_indirect_dma semaphore(%arg17 : memref<!tpu.dma_semaphore, #tpu.memory_space<semaphore_mem>>) src(%dma_wait3A_124 : memref<10112x32xf32, #tpu.memory_space<hbm>>) dst(%arg11 : memref<384x32xf32, #tpu.memory_space<vmem>>)
      %dma_wait3A_125 = arith.constant 1 : i32
      %dma_wait3A_126 = arith.constant 0 : i32
      %dma_wait3A_127 = tpu.memref_slice %arg9[%dma_wait3A_125, %dma_wait3A_126] : memref<2x384xi32, #tpu.memory_space<vmem>> -> memref<1x384xi32, #tpu.memory_space<vmem>>
      %dma_wait3A_128 = tpu.memref_squeeze %dma_wait3A_127 : memref<1x384xi32, #tpu.memory_space<vmem>> -> memref<384xi32, #tpu.memory_space<vmem>>
      %dma_wait3A_129 = arith.constant 0 : i32
      %dma_wait3A_130 = arith.constant 0 : i32
      %dma_wait3A_131 = tpu.memref_slice %arg3[%dma_wait3A_129, %dma_wait3A_130] : memref<10112x16xf32, #tpu.memory_space<hbm>> -> memref<10112x16xf32, #tpu.memory_space<hbm>>
      tpu.wait_indirect_dma semaphore(%arg17 : memref<!tpu.dma_semaphore, #tpu.memory_space<semaphore_mem>>) src(%dma_wait3A_131 : memref<10112x16xf32, #tpu.memory_space<hbm>>) dst(%arg13 : memref<384x16xf32, #tpu.memory_space<vmem>>)
      %parallel_loop3A_132 = arith.constant 0 : i32
      %parallel_loop3A_133 = arith.constant 384 : i32
      %parallel_loop3A_134 = arith.constant 1 : i32
      scf.for %parallel_loop3A_136 = %parallel_loop3A_132 to %parallel_loop3A_133 step %parallel_loop3A_134  : i32 {
        %parallel_loop3A_137 = arith.index_cast %parallel_loop3A_136 : i32 to index
        %parallel_loop3A_138 = arith.constant 0 : index
        %parallel_loop3A_139 = tpu.vector_load %arg11[%parallel_loop3A_137, %parallel_loop3A_138] {strides = array<i32>} : memref<384x32xf32, #tpu.memory_space<vmem>>, vector<1x16xf32>,
        %parallel_loop3A_140 = vector.shape_cast %parallel_loop3A_139 : vector<1x16xf32> to vector<16xf32>
        %parallel_loop3A_141 = arith.index_cast %parallel_loop3A_136 : i32 to index
        %parallel_loop3A_142 = arith.constant 0 : index
        %parallel_loop3A_143 = tpu.vector_load %arg13[%parallel_loop3A_141, %parallel_loop3A_142] {strides = array<i32>} : memref<384x16xf32, #tpu.memory_space<vmem>>, vector<1x16xf32>,
        %parallel_loop3A_144 = vector.shape_cast %parallel_loop3A_143 : vector<1x16xf32> to vector<16xf32>
        %parallel_loop3A_145 = arith.addf %parallel_loop3A_140, %parallel_loop3A_144 : vector<16xf32>
        %parallel_loop3A_146 = arith.constant 2.000000e-01 : f32
        %parallel_loop3A_147 = vector.broadcast %parallel_loop3A_146 : f32 to vector<16xf32>
        %parallel_loop3A_148 = arith.mulf %parallel_loop3A_145, %parallel_loop3A_147 : vector<16xf32>
        %parallel_loop3A_149 = arith.maximumf %parallel_loop3A_145, %parallel_loop3A_148 : vector<16xf32>
        %parallel_loop3A_150 = arith.subf %parallel_loop3A_149, %get3A_8 : vector<16xf32>
        %parallel_loop3A_151 = math.exp %parallel_loop3A_150 : vector<16xf32>
        %parallel_loop3A_152 = arith.index_cast %parallel_loop3A_136 : i32 to index
        %parallel_loop3A_153 = arith.constant 0 : index
        %parallel_loop3A_154 = tpu.vector_load %arg11[%parallel_loop3A_152, %parallel_loop3A_153] {strides = array<i32>} : memref<384x32xf32, #tpu.memory_space<vmem>>, vector<1x16xf32>,
        %parallel_loop3A_155 = vector.shape_cast %parallel_loop3A_154 : vector<1x16xf32> to vector<16xf32>
        %parallel_loop3A_156 = vector.shape_cast %parallel_loop3A_151 : vector<16xf32> to vector<1x16xf32>
        tpu.vector_store %arg11[%parallel_loop3A_152, %parallel_loop3A_153], %parallel_loop3A_156 {strides = array<i32>} : memref<384x32xf32, #tpu.memory_space<vmem>>, vector<1x16xf32>,
        %parallel_loop3A_157 = vector.extract_strided_slice %parallel_loop3A_151 {offsets = [0], sizes = [1], strides = [1]} : vector<16xf32> to vector<1xf32>
        %parallel_loop3A_158 = vector.extract %parallel_loop3A_157[0] : f32 from vector<1xf32>
        %parallel_loop3A_159 = vector.broadcast %parallel_loop3A_158 : f32 to vector<16xf32>
        %parallel_loop3A_160 = arith.index_cast %parallel_loop3A_136 : i32 to index
        %parallel_loop3A_161 = arith.constant 16 : index
        %parallel_loop3A_162 = tpu.vector_load %arg11[%parallel_loop3A_160, %parallel_loop3A_161] {strides = array<i32>} : memref<384x32xf32, #tpu.memory_space<vmem>>, vector<1x16xf32>,
        %parallel_loop3A_163 = vector.shape_cast %parallel_loop3A_162 : vector<1x16xf32> to vector<16xf32>
        %parallel_loop3A_164 = arith.mulf %parallel_loop3A_163, %parallel_loop3A_159 : vector<16xf32>
        %parallel_loop3A_165 = arith.index_cast %parallel_loop3A_136 : i32 to index
        %parallel_loop3A_166 = arith.constant 16 : index
        %parallel_loop3A_167 = tpu.vector_load %arg11[%parallel_loop3A_165, %parallel_loop3A_166] {strides = array<i32>} : memref<384x32xf32, #tpu.memory_space<vmem>>, vector<1x16xf32>,
        %parallel_loop3A_168 = vector.shape_cast %parallel_loop3A_167 : vector<1x16xf32> to vector<16xf32>
        %parallel_loop3A_169 = vector.shape_cast %parallel_loop3A_164 : vector<16xf32> to vector<1x16xf32>
        tpu.vector_store %arg11[%parallel_loop3A_165, %parallel_loop3A_166], %parallel_loop3A_169 {strides = array<i32>} : memref<384x32xf32, #tpu.memory_space<vmem>>, vector<1x16xf32>,
      } {sc.loop_unroll_factor = 8 : i64, sc.parallel_access}
      %run_scoped3A_135 = arith.constant 1 : i32
      "tpu.region"() ({
        %run_scoped3A_136 = tpu.sem_alloc : memref<!tpu.dma_semaphore, #tpu.memory_space<semaphore_mem>>
        %dma_start3A_137 = arith.constant 0 : i32
        %dma_start3A_138 = tpu.memref_slice %arg9[%run_scoped3A_135, %dma_start3A_137] : memref<2x384xi32, #tpu.memory_space<vmem>> -> memref<1x384xi32, #tpu.memory_space<vmem>>
        %dma_start3A_139 = tpu.memref_squeeze %dma_start3A_138 : memref<1x384xi32, #tpu.memory_space<vmem>> -> memref<384xi32, #tpu.memory_space<vmem>>
        %dma_start3A_140 = arith.constant 0 : i32
        %dma_start3A_141 = arith.constant 0 : i32
        %dma_start3A_142 = tpu.memref_slice %arg15[%dma_start3A_140, %dma_start3A_141] : memref<10112x32xf32, #tpu.memory_space<vmem_shared>> -> memref<10112x32xf32, #tpu.memory_space<vmem_shared>>
        tpu.enqueue_indirect_dma source(%arg11 : memref<384x32xf32, #tpu.memory_space<vmem>>) target(%dma_start3A_142 : memref<10112x32xf32, #tpu.memory_space<vmem_shared>>) offsets(%dma_start3A_139 : memref<384xi32, #tpu.memory_space<vmem>>) semaphore(%run_scoped3A_136 : memref<!tpu.dma_semaphore, #tpu.memory_space<semaphore_mem>>) {add = true}
        %dma_wait3A_143 = arith.constant 0 : i32
        %dma_wait3A_144 = tpu.memref_slice %arg9[%run_scoped3A_135, %dma_wait3A_143] : memref<2x384xi32, #tpu.memory_space<vmem>> -> memref<1x384xi32, #tpu.memory_space<vmem>>
        %dma_wait3A_145 = tpu.memref_squeeze %dma_wait3A_144 : memref<1x384xi32, #tpu.memory_space<vmem>> -> memref<384xi32, #tpu.memory_space<vmem>>
        %dma_wait3A_146 = arith.constant 0 : i32
        %dma_wait3A_147 = arith.constant 0 : i32
        %dma_wait3A_148 = tpu.memref_slice %arg15[%dma_wait3A_146, %dma_wait3A_147] : memref<10112x32xf32, #tpu.memory_space<vmem_shared>> -> memref<10112x32xf32, #tpu.memory_space<vmem_shared>>
        tpu.wait_indirect_dma semaphore(%run_scoped3A_136 : memref<!tpu.dma_semaphore, #tpu.memory_space<semaphore_mem>>) src(%arg11 : memref<384x32xf32, #tpu.memory_space<vmem>>) dst(%dma_wait3A_148 : memref<10112x32xf32, #tpu.memory_space<vmem_shared>>)
        tpu.yield
      }) : () -> ()
    }
    %scan3A_31 = arith.constant 14 : i32
    %dma_wait3A = arith.constant 0 : i32
    %dma_wait3A_32 = arith.constant 0 : i32
    %dma_wait3A_33 = tpu.memref_slice %arg8[%dma_wait3A, %dma_wait3A_32] : memref<2x384xi32, #tpu.memory_space<vmem>> -> memref<1x384xi32, #tpu.memory_space<vmem>>
    %dma_wait3A_34 = tpu.memref_squeeze %dma_wait3A_33 : memref<1x384xi32, #tpu.memory_space<vmem>> -> memref<384xi32, #tpu.memory_space<vmem>>
    %dma_wait3A_35 = arith.constant 0 : i32
    %dma_wait3A_36 = arith.constant 0 : i32
    %dma_wait3A_37 = tpu.memref_slice %arg2[%dma_wait3A_35, %dma_wait3A_36] : memref<10112x32xf32, #tpu.memory_space<hbm>> -> memref<10112x32xf32, #tpu.memory_space<hbm>>
    tpu.wait_indirect_dma semaphore(%arg16 : memref<!tpu.dma_semaphore, #tpu.memory_space<semaphore_mem>>) src(%dma_wait3A_37 : memref<10112x32xf32, #tpu.memory_space<hbm>>) dst(%arg10 : memref<384x32xf32, #tpu.memory_space<vmem>>)
    %dma_wait3A_38 = arith.constant 1 : i32
    %dma_wait3A_39 = arith.constant 0 : i32
    %dma_wait3A_40 = tpu.memref_slice %arg8[%dma_wait3A_38, %dma_wait3A_39] : memref<2x384xi32, #tpu.memory_space<vmem>> -> memref<1x384xi32, #tpu.memory_space<vmem>>
    %dma_wait3A_41 = tpu.memref_squeeze %dma_wait3A_40 : memref<1x384xi32, #tpu.memory_space<vmem>> -> memref<384xi32, #tpu.memory_space<vmem>>
    %dma_wait3A_42 = arith.constant 0 : i32
    %dma_wait3A_43 = arith.constant 0 : i32
    %dma_wait3A_44 = tpu.memref_slice %arg3[%dma_wait3A_42, %dma_wait3A_43] : memref<10112x16xf32, #tpu.memory_space<hbm>> -> memref<10112x16xf32, #tpu.memory_space<hbm>>
    tpu.wait_indirect_dma semaphore(%arg16 : memref<!tpu.dma_semaphore, #tpu.memory_space<semaphore_mem>>) src(%dma_wait3A_44 : memref<10112x16xf32, #tpu.memory_space<hbm>>) dst(%arg12 : memref<384x16xf32, #tpu.memory_space<vmem>>)
    %barrier3A_45 = arith.constant 0 : index
    tpu.barrier barrier_id(%barrier3A_45)
    %mul3A_46 = arith.constant 632 : i32
    %mul3A_47 = arith.muli %arg1, %mul3A_46 : i32
    %mul3A_48 = arith.constant 632 : i32
    %mul3A_49 = arith.muli %arg1, %mul3A_48 : i32
    "tpu.region"() ({
      %run_scoped3A = tpu.sem_alloc : memref<!tpu.dma_semaphore, #tpu.memory_space<semaphore_mem>>
      %dma_start3A_50 = arith.constant 0 : i32
      %dma_start3A_51 = tpu.memref_slice %arg7[%arg0, %mul3A_49, %dma_start3A_50] : memref<2x10112x32xf32, #tpu.memory_space<hbm>> -> memref<1x632x32xf32, #tpu.memory_space<hbm>>
      %dma_start3A_52 = tpu.memref_squeeze %dma_start3A_51 : memref<1x632x32xf32, #tpu.memory_space<hbm>> -> memref<632x32xf32, #tpu.memory_space<hbm>>
      %dma_start3A_53 = arith.constant 0 : i32
      %dma_start3A_54 = tpu.memref_slice %arg15[%mul3A_47, %dma_start3A_53] : memref<10112x32xf32, #tpu.memory_space<vmem_shared>> -> memref<632x32xf32, #tpu.memory_space<vmem_shared>>
      tpu.enqueue_dma source(%dma_start3A_54 : memref<632x32xf32, #tpu.memory_space<vmem_shared>>) target(%dma_start3A_52 : memref<632x32xf32, #tpu.memory_space<hbm>>) target_semaphore(%run_scoped3A : memref<!tpu.dma_semaphore, #tpu.memory_space<semaphore_mem>>)
      %dma_wait3A_55 = arith.constant 0 : i32
      %dma_wait3A_56 = tpu.memref_slice %arg7[%arg0, %mul3A_49, %dma_wait3A_55] : memref<2x10112x32xf32, #tpu.memory_space<hbm>> -> memref<1x632x32xf32, #tpu.memory_space<hbm>>
      %dma_wait3A_57 = tpu.memref_squeeze %dma_wait3A_56 : memref<1x632x32xf32, #tpu.memory_space<hbm>> -> memref<632x32xf32, #tpu.memory_space<hbm>>
      %dma_wait3A_58 = arith.constant 0 : i32
      %dma_wait3A_59 = tpu.memref_slice %arg15[%mul3A_47, %dma_wait3A_58] : memref<10112x32xf32, #tpu.memory_space<vmem_shared>> -> memref<632x32xf32, #tpu.memory_space<vmem_shared>>
      tpu.wait_dma2 semaphore(%run_scoped3A : memref<!tpu.dma_semaphore, #tpu.memory_space<semaphore_mem>>) src(%dma_wait3A_59 : memref<632x32xf32, #tpu.memory_space<vmem_shared>>) dst(%dma_wait3A_57 : memref<632x32xf32, #tpu.memory_space<hbm>>)
      tpu.yield
    }) : () -> ()
    return
  }
}

module attributes {stable_mosaic.version = 14 : i64} {
  func.func @_prep_body(%arg0: memref<10112x128xf32, #tpu.memory_space<vmem>>, %arg1: memref<128x128xf32, #tpu.memory_space<vmem>>, %arg2: memref<128x8xf32, #tpu.memory_space<vmem>>, %arg3: memref<128x8xf32, #tpu.memory_space<vmem>>, %arg4: memref<10112x144xf32, #tpu.memory_space<vmem>>, %arg5: memref<10112x16xf32, #tpu.memory_space<vmem>>, %arg6: memref<1x16xf32, #tpu.memory_space<vmem>>) attributes {dimension_semantics = [], scalar_prefetch = 0 : i64, scratch_operands = 0 : i64, tpu.core_type = #tpu.core_type<tc>} {
    %get3A = arith.constant 0 : index
    %get3A_0 = arith.constant 0 : index
    %get3A_1 = vector.load %arg0[%get3A, %get3A_0] : memref<10112x128xf32, #tpu.memory_space<vmem>>, vector<10112x128xf32>
    %get3A_2 = arith.constant 0 : index
    %get3A_3 = arith.constant 0 : index
    %get3A_4 = vector.load %arg1[%get3A_2, %get3A_3] : memref<128x128xf32, #tpu.memory_space<vmem>>, vector<128x128xf32>
    %dot_general3A = arith.constant dense<0.000000e+00> : vector<10112x128xf32>
    %dot_general3A_5 = tpu.matmul %get3A_1, %get3A_4, %dot_general3A {dimension_numbers = #tpu.dot_dimension_numbers<[1], [0], [0], [1], [0, 0, 1, 1], [], []>, precision = #tpu.contract_precision<fp32>, transpose_lhs_hint = false} : vector<10112x128xf32>, vector<128x128xf32>, vector<10112x128xf32> -> vector<10112x128xf32>
    %get3A_6 = arith.constant 0 : index
    %get3A_7 = arith.constant 0 : index
    %get3A_8 = vector.load %arg2[%get3A_6, %get3A_7] : memref<128x8xf32, #tpu.memory_space<vmem>>, vector<128x8xf32>
    %dot_general3A_9 = arith.constant dense<0.000000e+00> : vector<10112x8xf32>
    %dot_general3A_10 = tpu.matmul %dot_general3A_5, %get3A_8, %dot_general3A_9 {dimension_numbers = #tpu.dot_dimension_numbers<[1], [0], [0], [1], [0, 0, 1, 1], [], []>, precision = #tpu.contract_precision<fp32>, transpose_lhs_hint = false} : vector<10112x128xf32>, vector<128x8xf32>, vector<10112x8xf32> -> vector<10112x8xf32>
    %get3A_11 = arith.constant 0 : index
    %get3A_12 = arith.constant 0 : index
    %get3A_13 = vector.load %arg3[%get3A_11, %get3A_12] : memref<128x8xf32, #tpu.memory_space<vmem>>, vector<128x8xf32>
    %dot_general3A_14 = arith.constant dense<0.000000e+00> : vector<10112x8xf32>
    %dot_general3A_15 = tpu.matmul %dot_general3A_5, %get3A_13, %dot_general3A_14 {dimension_numbers = #tpu.dot_dimension_numbers<[1], [0], [0], [1], [0, 0, 1, 1], [], []>, precision = #tpu.contract_precision<fp32>, transpose_lhs_hint = false} : vector<10112x128xf32>, vector<128x8xf32>, vector<10112x8xf32> -> vector<10112x8xf32>
    %broadcast_in_dim3A = arith.constant -1.000000e+30 : f32
    %broadcast_in_dim3A_16 = vector.broadcast %broadcast_in_dim3A : f32 to vector<10112x8xf32>
    %concatenate3A = tpu.concatenate %dot_general3A_10, %broadcast_in_dim3A_16, %dot_general3A_5 in 1 : vector<10112x8xf32>, vector<10112x8xf32>, vector<10112x128xf32> -> vector<10112x144xf32>
    %swap3A = arith.constant 0 : index
    %swap3A_17 = arith.constant 0 : index
    %swap3A_18 = vector.load %arg4[%swap3A, %swap3A_17] : memref<10112x144xf32, #tpu.memory_space<vmem>>, vector<10112x144xf32>
    tpu.vector_store %arg4[%swap3A, %swap3A_17], %concatenate3A {strides = array<i32>} : memref<10112x144xf32, #tpu.memory_space<vmem>>, vector<10112x144xf32>,
    %concatenate3A_19 = tpu.concatenate %dot_general3A_15, %broadcast_in_dim3A_16 in 1 : vector<10112x8xf32>, vector<10112x8xf32> -> vector<10112x16xf32>
    %swap3A_20 = arith.constant 0 : index
    %swap3A_21 = arith.constant 0 : index
    %swap3A_22 = vector.load %arg5[%swap3A_20, %swap3A_21] : memref<10112x16xf32, #tpu.memory_space<vmem>>, vector<10112x16xf32>
    tpu.vector_store %arg5[%swap3A_20, %swap3A_21], %concatenate3A_19 {strides = array<i32>} : memref<10112x16xf32, #tpu.memory_space<vmem>>, vector<10112x16xf32>,
    %reduce_max3A = arith.constant dense<0xFF800000> : vector<8xf32>
    %reduce_max3A_23 = vector.multi_reduction <maximumf>, %dot_general3A_10, %reduce_max3A [0] : vector<10112x8xf32> to vector<8xf32>
    %reduce_max3A_24 = arith.constant dense<0xFF800000> : vector<8xf32>
    %reduce_max3A_25 = vector.multi_reduction <maximumf>, %dot_general3A_15, %reduce_max3A_24 [0] : vector<10112x8xf32> to vector<8xf32>
    %add3A = arith.addf %reduce_max3A_23, %reduce_max3A_25 : vector<8xf32>
    %broadcast_in_dim3A_26 = arith.constant 0.000000e+00 : f32
    %broadcast_in_dim3A_27 = vector.broadcast %broadcast_in_dim3A_26 : f32 to vector<8xf32>
    %concatenate3A_28 = tpu.concatenate %add3A, %broadcast_in_dim3A_27 in 0 : vector<8xf32>, vector<8xf32> -> vector<16xf32>
    %broadcast_in_dim3A_29 = vector.shape_cast %concatenate3A_28 : vector<16xf32> to vector<1x16xf32>
    %swap3A_30 = arith.constant 0 : index
    %swap3A_31 = arith.constant 0 : index
    %swap3A_32 = vector.load %arg6[%swap3A_30, %swap3A_31] : memref<1x16xf32, #tpu.memory_space<vmem>>, vector<1x16xf32>
    tpu.vector_store %arg6[%swap3A_30, %swap3A_31], %broadcast_in_dim3A_29 {strides = array<i32>} : memref<1x16xf32, #tpu.memory_space<vmem>>, vector<1x16xf32>,
    return
  }
}

module attributes {stable_mosaic.version = 14 : i64} {
  func.func @_mid_body(%arg0: i32, %arg1: memref<2x1264x144xf32, #tpu.memory_space<vmem>>, %arg2: memref<1x128xf32, #tpu.memory_space<vmem>>, %arg3: memref<128x2xf32, #tpu.memory_space<vmem>>, %arg4: memref<2x1xf32, #tpu.memory_space<vmem>>, %arg5: memref<2x1xf32, #tpu.memory_space<vmem>>, %arg6: memref<1264x32xf32, #tpu.memory_space<vmem>>, %arg7: memref<1264x16xf32, #tpu.memory_space<vmem>>, %arg8: memref<1x16xf32, #tpu.memory_space<vmem>>, %arg9: memref<1x16xf32, #tpu.memory_space<vmem>>, %arg10: memref<1x16xf32, #tpu.memory_space<vmem>>) attributes {dimension_semantics = [#tpu.dimension_semantics<arbitrary>], iteration_bounds = array<i64: 8>, scalar_prefetch = 0 : i64, scratch_operands = 2 : i64, tpu.core_type = #tpu.core_type<tc>, window_params = [{transform_indices = @transform_0, window_bounds = array<i64: 2, 1264, 144>}, {pipeline_mode = #tpu.pipeline_mode<synchronous>, transform_indices = @transform_1, window_bounds = array<i64: 1, 128>}, {pipeline_mode = #tpu.pipeline_mode<synchronous>, transform_indices = @transform_2, window_bounds = array<i64: 128, 2>}, {pipeline_mode = #tpu.pipeline_mode<synchronous>, transform_indices = @transform_3, window_bounds = array<i64: 2, 1>}, {pipeline_mode = #tpu.pipeline_mode<synchronous>, transform_indices = @transform_4, window_bounds = array<i64: 2, 1>}, {transform_indices = @transform_5, window_bounds = array<i64: 1264, 32>}, {transform_indices = @transform_6, window_bounds = array<i64: 1264, 16>}, {pipeline_mode = #tpu.pipeline_mode<synchronous>, transform_indices = @transform_7, window_bounds = array<i64: 1, 16>}]} {
    %eq3A = arith.constant 0 : i32
    %eq3A_0 = arith.cmpi eq, %arg0, %eq3A : i32
    %convert_element_type3A = arith.extui %eq3A_0 : i1 to i32
    %cond3A = arith.constant 0 : i32
    %cond3A_1 = arith.cmpi ne, %convert_element_type3A, %cond3A : i32
    scf.if %cond3A_1 {
      %broadcast_in_dim3A_99 = arith.constant -1.000000e+30 : f32
      %broadcast_in_dim3A_100 = vector.broadcast %broadcast_in_dim3A_99 : f32 to vector<1x16xf32>
      %swap3A_101 = arith.constant 0 : index
      %swap3A_102 = arith.constant 0 : index
      %swap3A_103 = vector.load %arg9[%swap3A_101, %swap3A_102] : memref<1x16xf32, #tpu.memory_space<vmem>>, vector<1x16xf32>
      tpu.vector_store %arg9[%swap3A_101, %swap3A_102], %broadcast_in_dim3A_100 {strides = array<i32>} : memref<1x16xf32, #tpu.memory_space<vmem>>, vector<1x16xf32>,
      %broadcast_in_dim3A_104 = arith.constant -1.000000e+30 : f32
      %broadcast_in_dim3A_105 = vector.broadcast %broadcast_in_dim3A_104 : f32 to vector<1x16xf32>
      %swap3A_106 = arith.constant 0 : index
      %swap3A_107 = arith.constant 0 : index
      %swap3A_108 = vector.load %arg10[%swap3A_106, %swap3A_107] : memref<1x16xf32, #tpu.memory_space<vmem>>, vector<1x16xf32>
      tpu.vector_store %arg10[%swap3A_106, %swap3A_107], %broadcast_in_dim3A_105 {strides = array<i32>} : memref<1x16xf32, #tpu.memory_space<vmem>>, vector<1x16xf32>,
    } else {
    }
    %get3A = arith.constant 0 : index
    %get3A_2 = arith.constant 0 : index
    %get3A_3 = arith.constant 0 : index
    %get3A_4 = vector.load %arg1[%get3A, %get3A_2, %get3A_3] : memref<2x1264x144xf32, #tpu.memory_space<vmem>>, vector<1x1264x16xf32>
    %get3A_5 = vector.shape_cast %get3A_4 : vector<1x1264x16xf32> to vector<1264x16xf32>
    %get3A_6 = arith.constant 1 : index
    %get3A_7 = arith.constant 0 : index
    %get3A_8 = arith.constant 0 : index
    %get3A_9 = vector.load %arg1[%get3A_6, %get3A_7, %get3A_8] : memref<2x1264x144xf32, #tpu.memory_space<vmem>>, vector<1x1264x16xf32>
    %get3A_10 = vector.shape_cast %get3A_9 : vector<1x1264x16xf32> to vector<1264x16xf32>
    %add3A = arith.addf %get3A_5, %get3A_10 : vector<1264x16xf32>
    %get3A_11 = arith.constant 0 : index
    %get3A_12 = arith.constant 0 : index
    %get3A_13 = arith.constant 16 : index
    %get3A_14 = vector.load %arg1[%get3A_11, %get3A_12, %get3A_13] : memref<2x1264x144xf32, #tpu.memory_space<vmem>>, vector<1x1264x128xf32>
    %get3A_15 = vector.shape_cast %get3A_14 : vector<1x1264x128xf32> to vector<1264x128xf32>
    %get3A_16 = arith.constant 1 : index
    %get3A_17 = arith.constant 0 : index
    %get3A_18 = arith.constant 16 : index
    %get3A_19 = vector.load %arg1[%get3A_16, %get3A_17, %get3A_18] : memref<2x1264x144xf32, #tpu.memory_space<vmem>>, vector<1x1264x128xf32>
    %get3A_20 = vector.shape_cast %get3A_19 : vector<1x1264x128xf32> to vector<1264x128xf32>
    %add3A_21 = arith.addf %get3A_15, %get3A_20 : vector<1264x128xf32>
    %slice3A = vector.extract_strided_slice %add3A {offsets = [0, 0], sizes = [1264, 8], strides = [1, 1]} : vector<1264x16xf32> to vector<1264x8xf32>
    %add3A_22 = arith.constant 1.000000e-16 : f32
    %add3A_23 = vector.broadcast %add3A_22 : f32 to vector<1264x8xf32>
    %add3A_24 = arith.addf %slice3A, %add3A_23 : vector<1264x8xf32>
    %div3A = arith.constant 1.000000e+00 : f32
    %div3A_25 = vector.broadcast %div3A : f32 to vector<1264x8xf32>
    %div3A_26 = arith.divf %div3A_25, %add3A_24 : vector<1264x8xf32>
    %broadcast_in_dim3A = vector.shape_cast %div3A_26 : vector<1264x8xf32> to vector<1264x8x1xf32>
    %broadcast_in_dim3A_27 = vector.shape_cast %broadcast_in_dim3A : vector<1264x8x1xf32> to vector<1264x8x1xf32>
    %broadcast_in_dim3A_28 = vector.broadcast %broadcast_in_dim3A_27 : vector<1264x8x1xf32> to vector<1264x8x16xf32>
    %reshape3A = vector.shape_cast %broadcast_in_dim3A_28 : vector<1264x8x16xf32> to vector<1264x128xf32>
    %mul3A = arith.mulf %add3A_21, %reshape3A : vector<1264x128xf32>
    %get3A_29 = arith.constant 0 : index
    %get3A_30 = arith.constant 0 : index
    %get3A_31 = vector.load %arg2[%get3A_29, %get3A_30] : memref<1x128xf32, #tpu.memory_space<vmem>>, vector<1x128xf32>
    %add3A_32 = vector.broadcast %get3A_31 : vector<1x128xf32> to vector<1264x128xf32>
    %add3A_33 = arith.addf %mul3A, %add3A_32 : vector<1264x128xf32>
    %gt3A = arith.constant 0.000000e+00 : f32
    %gt3A_34 = vector.broadcast %gt3A : f32 to vector<1264x128xf32>
    %gt3A_35 = arith.cmpf ogt, %add3A_33, %gt3A_34 : vector<1264x128xf32>
    %min3A = arith.constant 0.000000e+00 : f32
    %min3A_36 = vector.broadcast %min3A : f32 to vector<1264x128xf32>
    %min3A_37 = arith.minimumf %add3A_33, %min3A_36 : vector<1264x128xf32>
    %exp3A = math.exp %min3A_37 : vector<1264x128xf32>
    %sub3A = arith.constant 1.000000e+00 : f32
    %sub3A_38 = vector.broadcast %sub3A : f32 to vector<1264x128xf32>
    %sub3A_39 = arith.subf %exp3A, %sub3A_38 : vector<1264x128xf32>
    %select_n3A = arith.select %gt3A_35, %add3A_33, %sub3A_39 : vector<1264x128xi1>, vector<1264x128xf32>
    %get3A_40 = arith.constant 0 : index
    %get3A_41 = arith.constant 0 : index
    %get3A_42 = vector.load %arg3[%get3A_40, %get3A_41] : memref<128x2xf32, #tpu.memory_space<vmem>>, vector<128x2xf32>
    %dot_general3A = arith.constant dense<0.000000e+00> : vector<1264x2xf32>
    %dot_general3A_43 = tpu.matmul %select_n3A, %get3A_42, %dot_general3A {dimension_numbers = #tpu.dot_dimension_numbers<[1], [0], [0], [1], [0, 0, 1, 1], [], []>, precision = #tpu.contract_precision<fp32>, transpose_lhs_hint = false} : vector<1264x128xf32>, vector<128x2xf32>, vector<1264x2xf32> -> vector<1264x2xf32>
    %get3A_44 = arith.constant 0 : index
    %get3A_45 = arith.constant 0 : index
    %get3A_46 = vector.load %arg4[%get3A_44, %get3A_45] : memref<2x1xf32, #tpu.memory_space<vmem>>, vector<2x1xf32>
    %dot_general3A_47 = arith.constant dense<0.000000e+00> : vector<1264x1xf32>
    %dot_general3A_48 = tpu.matmul %dot_general3A_43, %get3A_46, %dot_general3A_47 {dimension_numbers = #tpu.dot_dimension_numbers<[1], [0], [0], [1], [0, 0, 1, 1], [], []>, precision = #tpu.contract_precision<fp32>, transpose_lhs_hint = false} : vector<1264x2xf32>, vector<2x1xf32>, vector<1264x1xf32> -> vector<1264x1xf32>
    %get3A_49 = arith.constant 0 : index
    %get3A_50 = arith.constant 0 : index
    %get3A_51 = vector.load %arg5[%get3A_49, %get3A_50] : memref<2x1xf32, #tpu.memory_space<vmem>>, vector<2x1xf32>
    %dot_general3A_52 = arith.constant dense<0.000000e+00> : vector<1264x1xf32>
    %dot_general3A_53 = tpu.matmul %dot_general3A_43, %get3A_51, %dot_general3A_52 {dimension_numbers = #tpu.dot_dimension_numbers<[1], [0], [0], [1], [0, 0, 1, 1], [], []>, precision = #tpu.contract_precision<fp32>, transpose_lhs_hint = false} : vector<1264x2xf32>, vector<2x1xf32>, vector<1264x1xf32> -> vector<1264x1xf32>
    %broadcast_in_dim3A_54 = arith.constant -1.000000e+30 : f32
    %broadcast_in_dim3A_55 = vector.broadcast %broadcast_in_dim3A_54 : f32 to vector<1264x15xf32>
    %broadcast_in_dim3A_56 = arith.constant 0.000000e+00 : f32
    %broadcast_in_dim3A_57 = vector.broadcast %broadcast_in_dim3A_56 : f32 to vector<1264x14xf32>
    %concatenate3A = tpu.concatenate %dot_general3A_43, %broadcast_in_dim3A_57 in 1 : vector<1264x2xf32>, vector<1264x14xf32> -> vector<1264x16xf32>
    %concatenate3A_58 = tpu.concatenate %dot_general3A_48, %broadcast_in_dim3A_55, %concatenate3A in 1 : vector<1264x1xf32>, vector<1264x15xf32>, vector<1264x16xf32> -> vector<1264x32xf32>
    %swap3A = arith.constant 0 : index
    %swap3A_59 = arith.constant 0 : index
    %swap3A_60 = vector.load %arg6[%swap3A, %swap3A_59] : memref<1264x32xf32, #tpu.memory_space<vmem>>, vector<1264x32xf32>
    tpu.vector_store %arg6[%swap3A, %swap3A_59], %concatenate3A_58 {strides = array<i32>} : memref<1264x32xf32, #tpu.memory_space<vmem>>, vector<1264x32xf32>,
    %concatenate3A_61 = tpu.concatenate %dot_general3A_53, %broadcast_in_dim3A_55 in 1 : vector<1264x1xf32>, vector<1264x15xf32> -> vector<1264x16xf32>
    %swap3A_62 = arith.constant 0 : index
    %swap3A_63 = arith.constant 0 : index
    %swap3A_64 = vector.load %arg7[%swap3A_62, %swap3A_63] : memref<1264x16xf32, #tpu.memory_space<vmem>>, vector<1264x16xf32>
    tpu.vector_store %arg7[%swap3A_62, %swap3A_63], %concatenate3A_61 {strides = array<i32>} : memref<1264x16xf32, #tpu.memory_space<vmem>>, vector<1264x16xf32>,
    %get3A_65 = arith.constant 0 : index
    %get3A_66 = arith.constant 0 : index
    %get3A_67 = vector.load %arg9[%get3A_65, %get3A_66] : memref<1x16xf32, #tpu.memory_space<vmem>>, vector<1x16xf32>
    %reduce_max3A = vector.shape_cast %dot_general3A_48 : vector<1264x1xf32> to vector<1x1264x1xf32>
    %reduce_max3A_68 = arith.constant dense<0xFF800000> : vector<1xf32>
    %reduce_max3A_69 = vector.multi_reduction <maximumf>, %reduce_max3A, %reduce_max3A_68 [1, 2] : vector<1x1264x1xf32> to vector<1xf32>
    %reduce_max3A_70 = vector.shape_cast %reduce_max3A_69 : vector<1xf32> to vector<1x1x1xf32>
    %reduce_max3A_71 = vector.extract %reduce_max3A_70[0, 0, 0] : f32 from vector<1x1x1xf32>
    %max3A = vector.broadcast %reduce_max3A_71 : f32 to vector<1x16xf32>
    %max3A_72 = arith.maximumf %get3A_67, %max3A : vector<1x16xf32>
    %swap3A_73 = arith.constant 0 : index
    %swap3A_74 = arith.constant 0 : index
    %swap3A_75 = vector.load %arg9[%swap3A_73, %swap3A_74] : memref<1x16xf32, #tpu.memory_space<vmem>>, vector<1x16xf32>
    tpu.vector_store %arg9[%swap3A_73, %swap3A_74], %max3A_72 {strides = array<i32>} : memref<1x16xf32, #tpu.memory_space<vmem>>, vector<1x16xf32>,
    %get3A_76 = arith.constant 0 : index
    %get3A_77 = arith.constant 0 : index
    %get3A_78 = vector.load %arg10[%get3A_76, %get3A_77] : memref<1x16xf32, #tpu.memory_space<vmem>>, vector<1x16xf32>
    %reduce_max3A_79 = vector.shape_cast %dot_general3A_53 : vector<1264x1xf32> to vector<1x1264x1xf32>
    %reduce_max3A_80 = arith.constant dense<0xFF800000> : vector<1xf32>
    %reduce_max3A_81 = vector.multi_reduction <maximumf>, %reduce_max3A_79, %reduce_max3A_80 [1, 2] : vector<1x1264x1xf32> to vector<1xf32>
    %reduce_max3A_82 = vector.shape_cast %reduce_max3A_81 : vector<1xf32> to vector<1x1x1xf32>
    %reduce_max3A_83 = vector.extract %reduce_max3A_82[0, 0, 0] : f32 from vector<1x1x1xf32>
    %max3A_84 = vector.broadcast %reduce_max3A_83 : f32 to vector<1x16xf32>
    %max3A_85 = arith.maximumf %get3A_78, %max3A_84 : vector<1x16xf32>
    %swap3A_86 = arith.constant 0 : index
    %swap3A_87 = arith.constant 0 : index
    %swap3A_88 = vector.load %arg10[%swap3A_86, %swap3A_87] : memref<1x16xf32, #tpu.memory_space<vmem>>, vector<1x16xf32>
    tpu.vector_store %arg10[%swap3A_86, %swap3A_87], %max3A_85 {strides = array<i32>} : memref<1x16xf32, #tpu.memory_space<vmem>>, vector<1x16xf32>,
    %get3A_89 = arith.constant 0 : index
    %get3A_90 = arith.constant 0 : index
    %get3A_91 = vector.load %arg9[%get3A_89, %get3A_90] : memref<1x16xf32, #tpu.memory_space<vmem>>, vector<1x16xf32>
    %get3A_92 = arith.constant 0 : index
    %get3A_93 = arith.constant 0 : index
    %get3A_94 = vector.load %arg10[%get3A_92, %get3A_93] : memref<1x16xf32, #tpu.memory_space<vmem>>, vector<1x16xf32>
    %add3A_95 = arith.addf %get3A_91, %get3A_94 : vector<1x16xf32>
    %swap3A_96 = arith.constant 0 : index
    %swap3A_97 = arith.constant 0 : index
    %swap3A_98 = vector.load %arg8[%swap3A_96, %swap3A_97] : memref<1x16xf32, #tpu.memory_space<vmem>>, vector<1x16xf32>
    tpu.vector_store %arg8[%swap3A_96, %swap3A_97], %add3A_95 {strides = array<i32>} : memref<1x16xf32, #tpu.memory_space<vmem>>, vector<1x16xf32>,
    return
  }
  func.func @transform_0(%arg0: i32) -> (i32, i32, i32) {
    %c0_i32 = arith.constant 0 : i32
    %c0_i32_0 = arith.constant 0 : i32
    %c0_i32_1 = arith.constant 0 : i32
    return %c0_i32, %arg0, %c0_i32_0 : i32, i32, i32
  }
  func.func @transform_1(%arg0: i32) -> (i32, i32) {
    %c0_i32 = arith.constant 0 : i32
    %c0_i32_0 = arith.constant 0 : i32
    %c0_i32_1 = arith.constant 0 : i32
    return %c0_i32, %c0_i32_0 : i32, i32
  }
  func.func @transform_2(%arg0: i32) -> (i32, i32) {
    %c0_i32 = arith.constant 0 : i32
    %c0_i32_0 = arith.constant 0 : i32
    %c0_i32_1 = arith.constant 0 : i32
    return %c0_i32, %c0_i32_0 : i32, i32
  }
  func.func @transform_3(%arg0: i32) -> (i32, i32) {
    %c0_i32 = arith.constant 0 : i32
    %c0_i32_0 = arith.constant 0 : i32
    %c0_i32_1 = arith.constant 0 : i32
    return %c0_i32, %c0_i32_0 : i32, i32
  }
  func.func @transform_4(%arg0: i32) -> (i32, i32) {
    %c0_i32 = arith.constant 0 : i32
    %c0_i32_0 = arith.constant 0 : i32
    %c0_i32_1 = arith.constant 0 : i32
    return %c0_i32, %c0_i32_0 : i32, i32
  }
  func.func @transform_5(%arg0: i32) -> (i32, i32) {
    %c0_i32 = arith.constant 0 : i32
    %c0_i32_0 = arith.constant 0 : i32
    return %arg0, %c0_i32 : i32, i32
  }
  func.func @transform_6(%arg0: i32) -> (i32, i32) {
    %c0_i32 = arith.constant 0 : i32
    %c0_i32_0 = arith.constant 0 : i32
    return %arg0, %c0_i32 : i32, i32
  }
  func.func @transform_7(%arg0: i32) -> (i32, i32) {
    %c0_i32 = arith.constant 0 : i32
    %c0_i32_0 = arith.constant 0 : i32
    %c0_i32_1 = arith.constant 0 : i32
    return %c0_i32, %c0_i32_0 : i32, i32
  }
}

module attributes {stable_mosaic.version = 14 : i64} {
  func.func @_final_body(%arg0: memref<2x10112x32xf32, #tpu.memory_space<vmem>>, %arg1: memref<1x2xf32, #tpu.memory_space<vmem>>, %arg2: memref<10000x2xf32, #tpu.memory_space<vmem>>) attributes {dimension_semantics = [], scalar_prefetch = 0 : i64, scratch_operands = 0 : i64, tpu.core_type = #tpu.core_type<tc>} {
    %get3A = arith.constant 0 : index
    %get3A_0 = arith.constant 0 : index
    %get3A_1 = arith.constant 0 : index
    %get3A_2 = vector.load %arg0[%get3A, %get3A_0, %get3A_1] : memref<2x10112x32xf32, #tpu.memory_space<vmem>>, vector<1x10000x1xf32>
    %get3A_3 = vector.shape_cast %get3A_2 : vector<1x10000x1xf32> to vector<10000x1xf32>
    %get3A_4 = arith.constant 1 : index
    %get3A_5 = arith.constant 0 : index
    %get3A_6 = arith.constant 0 : index
    %get3A_7 = vector.load %arg0[%get3A_4, %get3A_5, %get3A_6] : memref<2x10112x32xf32, #tpu.memory_space<vmem>>, vector<1x10000x1xf32>
    %get3A_8 = vector.shape_cast %get3A_7 : vector<1x10000x1xf32> to vector<10000x1xf32>
    %add3A = arith.addf %get3A_3, %get3A_8 : vector<10000x1xf32>
    %get3A_9 = arith.constant 0 : index
    %get3A_10 = arith.constant 0 : index
    %get3A_11 = arith.constant 16 : index
    %get3A_12 = vector.load %arg0[%get3A_9, %get3A_10, %get3A_11] : memref<2x10112x32xf32, #tpu.memory_space<vmem>>, vector<1x10000x2xf32>
    %get3A_13 = vector.shape_cast %get3A_12 : vector<1x10000x2xf32> to vector<10000x2xf32>
    %get3A_14 = arith.constant 1 : index
    %get3A_15 = arith.constant 0 : index
    %get3A_16 = arith.constant 16 : index
    %get3A_17 = vector.load %arg0[%get3A_14, %get3A_15, %get3A_16] : memref<2x10112x32xf32, #tpu.memory_space<vmem>>, vector<1x10000x2xf32>
    %get3A_18 = vector.shape_cast %get3A_17 : vector<1x10000x2xf32> to vector<10000x2xf32>
    %add3A_19 = arith.addf %get3A_13, %get3A_18 : vector<10000x2xf32>
    %add3A_20 = arith.constant 1.000000e-16 : f32
    %add3A_21 = vector.broadcast %add3A_20 : f32 to vector<10000x1xf32>
    %add3A_22 = arith.addf %add3A, %add3A_21 : vector<10000x1xf32>
    %div3A = vector.broadcast %add3A_22 : vector<10000x1xf32> to vector<10000x2xf32>
    %div3A_23 = arith.divf %add3A_19, %div3A : vector<10000x2xf32>
    %get3A_24 = arith.constant 0 : index
    %get3A_25 = arith.constant 0 : index
    %get3A_26 = vector.load %arg1[%get3A_24, %get3A_25] : memref<1x2xf32, #tpu.memory_space<vmem>>, vector<1x2xf32>
    %add3A_27 = vector.broadcast %get3A_26 : vector<1x2xf32> to vector<10000x2xf32>
    %add3A_28 = arith.addf %div3A_23, %add3A_27 : vector<10000x2xf32>
    %swap3A = arith.constant 0 : index
    %swap3A_29 = arith.constant 0 : index
    %swap3A_30 = vector.load %arg2[%swap3A, %swap3A_29] : memref<10000x2xf32, #tpu.memory_space<vmem>>, vector<10000x2xf32>
    tpu.vector_store %arg2[%swap3A, %swap3A_29], %add3A_28 {strides = array<i32>} : memref<10000x2xf32, #tpu.memory_space<vmem>>, vector<10000x2xf32>,
    return
  }
}

</mosaic_0001>

<sc_bundles>
// kernel: kernel.10.cloned.1.call-start
scs
__scs_entry_jumppad:
0x0: {  	(pc) =	sbr.rel $0x88, $3  }
0x1: {  	(tag) =	ssettag $0x0;
	lr =	simm.s32 $0x1  }
0x2: {  	[smem:$0x3F97] =	sst lr;
	_ =	strace $0xD0000000  }
0x3: {  	_ = 	snop  }
0x4: {  	_ = 	snop  }
0x5: {  	_ = 	snop  }
0x6: {  	_ = 	snop  }
0x7: {  	_ = 	snop  }
__scs_overlays_trampoline_lowered:
0x8: {  	[smem:$0x3FA6] =	sst s0  }
0x9: {  	[smem:$0x3FA7] =	sst s1  }
0xa: {  	[smem:$0x3FA8] =	sst s2  }
0xb: {  	[smem:$0x3FA9] =	sst s3  }
0xc: {  	[smem:$0x3FAA] =	sst s4  }
0xd: {  	[smem:$0x3FAB] =	sst s5  }
0xe: {  	[smem:$0x3FAC] =	sst s6  }
0xf: {  	[smem:$0x3FAD] =	sst s7  }
0x10: {  	[smem:$0x3FAE] =	sst s8  }
0x11: {  	[smem:$0x3FAF] =	sst s9;
	s0 =	simm.s32 @!p0 $0x0  }
0x12: {  	s1 =	sld [smem:$0x3F95];
	s0 =	simm.s32 @p0 $0x1  }
0x13: {  	[smem:$0x3FB0] =	sst s0;
	s0 =	simm.s32 @!p1 $0x0  }
0x14: {  	s2 =	sld [smem:$0x3F94];
	s0 =	simm.s32 @p1 $0x1  }
0x15: {  	[smem:$0x3FB1] =	sst s0;
	s0 =	simm.s32 @!p2 $0x0  }
0x16: {  	s3 =	sld [smem:$0x3FDB];
	s0 =	simm.s32 @p2 $0x1  }
0x17: {  	s4 =	simm.s32 $0x1BF5;
	[smem:$0x3FB3] =	sst s0  }
0x18: {  	s0 =	sld [smem:$0x3F96];
	_ =	swait.ge [sflag:s4], $0x0  }
0x19: {  	s7 =	sld [smem:$0x3F97]  }
0x1a: {  	s8 =	sadd.s32 $0xFFFFE003, lr  }
0x1b: {  	s9 =	sadd.s32 $0xFFFFFEF7, lr;
	s5 =	simm.s32 $0xFFFFFFFF;
	p2 =	slt.u32 s8, $0xFFFFF086  }
0x1c: {  	p1 =	slt.u32 s9, $0xF7A;
	s5 =	simm.s32 @!p2 $0x0  }
0x1d: {  	s5 =	simm.s32 @p1 $0x1;
	p0 =	seq.s32 s7, s2  }
0x1e: {  	s7 =	smul.u32 @!p0 $0xF7A, s2;
	p2 =	seq.s32 @!p0 s5, $0x0  }
0x1f: {  	s9 =	smul.u32 $0xF7A, s1;
	s8 =	simm.s32 @!p0 $0x1BF5;
	p2 =	por !p2, p0  }
0x20: {  	[sflag:s8] =	ssyncset.s32 @!p0 $0xFFFFF086;
	s6 =	sadd.s32 @!p0 s3, s7;
	s7 =	simm.s32 @!p0 $0x108  }
0x21: {  	s3 =	sadd.s32 s3, s9;
	s6 =	sadd.s32 @!p0 $0x88, s6;
	s7 =	simm.s32 @p2 $0x1082  }
0x22: {  	[simem:s7], [sflag:s8] =	dma.local @!p0 [hbm:s6], $0xF7A  }
0x23: {  	s9 =	sor.u32 $0xD0000000, s2;
	s6 =	simm.s32 $0x108;
	_ =	swait.ge @!p0 [sflag:s8], $0x0  }
0x24: {  	s3 =	sadd.s32 $0x88, s3;
	s6 =	simm.s32 @!p1 $0x1082;
	[sflag:s4] =	ssyncset.s32 $0xFFFFF086  }
0x25: {  	[simem:s6], [sflag:s4] =	dma.local [hbm:s3], $0xF7A  }
0x26: {  	[smem:$0x3F97] =	sst s1;
	(tag) =	ssettag s2;
	_ =	strace s9  }
0x27: {  	s1 =	sld [smem:$0x3FA7]  }
0x28: {  	s2 =	sld [smem:$0x3FA8]  }
0x29: {  	s4 =	sld [smem:$0x3FAA]  }
0x2a: {  	p0 =	seq.s32 s5, $0x0;
	s5 =	sld [smem:$0x3FAB]  }
0x2b: {  	s6 =	sld [smem:$0x3FAC]  }
0x2c: {  	s7 =	sld [smem:$0x3FAD]  }
0x2d: {  	s3 =	simm.s32 $0x108;
	s8 =	sld [smem:$0x3FAE]  }
0x2e: {  	s3 =	simm.s32 @!p0 $0x1082;
	s9 =	sld [smem:$0x3FAF]  }
0x2f: {  	lr =	sadd.s32 s0, s3;
	s0 =	sld [smem:$0x3FA6]  }
0x30: {  	s3 =	sld [smem:$0x3FA9]  }
0x31: {  	[smem:$0x3FB2] =	sst s10  }
0x32: {  	s10 =	sld [smem:$0x3FB0];
	_ =	sdelay $0x3  }
0x33: {  	p0 =	seq.s32 s10, $0x1;
	s10 =	sld [smem:$0x3FB2];
	_ =	sdelay $0x3  }
0x34: {  	[smem:$0x3FB2] =	sst s10  }
0x35: {  	s10 =	sld [smem:$0x3FB1];
	_ =	sdelay $0x3  }
0x36: {  	p1 =	seq.s32 s10, $0x1;
	s10 =	sld [smem:$0x3FB2];
	_ =	sdelay $0x3  }
0x37: {  	[smem:$0x3FB2] =	sst s10  }
0x38: {  	s10 =	sld [smem:$0x3FB3]  }
0x39: {  	_ = 	snop;
	(pc) =	sbr.ind lr, $3  }
0x3a: {  	_ = 	snop  }
0x3b: {  	_ = 	snop  }
0x3c: {  	p2 =	seq.s32 s10, $0x1;
	s10 =	sld [smem:$0x3FB2]  }
0x3d: {  	_ =	shalt  }
0x3e: {  	_ =	shalt  }
0x3f: {  	_ =	shalt  }
0x40: {  	_ =	shalt  }
0x41: {  	_ =	shalt  }
0x42: {  	_ =	shalt  }
0x43: {  	_ =	shalt  }
0x44: {  	_ =	shalt  }
0x45: {  	_ =	shalt  }
0x46: {  	_ =	shalt  }
0x47: {  	_ =	shalt  }
0x48: {  	_ =	shalt  }
0x49: {  	_ =	shalt  }
0x4a: {  	_ =	shalt  }
0x4b: {  	_ =	shalt  }
0x4c: {  	_ =	shalt  }
0x4d: {  	_ =	shalt  }
0x4e: {  	_ =	shalt  }
0x4f: {  	_ =	shalt  }
0x50: {  	_ =	shalt  }
0x51: {  	_ =	shalt  }
0x52: {  	_ =	shalt  }
0x53: {  	_ =	shalt  }
0x54: {  	_ =	shalt  }
0x55: {  	_ =	shalt  }
0x56: {  	_ =	shalt  }
0x57: {  	_ =	shalt  }
0x58: {  	_ =	shalt  }
0x59: {  	_ =	shalt  }
0x5a: {  	_ =	shalt  }
0x5b: {  	_ =	shalt  }
0x5c: {  	_ =	shalt  }
0x5d: {  	_ =	shalt  }
0x5e: {  	_ =	shalt  }
0x5f: {  	_ =	shalt  }
0x60: {  	_ =	shalt  }
0x61: {  	_ =	shalt  }
0x62: {  	_ =	shalt  }
0x63: {  	_ =	shalt  }
0x64: {  	_ =	shalt  }
0x65: {  	_ =	shalt  }
0x66: {  	_ =	shalt  }
0x67: {  	_ =	shalt  }
0x68: {  	_ =	shalt  }
0x69: {  	_ =	shalt  }
0x6a: {  	_ =	shalt  }
0x6b: {  	_ =	shalt  }
0x6c: {  	_ =	shalt  }
0x6d: {  	_ =	shalt  }
0x6e: {  	_ =	shalt  }
0x6f: {  	_ =	shalt  }
0x70: {  	_ =	shalt  }
0x71: {  	_ =	shalt  }
0x72: {  	_ =	shalt  }
0x73: {  	_ =	shalt  }
0x74: {  	_ =	shalt  }
0x75: {  	_ =	shalt  }
0x76: {  	_ =	shalt  }
0x77: {  	_ =	shalt  }
0x78: {  	_ =	shalt  }
0x79: {  	_ =	shalt  }
0x7a: {  	_ =	shalt  }
0x7b: {  	_ =	shalt  }
0x7c: {  	_ =	shalt  }
0x7d: {  	_ =	shalt  }
0x7e: {  	_ =	shalt  }
0x7f: {  	_ =	shalt  }
0x80: {  	_ =	shalt  }
0x81: {  	_ =	shalt  }
0x82: {  	_ =	shalt  }
0x83: {  	_ =	shalt  }
0x84: {  	_ =	shalt  }
0x85: {  	_ =	shalt  }
0x86: {  	_ =	shalt  }
0x87: {  	_ =	shalt  }
.Lfunc_end0:
.L_simem_size_0:
called_computation.1_lowered:
.L_overlay_start_0:
0x88: {  	s2 =	sld [smem:$0x3FD9]  }
0x89: {  	s3 =	sld [smem:$0x3FFE];
	_ =	sdelay $0x1  }
0x8a: {  	s1 =	srdreg.scid  }
0x8b: {  	s0 =	sand.u32 $0x1, s1  }
0x8c: {  	s17 =	sshll.u32 s0, $0xA;
	s2 =	sadd.s32 s3, s2  }
0x8d: {  	s2 =	sadd.s32 s2, s17  }
0x8e: {  	[smem:$0x3FBE] =	sst s2  }
0x8f: {  	_ = 	snop  }
0x90: {  	s2 =	sld [smem:$0x3FD0];
	(tm) =	ssettm $0x1  }
0x91: {  	s18 =	sld [smem:$0x3FFB];
	_ =	sdelay $0x3  }
0x92: {  	_ =	strace s18  }
0x93: {  	s3 =	sld [smem:$0x3FFC];
	_ =	sdelay $0x3  }
0x94: {  	_ =	strace s3  }
0x95: {  	s3 =	sld [smem:$0x3FFD];
	_ =	sdelay $0x3  }
0x96: {  	_ =	strace s3  }
0x97: {  	_ =	strace $0x8FFFFFFF  }
0x98: {  	s19 =	sld [smem:$0x3FDB];
	_ =	sdelay $0x1  }
0x99: {  	s4 =	simm.s32 $_scs_section_size  }
0x9a: {  	s5 =	simm.s32 $_size__tile_overlayer_lowered;
	s6 =	simm.s32 $_tile_overlayer_lowered  }
0x9b: {  	s22 =	simm.s32 $0x1BFF;
	s21 =	sshll.u32 s6, $0x1;
	s3 =	sadd.s32 s4, s19  }
0x9c: {  	s7 =	simm.s32 $0x0;
	s20 =	sshll.u32 s5, $0x1;
	s5 =	sadd.s32 s21, s3  }
0x9d: {  	[timem:s7], [sflag:s22] =	dma.local [hbm:s5], s20  }
0x9e: {  	_ =	swait.ge [sflag:s22], s20  }
0x9f: {  	s4 =	ssub.s32 $0x0, s20;
	[sflag:s22] =	ssyncset.done $0x0  }
0xa0: {  	[sflag:s22] =	ssyncadd.s32 s4;
	_ =	sdelay $0x1  }
0xa1: {  	s23 =	simm.s32 $0x1B8B  }
0xa2: {  	_ =	swait.ge [sflag:s23], $0x1  }
0xa3: {  	[sflag:s23] =	ssyncset.done $0x0  }
0xa4: {  	s25 =	simm.s32 $0x1B8E;
	s24 =	sld [smem:$0x3FFE];
	[sflag:s23] =	ssyncadd.s32 $0xFFFFFFFF  }
0xa5: {  	s26 =	simm.s32 $execute0_lowered;
	[smem:$0x3FD2] =	sst s25  }
0xa6: {  	s5 =	sshll.u32 s26, $0x1;
	_ =	strace $0x80000049;
	[dreg:$0x1] =	wrdreg $0xFFFFFFFF  }
0xa7: {  	s28 =	simm.s32 $_size_execute0_lowered;
	s3 =	sadd.s32 s3, s5;
	[dreg:$0x0] =	wrdreg $0x0  }
0xa8: {  	s5 =	sshll.u32 s28, $0x1;
	[dreg:$0x2] =	wrdreg s3  }
0xa9: {  	[dreg:$0x3] =	wrdreg s5  }
0xaa: {  	[dreg:$0x4] =	wrdreg $0xC0  }
0xab: {  	_ =	task [dreg:s7], $0x5FFFF  }
0xac: {  	[dreg:$0x1] =	wrdreg $0xFFFFFFFF  }
0xad: {  	[dreg:$0x0] =	wrdreg $0x60  }
0xae: {  	[dreg:$0x2] =	wrdreg s24  }
0xaf: {  	[dreg:$0x3] =	wrdreg s2  }
0xb0: {  	[dreg:$0x4] =	wrdreg $0x96100  }
0xb1: {  	[dreg:$0x5] =	wrdreg $0x9  }
0xb2: {  	_ =	task.clear_ibuf [dreg:s7], $0x6FFFF;
	_ =	strace $0x90000049  }
0xb3: {  	s29 =	simm.s32 $0x9;
	_ =	strace $0x8000004B  }
0xb4: {  	_ =	swait.ge [sflag:s29], $0x1  }
0xb5: {  	[sflag:s29] =	ssyncadd.s32 $0xFFFFFFFF  }
0xb6: {  	_ =	strace $0x9000004B  }
0xb7: {  	_ =	sfence  }
0xb8: {  	s30 =	sld [smem:$0x0];
	_ =	sdelay $0x2  }
0xb9: {  	s31 =	sshll.u32 s1, $0xD;
	s1 =	sshrl.u32 s1, $0x2  }
0xba: {  	s3 =	sand.u32 $0x4000, s31;
	s1 =	sadd.s32 s1, s30  }
0xbb: {  	s0 =	sor.u32 s3, s0;
	s1 =	sshll.u32 s1, $0x11  }
0xbc: {  	s0 =	sor.u32 s1, s0  }
0xbd: {  	s0 =	sadd.s32 $0x8F2B, s0  }
0xbe: {  	[sflag:s0] =	ssyncadd.remote.s32 $0x1  }
0xbf: {  	_ =	sfence.sel $0xFFFF  }
0xc0: {  	[dreg:$0x0] =	wrdreg $0xFFFFFFFF;
	(pc) =	sbr.abs _section_cstart, $3  }
0xc1: {  	[dreg:$0x1] =	wrdreg $0xFFFFFFFF  }
0xc2: {  	_ =	task.clear_ibuf [dreg:s7], $0x2FFFF;
	_ =	strace $0x9FFFFFFF  }
0xc3: {  	(tm) =	ssettm $0x7FFFFFFF  }
tec
execute0_lowered:
.L_overlay_start_1:
0x0: {  	(tag) =	ssettag $0x1  }
0x1: {  	s0 =	rddreg [dreg:$0x0]  }
0x2: {  	s3 =	rddreg [dreg:$0x2];
	s4 =	simm.s32 $0x0;
	s12 =	stileid.u32  }
0x3: {  	s1 =	srdreg.scid;
	s16 =	simm.s32 $0x3;
	s18 =	simm.s32 $0x180  }
0x4: {  	s19 =	simm.s32 $0x600;
	s20 =	simm.s32 $0x6600;
	s21 =	simm.s32 $0x300  }
0x5: {  	s22 =	simm.s32 $0x3600;
	s23 =	simm.s32 $0x480;
	s24 =	simm.s32 $0x7E00  }
0x6: {  	s25 =	simm.s32 $0x1;
	s26 =	simm.s32 $0x2;
	s28 =	simm.s32 $0x0  }
0x7: {  	[smem:$0x7FF] =	sst s4;
	s2 =	smul.u32 $0x4F00, s12;
	s1 =	sand.u32 $0x1, s1  }
0x8: {  	s5 =	sadd.s32 $0x2200, s0;
	s6 =	sadd.s32 $0xC000, s0;
	s7 =	sadd.s32 $0xCE000, s0  }
0x9: {  	_ =	strace $0x8000004A;
	s8 =	smul.u32 $0x4F000, s1;
	s10 =	sshll.u32 s1, $0x4  }
0xa: {  	s1 =	ssub.s32 $0x2, s1;
	s9 =	sshrl.u32 s2, $0x3;
	s10 =	sor.u32 s12, s10  }
0xb: {  	s31 =	sshrl.u32 s1, $0x1;
	s12 =	sshll.u32 s12, $0x6;
	s9 =	sadd.s32 s9, s0  }
0xc: {  	s8 =	sadd.s32 s2, s8;
	s11 =	smul.u32 $0xA80, s10;
	s1 =	ssub.s32 s1, s31  }
0xd: {  	s13 =	smul.u32 $0x1C, s10;
	s2 =	sadd.s32 s2, s3;
	s8 =	sshrl.u32 s8, $0x3  }
0xe: {  	s14 =	smax.u32 s1, $0x1;
	s15 =	sshrl.u32 s2, $0x3;
	s0 =	sadd.s32 s8, s0  }
0xf: {  	s8 =	sadd.s32 $0x11000, s9;
	s9 =	sor.u32 $0x1C03, s12;
	s10 =	sadd.s32 s7, s11  }
0x10: {  	s11 =	sor.u32 $0x1, s13;
	s12 =	sor.u32 $0x2, s13;
	s13 =	sadd.s32 $0x1AE00, s0  }
.LBB2_1:
0x11: {  	[spmem:s15], [sflag:s9] =	dma.local [hbm:s8], $0x9E0  }
0x12: {  	_ =	swait.ge [sflag:s16], $0x9E0  }
0x13: {  	[sflag:s16] =	ssyncset.done $0x0  }
0x14: {  	[sflag:s16] =	ssyncadd.s32 $0xFFFFF620  }
0x15: {  	s1 =	simm.s32 $0x9600;
	s0 =	rddreg [dreg:$0x1]  }
0x16: {  	[tilespmem:s1], [sflag:$0x3] =	stream.linear.gather [hbm4b:s0+s4], $0x10, $0x38;
	[tilespmem:$0xE510] =	vst v63  }
0x17: {  	_ =	swait.ge [sflag:s16], $0x10  }
0x18: {  	[sflag:s16] =	ssyncset.done $0x0  }
0x19: {  	[sflag:s16] =	ssyncadd.s32 $0xFFFFFFF0  }
0x1a: {  	[bflag:$0x0] =	sbarrier.arrive $0xFFFF  }
0x1b: {  	v0 =	vld [tilespmem:$0x9600];
	[tilespmem:s4], [sflag:$0x3] =	stream.linear.gather [hbm4b:s10+s4], $0x300, $0x38  }
0x1c: {  	_ =	swait.ge [sflag:s16], $0x300  }
0x1d: {  	[sflag:s16] =	ssyncset.done $0x0  }
0x1e: {  	[sflag:s16] =	ssyncadd.s32 $0xFFFFFD00  }
0x1f: {  	[tilespmem:s19], [sflag:$0x1] =	stream.indirect.gather [hbm4b:s5+s18], $0x20, s4, s18, $0xb8;
	[tilespmem:$0xE510] =	vst v63  }
0x20: {  	s29 =	simm.s32 $0x0  }
0x21: {  	[tilespmem:s20], [sflag:$0x1] =	stream.indirect.gather [hbm4b:s6+s18], $0x10, s18, s18, $0xb8;
	[tilespmem:$0xE510] =	vst v63  }
.LBB2_2:
0x22: {  	s30 =	sshll.u32 s29, $0x1  }
0x23: {  	s0 =	sadd.s32 s30, s11  }
0x24: {  	s0 =	smul.u32 $0x60, s0;
	_ =	sdelay $0x1  }
0x25: {  	s0 =	sadd.s32 s7, s0  }
0x26: {  	[tilespmem:s21], [sflag:$0x3] =	stream.linear.gather [hbm4b:s0+s4], $0x300, $0x38;
	[tilespmem:$0xE510] =	vst v63  }
0x27: {  	_ =	swait.ge [sflag:s16], $0x300  }
0x28: {  	[sflag:s16] =	ssyncset.done $0x0  }
0x29: {  	[sflag:s16] =	ssyncadd.s32 $0xFFFFFD00  }
0x2a: {  	[tilespmem:s22], [sflag:$0x2] =	stream.indirect.gather [hbm4b:s5+s18], $0x20, s21, s18, $0xb8;
	[tilespmem:$0xE510] =	vst v63  }
0x2b: {  	_ = 	snop  }
0x2c: {  	[tilespmem:s24], [sflag:$0x2] =	stream.indirect.gather [hbm4b:s6+s18], $0x10, s23, s18, $0xb8;
	[tilespmem:$0xE510] =	vst v63  }
0x2d: {  	_ =	swait.ge [sflag:s25], $0x3000  }
0x2e: {  	[sflag:s25] =	ssyncset.done $0x0  }
0x2f: {  	[sflag:s25] =	ssyncadd.s32 $0xFFFFD000  }
0x30: {  	_ =	swait.ge [sflag:s25], $0x1800  }
0x31: {  	[sflag:s25] =	ssyncset.done $0x0  }
0x32: {  	s31 =	simm.s32 $0x680;
	[sflag:s25] =	ssyncadd.s32 $0xFFFFE800  }
0x33: {  	s17 =	simm.s32 $0x6640;
	v1 =	vld [tilespmem:s31+$0x60]  }
0x34: {  	v2 =	vld [tilespmem:s17+$0x30]  }
0x35: {  	v3 =	vld [tilespmem:s31+$0xFFFFFFA0]  }
0x36: {  	v4 =	vld [tilespmem:s17+$0xFFFFFFD0]  }
0x37: {  	v6 =	vld [tilespmem:s31+$0xFFFFFFC0]  }
0x38: {  	v7 =	vld [tilespmem:s17+$0xFFFFFFE0]  }
0x39: {  	v8 =	vld [tilespmem:s31+$0xFFFFFFE0]  }
0x3a: {  	v9 =	vld [tilespmem:s17+$0xFFFFFFF0]  }
0x3b: {  	v10 =	vld [tilespmem:s31+$0x0]  }
0x3c: {  	v11 =	vld [tilespmem:s17+$0x0]  }
0x3d: {  	v12 =	vld [tilespmem:s31+$0x20]  }
0x3e: {  	v13 =	vld [tilespmem:s17+$0x10]  }
0x3f: {  	v14 =	vld [tilespmem:s31+$0x40]  }
0x40: {  	s0 =	simm.s32 $0x780;
	v15 =	vld [tilespmem:s17+$0x20];
	v1 =	vadd.f32 v2, v1  }
0x41: {  	s1 =	simm.s32 $0x66C0;
	v19 =	vld [tilespmem:s0+$0xFFFFFFE0]  }
0x42: {  	v20 =	vld [tilespmem:s1+$0xFFFFFFF0];
	v2 =	vmul.f32 $2.000000030e-01, v1  }
0x43: {  	v5 =	vld [tilespmem:s17+$0xFFFFFFC0];
	v3 =	vadd.f32 v4, v3;
	v4 =	vadd.f32 v7, v6  }
0x44: {  	v6 =	vld [tilespmem:s31+$0xFFFFFF80];
	v8 =	vadd.f32 v9, v8;
	v10 =	vadd.f32 v11, v10;
	v1 =	vmax.f32 v1, v2  }
0x45: {  	v12 =	vadd.f32 v13, v12;
	v7 =	vmul.f32 $2.000000030e-01, v3;
	v2 =	vsub.f32 v1, v0  }
0x46: {  	v17 =	vld [tilespmem:s31+$0xFFFFFFB0];
	v14 =	vadd.f32 v15, v14;
	v9 =	vmul.f32 $2.000000030e-01, v4;
	v18 =	vmul.f32 $2.000000030e-01, v8  }
0x47: {  	v23 =	vld [tilespmem:s1+$0x0];
	v19 =	vadd.f32 v20, v19;
	v11 =	vmul.f32 $2.000000030e-01, v10;
	v16 =	vmul.f32 $1.442695020e+00, v2  }
0x48: {  	v26 =	vld [tilespmem:s0+$0x20];
	v7 =	vmax.f32 v3, v7;
	v4 =	vmax.f32 v4, v9;
	v8 =	vmax.f32 v8, v18  }
0x49: {  	v28 =	vld [tilespmem:s1+$0x10];
	v7 =	vsub.f32 v7, v0;
	v13 =	vadd.f32 v5, v6;
	(erf) = vpow2.f32 v16  }
0x4a: {  	v15 =	vld [tilespmem:s1+$0x30];
	v10 =	vmax.f32 v10, v11;
	v11 =	vmul.f32 $2.000000030e-01, v12;
	v9 =	vsub.f32 v4, v0  }
0x4b: {  	v20 =	vld [tilespmem:s0+$0x40];
	v8 =	vsub.f32 v8, v0;
	v7 =	vmul.f32 $1.442695020e+00, v7;
	v18 =	vmul.f32 $2.000000030e-01, v13  }
0x4c: {  	v10 =	vsub.f32 v10, v0;
	v11 =	vmax.f32 v12, v11;
	v12 =	vld [tilespmem:s1+$0xFFFFFFD0];
	v9 =	vmul.f32 $1.442695020e+00, v9  }
0x4d: {  	v8 =	vmul.f32 $1.442695020e+00, v8;
	v13 =	vmax.f32 v13, v18;
	(erf) = vpow2.f32 v7;
	v7 =	vld [tilespmem:s0+$0x60]  }
0x4e: {  	(erf) = vpow2.f32 v9;
	v9 =	vmul.f32 $1.442695020e+00, v10;
	v10 =	vsub.f32 v13, v0;
	v13 =	vld [tilespmem:s0+$0xFFFFFFA0]  }
0x4f: {  	v3 =	vld [tilespmem:s31+$0xFFFFFFF0];
	(erf) = vpow2.f32 v8  }
0x50: {  	v1 =	vld [tilespmem:s31+$0xFFFFFF90];
	v8 =	vmul.f32 $2.000000030e-01, v14;
	v10 =	vmul.f32 $1.442695020e+00, v10  }
0x51: {  	v16 =	vld [tilespmem:s31+$0x70];
	(erf) = vpow2.f32 v9;
	v9 =	vsub.f32 v11, v0  }
0x52: {  	v11 =	vld [tilespmem:s0+$0xFFFFFFC0];
	v8 =	vmax.f32 v14, v8;
	v7 =	vadd.f32 v15, v7;
	v14 =	vpop (erf);
	(erf) = vpow2.f32 v10  }
0x53: {  	v8 =	vsub.f32 v8, v0;
	v12 =	vadd.f32 v12, v13;
	v13 =	vld [tilespmem:s0+$0x0]  }
0x54: {  	v9 =	vmul.f32 $1.442695020e+00, v9;
	v21 =	vmul.f32 $2.000000030e-01, v7;
	v10 =	vld [tilespmem:s1+$0xFFFFFFE0]  }
0x55: {  	v4 =	vld [tilespmem:s31+$0x10];
	v8 =	vmul.f32 $1.442695020e+00, v8;
	v15 =	vbroadcast v14, $0x0  }
0x56: {  	v5 =	vld [tilespmem:s31+$0x30];
	v24 =	vmul.f32 $2.000000030e-01, v12;
	(erf) = vpow2.f32 v9;
	v7 =	vmax.f32 v7, v21  }
0x57: {  	v6 =	vld [tilespmem:s31+$0x50];
	v7 =	vsub.f32 v7, v0;
	v15 =	vmul.f32 v15, v16;
	v16 =	vpop (erf);
	(erf) = vpow2.f32 v8  }
0x58: {  	v2 =	vld [tilespmem:s31+$0xFFFFFFD0];
	v23 =	vadd.f32 v23, v13;
	v13 =	vmul.f32 $2.000000030e-01, v19;
	v22 =	vbroadcast v16, $0x0;
	v21 =	vpop (erf)  }
0x59: {  	[tilespmem:s31+$0x60] =	vst v14;
	v14 =	vld [tilespmem:s1+$0x20];
	v7 =	vmul.f32 $1.442695020e+00, v7;
	v25 =	vadd.f32 v10, v11;
	v27 =	vpop (erf);
	v9 =	vbroadcast v21, $0x0  }
0x5a: {  	v18 =	vld [tilespmem:s1+$0xFFFFFFC0];
	v12 =	vmax.f32 v12, v24;
	[tilespmem:s31+$0xFFFFFFC0] =	vst v21;
	v21 =	vmul.f32 $2.000000030e-01, v23;
	v8 =	vbroadcast v27, $0x0;
	v30 =	vpop (erf)  }
0x5b: {  	v24 =	vld [tilespmem:s0+$0xFFFFFF80];
	v12 =	vsub.f32 v12, v0;
	[tilespmem:s31+$0x70] =	vst v15;
	v29 =	vmul.f32 $2.000000030e-01, v25;
	v15 =	vpop (erf);
	(erf) = vpow2.f32 v7  }
0x5c: {  	v11 =	vld [tilespmem:s0+$0xFFFFFF90];
	v19 =	vmax.f32 v19, v13;
	v22 =	vmul.f32 v22, v17;
	v10 =	vbroadcast v30, $0x0  }
0x5d: {  	[tilespmem:s31+$0xFFFFFFA0] =	vst v16;
	v13 =	vld [tilespmem:s0+$0xFFFFFFD0];
	v16 =	vmax.f32 v25, v29;
	v25 =	vadd.f32 v28, v26;
	v28 =	vmul.f32 $1.442695020e+00, v12  }
0x5e: {  	v7 =	vld [tilespmem:s0+$0xFFFFFFB0];
	v29 =	vadd.f32 v14, v20;
	v17 =	vbroadcast v15, $0x0;
	[tilespmem:s31+$0xFFFFFF80] =	vst v15;
	v15 =	vsub.f32 v16, v0  }
0x5f: {  	[tilespmem:s31+$0xFFFFFFB0] =	vst v22;
	v12 =	vld [tilespmem:s0+$0xFFFFFFF0];
	v16 =	vsub.f32 v19, v0;
	v19 =	vmax.f32 v23, v21;
	v22 =	vmul.f32 $2.000000030e-01, v25  }
0x60: {  	[tilespmem:s31+$0xFFFFFFE0] =	vst v27;
	v14 =	vld [tilespmem:s0+$0x10];
	v23 =	vadd.f32 v18, v24;
	v19 =	vsub.f32 v19, v0;
	v27 =	vmul.f32 $2.000000030e-01, v29  }
0x61: {  	[tilespmem:s31+$0x0] =	vst v30;
	v31 =	vpop (erf);
	v24 =	vld [tilespmem:s0+$0x70];
	v20 =	vmul.f32 $1.442695020e+00, v15;
	v21 =	vmul.f32 $1.442695020e+00, v16;
	v16 =	vmax.f32 v25, v22  }
0x62: {  	[tilespmem:s31+$0x20] =	vst v31;
	v15 =	vld [tilespmem:s0+$0x30];
	v18 =	vpop (erf);
	v26 =	vmul.f32 $2.000000030e-01, v23;
	(erf) = vpow2.f32 v28;
	v25 =	vsub.f32 v16, v0  }
0x63: {  	s2 =	simm.s32 $0x8;
	s17 =	simm.s32 $0x880;
	v22 =	vmul.f32 $1.442695020e+00, v19;
	[tilespmem:s31+$0x40] =	vst v18;
	v27 =	vmax.f32 v29, v27;
	v19 =	vbroadcast v31, $0x0;
	v16 =	vld [tilespmem:s0+$0x50]  }
.LBB2_3:
0x64: {  	v28 =	vld [tilespmem:s17+$0x60];
	v23 =	vmax.f32 v23, v26;
	v25 =	vmul.f32 $1.442695020e+00, v25;
	v26 =	vsub.f32 v27, v0;
	s1 =	sadd.s32 $0x80, s1;
	v27 =	vpop (erf)  }
0x65: {  	s2 =	sadd.s32 $0x8, s2;
	v29 =	vld [tilespmem:s1+$0x30];
	v23 =	vsub.f32 v23, v0;
	[tilespmem:s0+$0x60] =	vst v27;
	v27 =	vbroadcast v27, $0x0;
	(erf) = vpow2.f32 v20  }
0x66: {  	p0 =	slt.u32 s2, $0x178;
	v20 =	vld [tilespmem:s1+$0xFFFFFFC0];
	v26 =	vmul.f32 $1.442695020e+00, v26;
	(erf) = vpow2.f32 v21  }
0x67: {  	v21 =	vld [tilespmem:s17+$0xFFFFFFA0];
	v23 =	vmul.f32 $1.442695020e+00, v23;
	v24 =	vmul.f32 v27, v24  }
0x68: {  	v18 =	vbroadcast v18, $0x0;
	v27 =	vld [tilespmem:s1+$0xFFFFFFD0];
	(erf) = vpow2.f32 v22  }
0x69: {  	v17 =	vmul.f32 v17, v1;
	v1 =	vmov v11;
	v22 =	vld [tilespmem:s17+$0xFFFFFFC0];
	[tilespmem:s0+$0x70] =	vst v24;
	(erf) = vpow2.f32 v23  }
0x6a: {  	v9 =	vmul.f32 v9, v2;
	v2 =	vmovc v13;
	v11 =	vld [tilespmem:s1+$0xFFFFFFE0];
	v23 =	vadd.f32 v29, v28;
	(erf) = vpow2.f32 v25  }
0x6b: {  	v8 =	vmul.f32 v8, v3;
	v3 =	vmov v12;
	v13 =	vld [tilespmem:s17+$0xFFFFFFE0];
	(erf) = vpow2.f32 v26;
	[tilespmem:s31+$0xFFFFFF90] =	vst v17  }
0x6c: {  	v12 =	vld [tilespmem:s1+$0xFFFFFFF0];
	v17 =	vmul.f32 $2.000000030e-01, v23;
	v24 =	vpop (erf);
	[tilespmem:s31+$0xFFFFFFD0] =	vst v9;
	v9 =	vmul.f32 v10, v4;
	v4 =	vmov v14  }
0x6d: {  	v10 =	vadd.f32 v27, v21;
	v14 =	vld [tilespmem:s17+$0x0];
	v21 =	vbroadcast v24, $0x0;
	[tilespmem:s31+$0xFFFFFFF0] =	vst v8;
	v8 =	vmul.f32 v19, v5;
	v5 =	vmovc v15  }
0x6e: {  	v18 =	vmul.f32 v18, v6;
	v6 =	vmov v16;
	v15 =	vld [tilespmem:s1+$0x0];
	v17 =	vmax.f32 v23, v17;
	v19 =	vpop (erf);
	[tilespmem:s31+$0x10] =	vst v9  }
0x6f: {  	v16 =	vmul.f32 $2.000000030e-01, v10;
	v22 =	vadd.f32 v11, v22;
	v23 =	vld [tilespmem:s17+$0x20];
	v11 =	vsub.f32 v17, v0;
	v25 =	vpop (erf);
	[tilespmem:s31+$0x30] =	vst v8  }
0x70: {  	v9 =	vbroadcast v19, $0x0;
	v26 =	vld [tilespmem:s1+$0x10];
	v8 =	vbroadcast v25, $0x0;
	[tilespmem:s31+$0x50] =	vst v18;
	s31 =	smov.u32 s0;
	s0 =	smov.u32 s17  }
0x71: {  	v17 =	vmul.f32 $2.000000030e-01, v22;
	v12 =	vadd.f32 v12, v13;
	v27 =	vld [tilespmem:s17+$0x40];
	v11 =	vmul.f32 $1.442695020e+00, v11;
	[tilespmem:s31+$0xFFFFFFA0] =	vst v24;
	v24 =	vpop (erf)  }
0x72: {  	v7 =	vmul.f32 v21, v7;
	v13 =	vmax.f32 v10, v16;
	v16 =	vld [tilespmem:s1+$0x20];
	[tilespmem:s31+$0xFFFFFFC0] =	vst v19;
	v10 =	vbroadcast v24, $0x0;
	v18 =	vpop (erf)  }
0x73: {  	v19 =	vld [tilespmem:s17+$0xFFFFFF80];
	v21 =	vmul.f32 $2.000000030e-01, v12;
	v14 =	vadd.f32 v15, v14;
	(erf) = vpow2.f32 v11;
	[tilespmem:s31+$0xFFFFFF80] =	vst v18;
	v28 =	vpop (erf)  }
0x74: {  	v13 =	vsub.f32 v13, v0;
	v15 =	vmax.f32 v22, v17;
	v17 =	vbroadcast v18, $0x0;
	v11 =	vld [tilespmem:s17+$0xFFFFFF90];
	[tilespmem:s31+$0xFFFFFFB0] =	vst v7;
	v18 =	vpop (erf)  }
0x75: {  	v7 =	vld [tilespmem:s17+$0xFFFFFFB0];
	v12 =	vmax.f32 v12, v21;
	v21 =	vmul.f32 $2.000000030e-01, v14;
	v22 =	vadd.f32 v26, v23;
	[tilespmem:s31+$0xFFFFFFE0] =	vst v25  }
0x76: {  	v29 =	vmul.f32 $1.442695020e+00, v13;
	v15 =	vsub.f32 v15, v0;
	v13 =	vld [tilespmem:s17+$0xFFFFFFD0];
	v25 =	vsub.f32 v12, v0;
	[tilespmem:s31+$0x0] =	vst v24  }
.Ltmp0:
0x77: {  	v12 =	vld [tilespmem:s17+$0xFFFFFFF0];
	v14 =	vmax.f32 v14, v21;
	v24 =	vmul.f32 $2.000000030e-01, v22;
	v16 =	vadd.f32 v16, v27;
	[tilespmem:s31+$0x20] =	vst v28;
	(pc) =	sbr.rel @p0 .LBB2_3-.Ltmp0, $4  }
0x78: {  	v23 =	vadd.f32 v20, v19;
	v20 =	vmul.f32 $1.442695020e+00, v15;
	v19 =	vsub.f32 v14, v0;
	v14 =	vld [tilespmem:s17+$0x10];
	[tilespmem:s31+$0x40] =	vst v18  }
0x79: {  	v21 =	vmul.f32 $1.442695020e+00, v25;
	v24 =	vmax.f32 v22, v24;
	v15 =	vld [tilespmem:s17+$0x30];
	v27 =	vmul.f32 $2.000000030e-01, v16  }
0x7a: {  	v26 =	vmul.f32 $2.000000030e-01, v23;
	v22 =	vmul.f32 $1.442695020e+00, v19;
	v25 =	vsub.f32 v24, v0;
	v24 =	vld [tilespmem:s17+$0x70]  }
0x7b: {  	s17 =	sadd.s32 $0x100, s17;
	v19 =	vbroadcast v28, $0x0;
	v27 =	vmax.f32 v16, v27;
	v16 =	vld [tilespmem:s0+$0x50];
	(erf) = vpow2.f32 v29  }
0x7c: {  	v23 =	vmax.f32 v23, v26;
	v26 =	vpop (erf);
	(erf) = vpow2.f32 v20  }
0x7d: {  	v1 =	vmul.f32 v17, v1;
	v17 =	vmul.f32 $1.442695020e+00, v25;
	v23 =	vsub.f32 v23, v0  }
0x7e: {  	v2 =	vmul.f32 v9, v2;
	v28 =	vbroadcast v26, $0x0  }
0x7f: {  	(erf) = vpow2.f32 v21;
	[tilespmem:s0+$0x60] =	vst v26;
	v20 =	vmul.f32 $1.442695020e+00, v23  }
0x80: {  	(erf) = vpow2.f32 v22;
	[tilespmem:s31+$0xFFFFFF90] =	vst v1;
	v1 =	vmul.f32 v8, v3  }
0x81: {  	v22 =	vsub.f32 v27, v0;
	[tilespmem:s31+$0xFFFFFFD0] =	vst v2;
	v2 =	vmul.f32 v10, v4;
	(erf) = vpow2.f32 v20  }
0x82: {  	v3 =	vbroadcast v18, $0x0;
	v21 =	vmul.f32 v28, v24;
	[tilespmem:s31+$0xFFFFFFF0] =	vst v1  }
0x83: {  	v9 =	vmul.f32 $1.442695020e+00, v22;
	v1 =	vmul.f32 v19, v5;
	[tilespmem:s31+$0x10] =	vst v2  }
0x84: {  	v2 =	vmul.f32 v3, v6;
	[tilespmem:s0+$0x70] =	vst v21;
	(erf) = vpow2.f32 v17  }
0x85: {  	[tilespmem:s31+$0x30] =	vst v1  }
0x86: {  	[tilespmem:s31+$0x50] =	vst v2;
	(erf) = vpow2.f32 v9;
	v4 =	vpop (erf)  }
0x87: {  	v3 =	vpop (erf);
	v1 =	vbroadcast v4, $0x0;
	[tilespmem:s0+$0xFFFFFFA0] =	vst v4  }
0x88: {  	v5 =	vpop (erf);
	[tilespmem:s0+$0xFFFFFFC0] =	vst v3;
	v3 =	vbroadcast v3, $0x0  }
0x89: {  	v2 =	vpop (erf);
	v1 =	vmul.f32 v1, v7;
	[tilespmem:s0+$0xFFFFFFE0] =	vst v5  }
0x8a: {  	[tilespmem:s0+$0x0] =	vst v2;
	v3 =	vmul.f32 v3, v13;
	v4 =	vpop (erf)  }
0x8b: {  	[tilespmem:s0+$0xFFFFFFB0] =	vst v1;
	v1 =	vbroadcast v4, $0x0  }
0x8c: {  	v2 =	vbroadcast v2, $0x0;
	[tilespmem:s0+$0xFFFFFFD0] =	vst v3  }
0x8d: {  	v5 =	vbroadcast v5, $0x0;
	[tilespmem:s0+$0xFFFFFF80] =	vst v4;
	v4 =	vpop (erf);
	v1 =	vmul.f32 v1, v11  }
0x8e: {  	v2 =	vmul.f32 v2, v14;
	[tilespmem:s0+$0x20] =	vst v4  }
0x8f: {  	v6 =	vpop (erf);
	v4 =	vbroadcast v4, $0x0;
	[tilespmem:s0+$0xFFFFFF90] =	vst v1;
	v1 =	vmul.f32 v5, v12  }
0x90: {  	[tilespmem:s0+$0x10] =	vst v2;
	v5 =	vbroadcast v6, $0x0  }
0x91: {  	[tilespmem:s0+$0xFFFFFFF0] =	vst v1;
	v1 =	vmul.f32 v4, v15  }
0x92: {  	[tilespmem:s0+$0x40] =	vst v6;
	v2 =	vmul.f32 v5, v16  }
0x93: {  	s17 =	smin.u32 s30, $0x19;
	[tilespmem:s0+$0x30] =	vst v1  }
0x94: {  	[tilespmem:s0+$0x50] =	vst v2;
	s0 =	sadd.s32 s17, s12  }
0x95: {  	[spmem:s3] =	stream.indirect.scatter.add.f32 [tilespmem:s19], [sflag:$0x3], $0x20, s18, s18, $0xb8;
	[tilespmem:$0xE510] =	vst v63  }
0x96: {  	s0 =	smul.u32 $0x60, s0;
	_ =	swait.ge [sflag:s16], $0x3000  }
0x97: {  	[sflag:s16] =	ssyncset.done $0x0  }
0x98: {  	s0 =	sadd.s32 s7, s0;
	[sflag:s16] =	ssyncadd.s32 $0xFFFFD000  }
0x99: {  	[tilespmem:s4], [sflag:$0x3] =	stream.linear.gather [hbm4b:s0+s4], $0x300, $0x38;
	[tilespmem:$0xE510] =	vst v63  }
0x9a: {  	_ =	swait.ge [sflag:s16], $0x300  }
0x9b: {  	[sflag:s16] =	ssyncset.done $0x0  }
0x9c: {  	[sflag:s16] =	ssyncadd.s32 $0xFFFFFD00  }
0x9d: {  	[tilespmem:s19], [sflag:$0x1] =	stream.indirect.gather [hbm4b:s5+s18], $0x20, s4, s18, $0xb8;
	[tilespmem:$0xE510] =	vst v63  }
0x9e: {  	_ = 	snop  }
0x9f: {  	[tilespmem:s20], [sflag:$0x1] =	stream.indirect.gather [hbm4b:s6+s18], $0x10, s18, s18, $0xb8;
	[tilespmem:$0xE510] =	vst v63  }
0xa0: {  	_ =	swait.ge [sflag:s26], $0x3000  }
0xa1: {  	[sflag:s26] =	ssyncset.done $0x0  }
0xa2: {  	[sflag:s26] =	ssyncadd.s32 $0xFFFFD000  }
0xa3: {  	_ =	swait.ge [sflag:s26], $0x1800  }
0xa4: {  	[sflag:s26] =	ssyncset.done $0x0  }
0xa5: {  	s30 =	simm.s32 $0x3680;
	[sflag:s26] =	ssyncadd.s32 $0xFFFFE800  }
0xa6: {  	s31 =	simm.s32 $0x7E40;
	v1 =	vld [tilespmem:s30+$0x60]  }
0xa7: {  	v2 =	vld [tilespmem:s31+$0x30]  }
0xa8: {  	v3 =	vld [tilespmem:s30+$0xFFFFFFA0]  }
0xa9: {  	v4 =	vld [tilespmem:s31+$0xFFFFFFD0]  }
0xaa: {  	v6 =	vld [tilespmem:s30+$0xFFFFFFC0]  }
0xab: {  	v7 =	vld [tilespmem:s31+$0xFFFFFFE0]  }
0xac: {  	v8 =	vld [tilespmem:s30+$0xFFFFFFE0]  }
0xad: {  	v9 =	vld [tilespmem:s31+$0xFFFFFFF0]  }
0xae: {  	v10 =	vld [tilespmem:s30+$0x0]  }
0xaf: {  	v11 =	vld [tilespmem:s31+$0x0]  }
0xb0: {  	v12 =	vld [tilespmem:s30+$0x20]  }
0xb1: {  	v13 =	vld [tilespmem:s31+$0x10]  }
0xb2: {  	v14 =	vld [tilespmem:s30+$0x40]  }
0xb3: {  	s0 =	simm.s32 $0x3780;
	v15 =	vld [tilespmem:s31+$0x20]  }
0xb4: {  	s1 =	simm.s32 $0x7EC0;
	v19 =	vld [tilespmem:s0+$0xFFFFFFE0]  }
0xb5: {  	v20 =	vld [tilespmem:s1+$0xFFFFFFF0];
	_ =	sdelay $0x1  }
0xb6: {  	v1 =	vadd.f32 v2, v1;
	v3 =	vadd.f32 v4, v3  }
0xb7: {  	v5 =	vld [tilespmem:s31+$0xFFFFFFC0];
	v4 =	vadd.f32 v7, v6;
	v8 =	vadd.f32 v9, v8  }
0xb8: {  	v6 =	vld [tilespmem:s30+$0xFFFFFF80];
	v10 =	vadd.f32 v11, v10;
	v12 =	vadd.f32 v13, v12;
	v2 =	vmul.f32 $2.000000030e-01, v1  }
0xb9: {  	v14 =	vadd.f32 v15, v14;
	v19 =	vadd.f32 v20, v19;
	v7 =	vmul.f32 $2.000000030e-01, v3  }
0xba: {  	v17 =	vld [tilespmem:s30+$0xFFFFFFB0];
	v9 =	vmul.f32 $2.000000030e-01, v4;
	v18 =	vmul.f32 $2.000000030e-01, v8;
	v1 =	vmax.f32 v1, v2  }
0xbb: {  	v23 =	vld [tilespmem:s1+$0x0];
	v11 =	vmul.f32 $2.000000030e-01, v10;
	v7 =	vmax.f32 v3, v7;
	v2 =	vsub.f32 v1, v0  }
0xbc: {  	v26 =	vld [tilespmem:s0+$0x20];
	v4 =	vmax.f32 v4, v9;
	v8 =	vmax.f32 v8, v18;
	v7 =	vsub.f32 v7, v0  }
0xbd: {  	v28 =	vld [tilespmem:s1+$0x10];
	v10 =	vmax.f32 v10, v11;
	v13 =	vadd.f32 v5, v6;
	v16 =	vmul.f32 $1.442695020e+00, v2  }
0xbe: {  	v15 =	vld [tilespmem:s1+$0x30];
	v11 =	vmul.f32 $2.000000030e-01, v12;
	v9 =	vsub.f32 v4, v0;
	v7 =	vmul.f32 $1.442695020e+00, v7  }
0xbf: {  	v20 =	vld [tilespmem:s0+$0x40];
	v8 =	vsub.f32 v8, v0;
	v18 =	vmul.f32 $2.000000030e-01, v13;
	(erf) = vpow2.f32 v16  }
0xc0: {  	v10 =	vsub.f32 v10, v0;
	v11 =	vmax.f32 v12, v11;
	v12 =	vld [tilespmem:s1+$0xFFFFFFD0];
	v9 =	vmul.f32 $1.442695020e+00, v9  }
0xc1: {  	v8 =	vmul.f32 $1.442695020e+00, v8;
	v13 =	vmax.f32 v13, v18;
	(erf) = vpow2.f32 v7;
	v7 =	vld [tilespmem:s0+$0x60]  }
0xc2: {  	(erf) = vpow2.f32 v9;
	v9 =	vmul.f32 $1.442695020e+00, v10;
	v10 =	vsub.f32 v13, v0;
	v13 =	vld [tilespmem:s0+$0xFFFFFFA0]  }
0xc3: {  	v3 =	vld [tilespmem:s30+$0xFFFFFFF0];
	(erf) = vpow2.f32 v8  }
0xc4: {  	v16 =	vld [tilespmem:s30+$0x70];
	v8 =	vmul.f32 $2.000000030e-01, v14;
	v10 =	vmul.f32 $1.442695020e+00, v10  }
0xc5: {  	(erf) = vpow2.f32 v9;
	v9 =	vsub.f32 v11, v0;
	v11 =	vld [tilespmem:s0+$0xFFFFFFC0]  }
0xc6: {  	v8 =	vmax.f32 v14, v8;
	(erf) = vpow2.f32 v10;
	v10 =	vld [tilespmem:s1+$0xFFFFFFE0];
	v7 =	vadd.f32 v15, v7  }
0xc7: {  	v8 =	vsub.f32 v8, v0;
	v12 =	vadd.f32 v12, v13;
	v13 =	vld [tilespmem:s0+$0x0]  }
0xc8: {  	v1 =	vld [tilespmem:s30+$0xFFFFFF90];
	v9 =	vmul.f32 $1.442695020e+00, v9;
	v21 =	vmul.f32 $2.000000030e-01, v7;
	v14 =	vpop (erf)  }
0xc9: {  	v4 =	vld [tilespmem:s30+$0x10];
	v8 =	vmul.f32 $1.442695020e+00, v8;
	v15 =	vbroadcast v14, $0x0  }
0xca: {  	v5 =	vld [tilespmem:s30+$0x30];
	(erf) = vpow2.f32 v9;
	v24 =	vmul.f32 $2.000000030e-01, v12;
	v7 =	vmax.f32 v7, v21  }
0xcb: {  	v6 =	vld [tilespmem:s30+$0x50];
	v25 =	vadd.f32 v10, v11;
	v7 =	vsub.f32 v7, v0;
	v15 =	vmul.f32 v15, v16;
	v16 =	vpop (erf)  }
0xcc: {  	[tilespmem:s30+$0x60] =	vst v14;
	v14 =	vld [tilespmem:s1+$0x20];
	(erf) = vpow2.f32 v8;
	v23 =	vadd.f32 v23, v13;
	v13 =	vmul.f32 $2.000000030e-01, v19;
	v21 =	vpop (erf)  }
0xcd: {  	v2 =	vld [tilespmem:s30+$0xFFFFFFD0];
	v12 =	vmax.f32 v12, v24;
	v22 =	vbroadcast v16, $0x0;
	v7 =	vmul.f32 $1.442695020e+00, v7;
	v27 =	vpop (erf)  }
0xce: {  	v18 =	vld [tilespmem:s1+$0xFFFFFFC0];
	v12 =	vsub.f32 v12, v0;
	v29 =	vmul.f32 $2.000000030e-01, v25;
	v9 =	vbroadcast v21, $0x0;
	[tilespmem:s30+$0x70] =	vst v15;
	v30 =	vpop (erf)  }
0xcf: {  	v24 =	vld [tilespmem:s0+$0xFFFFFF80];
	[tilespmem:s30+$0xFFFFFFC0] =	vst v21;
	v19 =	vmax.f32 v19, v13;
	v21 =	vmul.f32 $2.000000030e-01, v23;
	v15 =	vpop (erf);
	(erf) = vpow2.f32 v7  }
0xd0: {  	v11 =	vld [tilespmem:s0+$0xFFFFFF90];
	[tilespmem:s30+$0xFFFFFFA0] =	vst v16;
	v8 =	vbroadcast v27, $0x0;
	v22 =	vmul.f32 v22, v17;
	v16 =	vmax.f32 v25, v29  }
0xd1: {  	v13 =	vld [tilespmem:s0+$0xFFFFFFD0];
	v25 =	vadd.f32 v28, v26;
	v28 =	vmul.f32 $1.442695020e+00, v12;
	v29 =	vadd.f32 v14, v20  }
0xd2: {  	v12 =	vld [tilespmem:s0+$0xFFFFFFF0];
	v10 =	vbroadcast v30, $0x0;
	v17 =	vbroadcast v15, $0x0;
	[tilespmem:s30+$0xFFFFFF80] =	vst v15;
	v15 =	vsub.f32 v16, v0  }
0xd3: {  	v14 =	vld [tilespmem:s0+$0x10];
	v16 =	vsub.f32 v19, v0;
	[tilespmem:s30+$0xFFFFFFB0] =	vst v22;
	v19 =	vmax.f32 v23, v21;
	v22 =	vmul.f32 $2.000000030e-01, v25  }
0xd4: {  	[tilespmem:s30+$0xFFFFFFE0] =	vst v27;
	v7 =	vld [tilespmem:s0+$0xFFFFFFB0];
	v23 =	vadd.f32 v18, v24;
	v27 =	vmul.f32 $2.000000030e-01, v29;
	v19 =	vsub.f32 v19, v0  }
0xd5: {  	[tilespmem:s30+$0x0] =	vst v30;
	v24 =	vld [tilespmem:s0+$0x70];
	v31 =	vpop (erf);
	v20 =	vmul.f32 $1.442695020e+00, v15;
	v21 =	vmul.f32 $1.442695020e+00, v16;
	v16 =	vmax.f32 v25, v22  }
0xd6: {  	v15 =	vld [tilespmem:s0+$0x30];
	[tilespmem:s30+$0x20] =	vst v31;
	v26 =	vmul.f32 $2.000000030e-01, v23;
	v22 =	vmul.f32 $1.442695020e+00, v19;
	v25 =	vsub.f32 v16, v0;
	v18 =	vpop (erf)  }
0xd7: {  	s2 =	simm.s32 $0x8;
	s17 =	simm.s32 $0x3880;
	v27 =	vmax.f32 v29, v27;
	v16 =	vld [tilespmem:s0+$0x50];
	v19 =	vbroadcast v31, $0x0;
	(erf) = vpow2.f32 v28;
	[tilespmem:s30+$0x40] =	vst v18  }
.LBB2_5:
0xd8: {  	v28 =	vld [tilespmem:s17+$0x60];
	v23 =	vmax.f32 v23, v26;
	v25 =	vmul.f32 $1.442695020e+00, v25;
	v26 =	vsub.f32 v27, v0;
	s1 =	sadd.s32 $0x80, s1;
	v27 =	vpop (erf)  }
0xd9: {  	s2 =	sadd.s32 $0x8, s2;
	v29 =	vld [tilespmem:s1+$0x30];
	v23 =	vsub.f32 v23, v0;
	[tilespmem:s0+$0x60] =	vst v27;
	v27 =	vbroadcast v27, $0x0;
	(erf) = vpow2.f32 v20  }
0xda: {  	p0 =	slt.u32 s2, $0x178;
	v20 =	vld [tilespmem:s1+$0xFFFFFFC0];
	v26 =	vmul.f32 $1.442695020e+00, v26;
	(erf) = vpow2.f32 v21  }
0xdb: {  	v21 =	vld [tilespmem:s17+$0xFFFFFFA0];
	v23 =	vmul.f32 $1.442695020e+00, v23;
	v24 =	vmul.f32 v27, v24  }
0xdc: {  	v18 =	vbroadcast v18, $0x0;
	v27 =	vld [tilespmem:s1+$0xFFFFFFD0];
	(erf) = vpow2.f32 v22  }
0xdd: {  	v17 =	vmul.f32 v17, v1;
	v1 =	vmov v11;
	v22 =	vld [tilespmem:s17+$0xFFFFFFC0];
	[tilespmem:s0+$0x70] =	vst v24;
	(erf) = vpow2.f32 v23  }
0xde: {  	v9 =	vmul.f32 v9, v2;
	v2 =	vmovc v13;
	v11 =	vld [tilespmem:s1+$0xFFFFFFE0];
	v23 =	vadd.f32 v29, v28;
	(erf) = vpow2.f32 v25  }
0xdf: {  	v8 =	vmul.f32 v8, v3;
	v3 =	vmov v12;
	v13 =	vld [tilespmem:s17+$0xFFFFFFE0];
	(erf) = vpow2.f32 v26;
	[tilespmem:s30+$0xFFFFFF90] =	vst v17  }
0xe0: {  	v12 =	vld [tilespmem:s1+$0xFFFFFFF0];
	v17 =	vmul.f32 $2.000000030e-01, v23;
	v24 =	vpop (erf);
	[tilespmem:s30+$0xFFFFFFD0] =	vst v9;
	v9 =	vmul.f32 v10, v4;
	v4 =	vmov v14  }
0xe1: {  	v10 =	vadd.f32 v27, v21;
	v14 =	vld [tilespmem:s17+$0x0];
	v21 =	vbroadcast v24, $0x0;
	[tilespmem:s30+$0xFFFFFFF0] =	vst v8;
	v8 =	vmul.f32 v19, v5;
	v5 =	vmovc v15  }
0xe2: {  	v18 =	vmul.f32 v18, v6;
	v6 =	vmov v16;
	v15 =	vld [tilespmem:s1+$0x0];
	v17 =	vmax.f32 v23, v17;
	v19 =	vpop (erf);
	[tilespmem:s30+$0x10] =	vst v9  }
0xe3: {  	v16 =	vmul.f32 $2.000000030e-01, v10;
	v22 =	vadd.f32 v11, v22;
	v23 =	vld [tilespmem:s17+$0x20];
	v11 =	vsub.f32 v17, v0;
	v25 =	vpop (erf);
	[tilespmem:s30+$0x30] =	vst v8  }
0xe4: {  	v9 =	vbroadcast v19, $0x0;
	v26 =	vld [tilespmem:s1+$0x10];
	v8 =	vbroadcast v25, $0x0;
	[tilespmem:s30+$0x50] =	vst v18;
	s30 =	smov.u32 s0;
	s0 =	smov.u32 s17  }
0xe5: {  	v17 =	vmul.f32 $2.000000030e-01, v22;
	v12 =	vadd.f32 v12, v13;
	v27 =	vld [tilespmem:s17+$0x40];
	v11 =	vmul.f32 $1.442695020e+00, v11;
	[tilespmem:s30+$0xFFFFFFA0] =	vst v24;
	v24 =	vpop (erf)  }
0xe6: {  	v7 =	vmul.f32 v21, v7;
	v13 =	vmax.f32 v10, v16;
	v16 =	vld [tilespmem:s1+$0x20];
	[tilespmem:s30+$0xFFFFFFC0] =	vst v19;
	v10 =	vbroadcast v24, $0x0;
	v18 =	vpop (erf)  }
0xe7: {  	v19 =	vld [tilespmem:s17+$0xFFFFFF80];
	v21 =	vmul.f32 $2.000000030e-01, v12;
	v14 =	vadd.f32 v15, v14;
	(erf) = vpow2.f32 v11;
	[tilespmem:s30+$0xFFFFFF80] =	vst v18;
	v28 =	vpop (erf)  }
0xe8: {  	v13 =	vsub.f32 v13, v0;
	v15 =	vmax.f32 v22, v17;
	v17 =	vbroadcast v18, $0x0;
	v11 =	vld [tilespmem:s17+$0xFFFFFF90];
	[tilespmem:s30+$0xFFFFFFB0] =	vst v7;
	v18 =	vpop (erf)  }
0xe9: {  	v7 =	vld [tilespmem:s17+$0xFFFFFFB0];
	v12 =	vmax.f32 v12, v21;
	v21 =	vmul.f32 $2.000000030e-01, v14;
	v22 =	vadd.f32 v26, v23;
	[tilespmem:s30+$0xFFFFFFE0] =	vst v25  }
0xea: {  	v29 =	vmul.f32 $1.442695020e+00, v13;
	v15 =	vsub.f32 v15, v0;
	v13 =	vld [tilespmem:s17+$0xFFFFFFD0];
	v25 =	vsub.f32 v12, v0;
	[tilespmem:s30+$0x0] =	vst v24  }
.Ltmp1:
0xeb: {  	v12 =	vld [tilespmem:s17+$0xFFFFFFF0];
	v14 =	vmax.f32 v14, v21;
	v24 =	vmul.f32 $2.000000030e-01, v22;
	v16 =	vadd.f32 v16, v27;
	[tilespmem:s30+$0x20] =	vst v28;
	(pc) =	sbr.rel @p0 .LBB2_5-.Ltmp1, $4  }
0xec: {  	v23 =	vadd.f32 v20, v19;
	v20 =	vmul.f32 $1.442695020e+00, v15;
	v19 =	vsub.f32 v14, v0;
	v14 =	vld [tilespmem:s17+$0x10];
	[tilespmem:s30+$0x40] =	vst v18  }
0xed: {  	v21 =	vmul.f32 $1.442695020e+00, v25;
	v24 =	vmax.f32 v22, v24;
	v15 =	vld [tilespmem:s17+$0x30];
	v27 =	vmul.f32 $2.000000030e-01, v16  }
0xee: {  	v26 =	vmul.f32 $2.000000030e-01, v23;
	v22 =	vmul.f32 $1.442695020e+00, v19;
	v25 =	vsub.f32 v24, v0;
	v24 =	vld [tilespmem:s17+$0x70]  }
0xef: {  	s17 =	sadd.s32 $0x100, s17;
	v19 =	vbroadcast v28, $0x0;
	v27 =	vmax.f32 v16, v27;
	v16 =	vld [tilespmem:s0+$0x50];
	(erf) = vpow2.f32 v29  }
0xf0: {  	v52 =	vpop (erf);
	(erf) = vpow2.f32 v20  }
0xf1: {  	v23 =	vmax.f32 v23, v26;
	v1 =	vmul.f32 v17, v1;
	v56 =	vmul.f32 $1.442695020e+00, v25  }
0xf2: {  	v2 =	vmul.f32 v9, v2;
	v23 =	vsub.f32 v23, v0;
	(erf) = vpow2.f32 v21  }
0xf3: {  	v53 =	vbroadcast v52, $0x0;
	[tilespmem:s0+$0x60] =	vst v52;
	(erf) = vpow2.f32 v22  }
0xf4: {  	[tilespmem:s30+$0xFFFFFF90] =	vst v1;
	v1 =	vmul.f32 v8, v3;
	v54 =	vmul.f32 $1.442695020e+00, v23  }
0xf5: {  	v55 =	vsub.f32 v27, v0;
	v3 =	vbroadcast v18, $0x0;
	[tilespmem:s30+$0xFFFFFFD0] =	vst v2;
	v2 =	vmul.f32 v10, v4  }
0xf6: {  	v20 =	vmul.f32 v53, v24;
	[tilespmem:s30+$0xFFFFFFF0] =	vst v1;
	(erf) = vpow2.f32 v54  }
0xf7: {  	v57 =	vmul.f32 $1.442695020e+00, v55;
	v1 =	vmul.f32 v19, v5;
	[tilespmem:s30+$0x10] =	vst v2  }
0xf8: {  	v2 =	vmul.f32 v3, v6;
	[tilespmem:s0+$0x70] =	vst v20;
	(erf) = vpow2.f32 v56  }
0xf9: {  	[tilespmem:s30+$0x30] =	vst v1;
	(erf) = vpow2.f32 v57  }
0xfa: {  	[tilespmem:s30+$0x50] =	vst v2;
	v58 =	vpop (erf)  }
0xfb: {  	v3 =	vpop (erf);
	v1 =	vbroadcast v58, $0x0;
	[tilespmem:s0+$0xFFFFFFA0] =	vst v58  }
0xfc: {  	v59 =	vpop (erf);
	[tilespmem:s0+$0xFFFFFFC0] =	vst v3;
	v3 =	vbroadcast v3, $0x0  }
0xfd: {  	v2 =	vpop (erf);
	v1 =	vmul.f32 v1, v7;
	[tilespmem:s0+$0xFFFFFFE0] =	vst v59  }
0xfe: {  	[tilespmem:s0+$0x0] =	vst v2;
	v3 =	vmul.f32 v3, v13  }
0xff: {  	v2 =	vbroadcast v2, $0x0;
	[tilespmem:s0+$0xFFFFFFB0] =	vst v1;
	v60 =	vpop (erf)  }
0x100: {  	[tilespmem:s0+$0xFFFFFFD0] =	vst v3;
	v1 =	vbroadcast v60, $0x0  }
0x101: {  	v2 =	vmul.f32 v2, v14;
	[tilespmem:s0+$0xFFFFFF80] =	vst v60;
	v61 =	vpop (erf)  }
0x102: {  	v5 =	vbroadcast v59, $0x0;
	v62 =	vpop (erf);
	[tilespmem:s0+$0x20] =	vst v61;
	v1 =	vmul.f32 v1, v11  }
0x103: {  	[tilespmem:s0+$0x10] =	vst v2;
	v63 =	vbroadcast v62, $0x0  }
0x104: {  	v4 =	vbroadcast v61, $0x0;
	[tilespmem:s0+$0xFFFFFF90] =	vst v1;
	v1 =	vmul.f32 v5, v12  }
0x105: {  	[tilespmem:s0+$0x40] =	vst v62;
	v2 =	vmul.f32 v63, v16  }
0x106: {  	s29 =	sadd.s32 $0x1, s29;
	[tilespmem:s0+$0xFFFFFFF0] =	vst v1;
	v1 =	vmul.f32 v4, v15  }
0x107: {  	p0 =	sne.s32 s29, $0xE;
	[tilespmem:s0+$0x50] =	vst v2  }
.Ltmp2:
0x108: {  	[tilespmem:s0+$0x30] =	vst v1;
	(pc) =	sbr.rel @p0 .LBB2_2-.Ltmp2, $4  }
0x109: {  	[spmem:s3] =	stream.indirect.scatter.add.f32 [tilespmem:s22], [sflag:$0x3], $0x20, s23, s18, $0xb8;
	[tilespmem:$0xE510] =	vst v63  }
0x10a: {  	_ =	swait.ge [sflag:s16], $0x3000  }
0x10b: {  	[sflag:s16] =	ssyncset.done $0x0  }
0x10c: {  	[sflag:s16] =	ssyncadd.s32 $0xFFFFD000  }
0x10d: {  	_ =	swait.ge [sflag:s25], $0x3000  }
0x10e: {  	[sflag:s25] =	ssyncset.done $0x0  }
0x10f: {  	[sflag:s25] =	ssyncadd.s32 $0xFFFFD000  }
0x110: {  	_ =	swait.ge [sflag:s25], $0x1800  }
0x111: {  	s28 =	sadd.s32 $0x1, s28;
	[sflag:s25] =	ssyncset.done $0x0  }
0x112: {  	p0 =	sne.s32 s28, s14;
	[sflag:s25] =	ssyncadd.s32 $0xFFFFE800  }
.Ltmp3:
0x113: {  	[bflag:$0x0] =	sbarrier.arrive $0xFFFF;
	(pc) =	sbr.rel @p0 .LBB2_1-.Ltmp3, $4  }
0x114: {  	[hbm:s13], [sflag:s9] =	dma.local [spmem:s15], $0x9E0  }
0x115: {  	_ =	swait.ge [sflag:s16], $0x9E0  }
0x116: {  	[sflag:s16] =	ssyncset.done $0x0  }
0x117: {  	[sflag:s16] =	ssyncadd.s32 $0xFFFFF620  }
0x118: {  	_ =	sfence.sel $0x180000  }
0x119: {  	[bflag:$0x0] =	sbarrier.arrive $0xFFFF  }
0x11a: {  	_ =	strace $0x9000004A  }
0x11b: {  	s0 =	stileid.u32;
	[bflag:$0x2] =	sbarrier.arrive $0xFFFF  }
0x11c: {  	p0 =	sne.s32 s0, $0x0;
	s0 =	rddreg [dreg:$0x3]  }
0x11d: {  	s0 =	sadd.s32 @!p0 $0x100000, s0  }
0x11e: {  	[sflag:s0] =	ssyncadd.tile.s32 @!p0 $0x1;
	_ =	shalt  }
.Lfunc_end2:
_tile_overlayer_lowered:
.L_overlay_start_2:
0x11f: {  	(tag) =	ssettag $0x2  }
0x120: {  	s0 =	rddreg [dreg:$0x0];
	s2 =	stileid.u32  }
0x121: {  	s1 =	rddreg [dreg:$0x1];
	p0 =	sne.s32 s2, $0x0  }
0x122: {  	s3 =	rddreg [dreg:$0x2];
	[bflag:$0x3] =	sbarrier.arrive $0xFFFF;
	s2 =	simm.s32 @!p0 $0x1C03  }
0x123: {  	[timem:s3], [sflag:s2] =	dma.local @!p0 [hbm:s0], s1  }
0x124: {  	s0 =	simm.s32 @!p0 $0x3  }
0x125: {  	_ =	swait.ge @!p0 [sflag:s0], s1  }
0x126: {  	s1 =	ssub.s32 @!p0 $0x0, s1;
	[sflag:s0] =	ssyncset.done @!p0 $0x0  }
0x127: {  	[sflag:s0] =	ssyncadd.s32 @!p0 s1  }
0x128: {  	[bflag:$0x3] =	sbarrier.arrive $0xFFFF  }
0x129: {  	_ =	shalt  }

// kernel: kernel.7.cloned.1.call-start
scs
__scs_entry_jumppad:
0x0: {  	(pc) =	sbr.rel $0x88, $3  }
0x1: {  	(tag) =	ssettag $0x0;
	lr =	simm.s32 $0x1  }
0x2: {  	[smem:$0x3F97] =	sst lr;
	_ =	strace $0xD0000000  }
0x3: {  	_ = 	snop  }
0x4: {  	_ = 	snop  }
0x5: {  	_ = 	snop  }
0x6: {  	_ = 	snop  }
0x7: {  	_ = 	snop  }
__scs_overlays_trampoline_lowered:
0x8: {  	[smem:$0x3FA6] =	sst s0  }
0x9: {  	[smem:$0x3FA7] =	sst s1  }
0xa: {  	[smem:$0x3FA8] =	sst s2  }
0xb: {  	[smem:$0x3FA9] =	sst s3  }
0xc: {  	[smem:$0x3FAA] =	sst s4  }
0xd: {  	[smem:$0x3FAB] =	sst s5  }
0xe: {  	[smem:$0x3FAC] =	sst s6  }
0xf: {  	[smem:$0x3FAD] =	sst s7  }
0x10: {  	[smem:$0x3FAE] =	sst s8  }
0x11: {  	[smem:$0x3FAF] =	sst s9;
	s0 =	simm.s32 @!p0 $0x0  }
0x12: {  	s1 =	sld [smem:$0x3F95];
	s0 =	simm.s32 @p0 $0x1  }
0x13: {  	[smem:$0x3FB0] =	sst s0;
	s0 =	simm.s32 @!p1 $0x0  }
0x14: {  	s2 =	sld [smem:$0x3F94];
	s0 =	simm.s32 @p1 $0x1  }
0x15: {  	[smem:$0x3FB1] =	sst s0;
	s0 =	simm.s32 @!p2 $0x0  }
0x16: {  	s3 =	sld [smem:$0x3FDB];
	s0 =	simm.s32 @p2 $0x1  }
0x17: {  	s4 =	simm.s32 $0x1BF5;
	[smem:$0x3FB3] =	sst s0  }
0x18: {  	s0 =	sld [smem:$0x3F96];
	_ =	swait.ge [sflag:s4], $0x0  }
0x19: {  	s7 =	sld [smem:$0x3F97]  }
0x1a: {  	s8 =	sadd.s32 $0xFFFFE003, lr  }
0x1b: {  	s9 =	sadd.s32 $0xFFFFFEF7, lr;
	s5 =	simm.s32 $0xFFFFFFFF;
	p2 =	slt.u32 s8, $0xFFFFF086  }
0x1c: {  	p1 =	slt.u32 s9, $0xF7A;
	s5 =	simm.s32 @!p2 $0x0  }
0x1d: {  	s5 =	simm.s32 @p1 $0x1;
	p0 =	seq.s32 s7, s2  }
0x1e: {  	s7 =	smul.u32 @!p0 $0xF7A, s2;
	p2 =	seq.s32 @!p0 s5, $0x0  }
0x1f: {  	s9 =	smul.u32 $0xF7A, s1;
	s8 =	simm.s32 @!p0 $0x1BF5;
	p2 =	por !p2, p0  }
0x20: {  	[sflag:s8] =	ssyncset.s32 @!p0 $0xFFFFF086;
	s6 =	sadd.s32 @!p0 s3, s7;
	s7 =	simm.s32 @!p0 $0x108  }
0x21: {  	s3 =	sadd.s32 s3, s9;
	s6 =	sadd.s32 @!p0 $0x88, s6;
	s7 =	simm.s32 @p2 $0x1082  }
0x22: {  	[simem:s7], [sflag:s8] =	dma.local @!p0 [hbm:s6], $0xF7A  }
0x23: {  	s9 =	sor.u32 $0xD0000000, s2;
	s6 =	simm.s32 $0x108;
	_ =	swait.ge @!p0 [sflag:s8], $0x0  }
0x24: {  	s3 =	sadd.s32 $0x88, s3;
	s6 =	simm.s32 @!p1 $0x1082;
	[sflag:s4] =	ssyncset.s32 $0xFFFFF086  }
0x25: {  	[simem:s6], [sflag:s4] =	dma.local [hbm:s3], $0xF7A  }
0x26: {  	[smem:$0x3F97] =	sst s1;
	(tag) =	ssettag s2;
	_ =	strace s9  }
0x27: {  	s1 =	sld [smem:$0x3FA7]  }
0x28: {  	s2 =	sld [smem:$0x3FA8]  }
0x29: {  	s4 =	sld [smem:$0x3FAA]  }
0x2a: {  	p0 =	seq.s32 s5, $0x0;
	s5 =	sld [smem:$0x3FAB]  }
0x2b: {  	s6 =	sld [smem:$0x3FAC]  }
0x2c: {  	s7 =	sld [smem:$0x3FAD]  }
0x2d: {  	s3 =	simm.s32 $0x108;
	s8 =	sld [smem:$0x3FAE]  }
0x2e: {  	s3 =	simm.s32 @!p0 $0x1082;
	s9 =	sld [smem:$0x3FAF]  }
0x2f: {  	lr =	sadd.s32 s0, s3;
	s0 =	sld [smem:$0x3FA6]  }
0x30: {  	s3 =	sld [smem:$0x3FA9]  }
0x31: {  	[smem:$0x3FB2] =	sst s10  }
0x32: {  	s10 =	sld [smem:$0x3FB0];
	_ =	sdelay $0x3  }
0x33: {  	p0 =	seq.s32 s10, $0x1;
	s10 =	sld [smem:$0x3FB2];
	_ =	sdelay $0x3  }
0x34: {  	[smem:$0x3FB2] =	sst s10  }
0x35: {  	s10 =	sld [smem:$0x3FB1];
	_ =	sdelay $0x3  }
0x36: {  	p1 =	seq.s32 s10, $0x1;
	s10 =	sld [smem:$0x3FB2];
	_ =	sdelay $0x3  }
0x37: {  	[smem:$0x3FB2] =	sst s10  }
0x38: {  	s10 =	sld [smem:$0x3FB3]  }
0x39: {  	_ = 	snop;
	(pc) =	sbr.ind lr, $3  }
0x3a: {  	_ = 	snop  }
0x3b: {  	_ = 	snop  }
0x3c: {  	p2 =	seq.s32 s10, $0x1;
	s10 =	sld [smem:$0x3FB2]  }
0x3d: {  	_ =	shalt  }
0x3e: {  	_ =	shalt  }
0x3f: {  	_ =	shalt  }
0x40: {  	_ =	shalt  }
0x41: {  	_ =	shalt  }
0x42: {  	_ =	shalt  }
0x43: {  	_ =	shalt  }
0x44: {  	_ =	shalt  }
0x45: {  	_ =	shalt  }
0x46: {  	_ =	shalt  }
0x47: {  	_ =	shalt  }
0x48: {  	_ =	shalt  }
0x49: {  	_ =	shalt  }
0x4a: {  	_ =	shalt  }
0x4b: {  	_ =	shalt  }
0x4c: {  	_ =	shalt  }
0x4d: {  	_ =	shalt  }
0x4e: {  	_ =	shalt  }
0x4f: {  	_ =	shalt  }
0x50: {  	_ =	shalt  }
0x51: {  	_ =	shalt  }
0x52: {  	_ =	shalt  }
0x53: {  	_ =	shalt  }
0x54: {  	_ =	shalt  }
0x55: {  	_ =	shalt  }
0x56: {  	_ =	shalt  }
0x57: {  	_ =	shalt  }
0x58: {  	_ =	shalt  }
0x59: {  	_ =	shalt  }
0x5a: {  	_ =	shalt  }
0x5b: {  	_ =	shalt  }
0x5c: {  	_ =	shalt  }
0x5d: {  	_ =	shalt  }
0x5e: {  	_ =	shalt  }
0x5f: {  	_ =	shalt  }
0x60: {  	_ =	shalt  }
0x61: {  	_ =	shalt  }
0x62: {  	_ =	shalt  }
0x63: {  	_ =	shalt  }
0x64: {  	_ =	shalt  }
0x65: {  	_ =	shalt  }
0x66: {  	_ =	shalt  }
0x67: {  	_ =	shalt  }
0x68: {  	_ =	shalt  }
0x69: {  	_ =	shalt  }
0x6a: {  	_ =	shalt  }
0x6b: {  	_ =	shalt  }
0x6c: {  	_ =	shalt  }
0x6d: {  	_ =	shalt  }
0x6e: {  	_ =	shalt  }
0x6f: {  	_ =	shalt  }
0x70: {  	_ =	shalt  }
0x71: {  	_ =	shalt  }
0x72: {  	_ =	shalt  }
0x73: {  	_ =	shalt  }
0x74: {  	_ =	shalt  }
0x75: {  	_ =	shalt  }
0x76: {  	_ =	shalt  }
0x77: {  	_ =	shalt  }
0x78: {  	_ =	shalt  }
0x79: {  	_ =	shalt  }
0x7a: {  	_ =	shalt  }
0x7b: {  	_ =	shalt  }
0x7c: {  	_ =	shalt  }
0x7d: {  	_ =	shalt  }
0x7e: {  	_ =	shalt  }
0x7f: {  	_ =	shalt  }
0x80: {  	_ =	shalt  }
0x81: {  	_ =	shalt  }
0x82: {  	_ =	shalt  }
0x83: {  	_ =	shalt  }
0x84: {  	_ =	shalt  }
0x85: {  	_ =	shalt  }
0x86: {  	_ =	shalt  }
0x87: {  	_ =	shalt  }
.Lfunc_end0:
.L_simem_size_0:
called_computation_lowered:
.L_overlay_start_0:
0x88: {  	s2 =	sld [smem:$0x3FD9]  }
0x89: {  	s3 =	sld [smem:$0x3FFE];
	_ =	sdelay $0x1  }
0x8a: {  	s1 =	srdreg.scid  }
0x8b: {  	s0 =	sand.u32 $0x1, s1  }
0x8c: {  	s17 =	sshll.u32 s0, $0xA;
	s2 =	sadd.s32 s3, s2  }
0x8d: {  	s2 =	sadd.s32 s2, s17  }
0x8e: {  	[smem:$0x3FBE] =	sst s2  }
0x8f: {  	_ = 	snop  }
0x90: {  	s2 =	sld [smem:$0x3FD0];
	(tm) =	ssettm $0x1  }
0x91: {  	s18 =	sld [smem:$0x3FFB];
	_ =	sdelay $0x3  }
0x92: {  	_ =	strace s18  }
0x93: {  	s3 =	sld [smem:$0x3FFC];
	_ =	sdelay $0x3  }
0x94: {  	_ =	strace s3  }
0x95: {  	s3 =	sld [smem:$0x3FFD];
	_ =	sdelay $0x3  }
0x96: {  	_ =	strace s3  }
0x97: {  	_ =	strace $0x8FFFFFFF  }
0x98: {  	s19 =	sld [smem:$0x3FDB];
	_ =	sdelay $0x1  }
0x99: {  	s4 =	simm.s32 $_scs_section_size  }
0x9a: {  	s5 =	simm.s32 $_size__tile_overlayer_lowered;
	s6 =	simm.s32 $_tile_overlayer_lowered  }
0x9b: {  	s22 =	simm.s32 $0x1BFF;
	s21 =	sshll.u32 s6, $0x1;
	s3 =	sadd.s32 s4, s19  }
0x9c: {  	s7 =	simm.s32 $0x0;
	s20 =	sshll.u32 s5, $0x1;
	s5 =	sadd.s32 s21, s3  }
0x9d: {  	[timem:s7], [sflag:s22] =	dma.local [hbm:s5], s20  }
0x9e: {  	_ =	swait.ge [sflag:s22], s20  }
0x9f: {  	s4 =	ssub.s32 $0x0, s20;
	[sflag:s22] =	ssyncset.done $0x0  }
0xa0: {  	[sflag:s22] =	ssyncadd.s32 s4;
	_ =	sdelay $0x1  }
0xa1: {  	s23 =	simm.s32 $0x1B8B  }
0xa2: {  	_ =	swait.ge [sflag:s23], $0x1  }
0xa3: {  	[sflag:s23] =	ssyncset.done $0x0  }
0xa4: {  	s25 =	simm.s32 $0x1B8E;
	s24 =	sld [smem:$0x3FFE];
	[sflag:s23] =	ssyncadd.s32 $0xFFFFFFFF  }
0xa5: {  	s26 =	simm.s32 $execute0_lowered;
	[smem:$0x3FD2] =	sst s25  }
0xa6: {  	s5 =	sshll.u32 s26, $0x1;
	_ =	strace $0x80000046;
	[dreg:$0x1] =	wrdreg $0xFFFFFFFF  }
0xa7: {  	s28 =	simm.s32 $_size_execute0_lowered;
	s3 =	sadd.s32 s3, s5;
	[dreg:$0x0] =	wrdreg $0x0  }
0xa8: {  	s5 =	sshll.u32 s28, $0x1;
	[dreg:$0x2] =	wrdreg s3  }
0xa9: {  	[dreg:$0x3] =	wrdreg s5  }
0xaa: {  	[dreg:$0x4] =	wrdreg $0xC0  }
0xab: {  	_ =	task [dreg:s7], $0x5FFFF  }
0xac: {  	[dreg:$0x1] =	wrdreg $0xFFFFFFFF  }
0xad: {  	[dreg:$0x0] =	wrdreg $0x60  }
0xae: {  	[dreg:$0x2] =	wrdreg s24  }
0xaf: {  	[dreg:$0x3] =	wrdreg s2  }
0xb0: {  	[dreg:$0x4] =	wrdreg $0x8DD00  }
0xb1: {  	[dreg:$0x5] =	wrdreg $0x9  }
0xb2: {  	_ =	task.clear_ibuf [dreg:s7], $0x6FFFF;
	_ =	strace $0x90000046  }
0xb3: {  	s29 =	simm.s32 $0x9;
	_ =	strace $0x80000048  }
0xb4: {  	_ =	swait.ge [sflag:s29], $0x1  }
0xb5: {  	[sflag:s29] =	ssyncadd.s32 $0xFFFFFFFF  }
0xb6: {  	_ =	strace $0x90000048  }
0xb7: {  	_ =	sfence  }
0xb8: {  	s30 =	sld [smem:$0x0];
	_ =	sdelay $0x2  }
0xb9: {  	s31 =	sshll.u32 s1, $0xD;
	s1 =	sshrl.u32 s1, $0x2  }
0xba: {  	s3 =	sand.u32 $0x4000, s31;
	s1 =	sadd.s32 s1, s30  }
0xbb: {  	s0 =	sor.u32 s3, s0;
	s1 =	sshll.u32 s1, $0x11  }
0xbc: {  	s0 =	sor.u32 s1, s0  }
0xbd: {  	s0 =	sadd.s32 $0x8F2B, s0  }
0xbe: {  	[sflag:s0] =	ssyncadd.remote.s32 $0x1  }
0xbf: {  	_ =	sfence.sel $0xFFFF  }
0xc0: {  	[dreg:$0x0] =	wrdreg $0xFFFFFFFF;
	(pc) =	sbr.abs _section_cstart, $3  }
0xc1: {  	[dreg:$0x1] =	wrdreg $0xFFFFFFFF  }
0xc2: {  	_ =	task.clear_ibuf [dreg:s7], $0x2FFFF;
	_ =	strace $0x9FFFFFFF  }
0xc3: {  	(tm) =	ssettm $0x7FFFFFFF  }
tec
execute0_lowered:
.L_overlay_start_1:
0x0: {  	(tag) =	ssettag $0x1  }
0x1: {  	s0 =	rddreg [dreg:$0x0]  }
0x2: {  	s3 =	rddreg [dreg:$0x2]  }
0x3: {  	s4 =	simm.s32 $0x0;
	s12 =	stileid.u32;
	s1 =	srdreg.scid  }
0x4: {  	s16 =	simm.s32 $0x3;
	s17 =	simm.s32 $0x8DC0;
	s18 =	simm.s32 $0x70  }
0x5: {  	s19 =	simm.s32 $0x1C0;
	s20 =	simm.s32 $0x7FC0;
	s21 =	simm.s32 $0xE0  }
0x6: {  	s22 =	simm.s32 $0x40C0;
	s23 =	simm.s32 $0x150;
	s24 =	simm.s32 $0x86C0  }
0x7: {  	s25 =	simm.s32 $0x1;
	s26 =	simm.s32 $0x2;
	s28 =	simm.s32 $0x0  }
0x8: {  	[smem:$0x7FF] =	sst s4;
	s2 =	smul.u32 $0x16380, s12;
	s1 =	sand.u32 $0x1, s1  }
0x9: {  	s5 =	sadd.s32 $0x17200, s0;
	s6 =	sadd.s32 $0x43A00, s0;
	s7 =	sadd.s32 $0x2200, s0  }
0xa: {  	_ =	strace $0x80000047;
	s8 =	smul.u32 $0x163800, s1;
	s10 =	sshll.u32 s1, $0x4  }
0xb: {  	s1 =	ssub.s32 $0x2, s1;
	s9 =	sshrl.u32 s2, $0x3;
	s10 =	sor.u32 s12, s10  }
0xc: {  	s31 =	sshrl.u32 s1, $0x1;
	s12 =	sshll.u32 s12, $0x6;
	s9 =	sadd.s32 s9, s0  }
0xd: {  	s8 =	sadd.s32 s2, s8;
	s11 =	smul.u32 $0xA80, s10;
	s1 =	ssub.s32 s1, s31  }
0xe: {  	s13 =	smul.u32 $0x60, s10;
	s2 =	sadd.s32 s2, s3;
	s8 =	sshrl.u32 s8, $0x3  }
0xf: {  	s14 =	smax.u32 s1, $0x1;
	s15 =	sshrl.u32 s2, $0x3;
	s0 =	sadd.s32 s8, s0  }
0x10: {  	s8 =	sadd.s32 $0x48A00, s9;
	s9 =	sor.u32 $0x1C03, s12;
	s10 =	sadd.s32 s7, s11  }
0x11: {  	s11 =	sor.u32 $0x1, s13;
	s12 =	sor.u32 $0x2, s13;
	s13 =	sadd.s32 $0x75200, s0  }
.LBB2_1:
0x12: {  	[spmem:s15], [sflag:s9] =	dma.local [hbm:s8], $0x2C70  }
0x13: {  	_ =	swait.ge [sflag:s16], $0x2C70  }
0x14: {  	[sflag:s16] =	ssyncset.done $0x0  }
0x15: {  	[sflag:s16] =	ssyncadd.s32 $0xFFFFD390  }
0x16: {  	s0 =	rddreg [dreg:$0x1]  }
0x17: {  	[tilespmem:s17], [sflag:$0x3] =	stream.linear.gather [hbm4b:s0+s4], $0x10, $0x38;
	[tilespmem:$0x1F150] =	vst v63  }
0x18: {  	_ =	swait.ge [sflag:s16], $0x10  }
0x19: {  	[sflag:s16] =	ssyncset.done $0x0  }
0x1a: {  	[sflag:s16] =	ssyncadd.s32 $0xFFFFFFF0  }
0x1b: {  	[bflag:$0x0] =	sbarrier.arrive $0xFFFF  }
0x1c: {  	v61 =	vld [tilespmem:$0x8DC0];
	[tilespmem:s4], [sflag:$0x3] =	stream.linear.gather [hbm4b:s10+s4], $0xE0, $0x38  }
0x1d: {  	_ =	swait.ge [sflag:s16], $0xE0  }
0x1e: {  	[sflag:s16] =	ssyncset.done $0x0  }
0x1f: {  	[sflag:s16] =	ssyncadd.s32 $0xFFFFFF20  }
0x20: {  	[tilespmem:s19], [sflag:$0x1] =	stream.indirect.gather [hbm4b:s5+s18], $0x90, s4, s18, $0xb8;
	[tilespmem:$0x1F150] =	vst v63  }
0x21: {  	s29 =	simm.s32 $0x0;
	[tilespmem:$0x1FFF0] =	vst v61  }
0x22: {  	[tilespmem:s20], [sflag:$0x1] =	stream.indirect.gather [hbm4b:s6+s18], $0x10, s18, s18, $0xb8;
	[tilespmem:$0x1F150] =	vst v63  }
.LBB2_2:
0x23: {  	s30 =	sshll.u32 s29, $0x1  }
0x24: {  	s0 =	sadd.s32 s30, s11  }
0x25: {  	s0 =	smul.u32 $0x1C, s0;
	_ =	sdelay $0x1  }
0x26: {  	s0 =	sadd.s32 s7, s0  }
0x27: {  	[tilespmem:s21], [sflag:$0x3] =	stream.linear.gather [hbm4b:s0+s4], $0xE0, $0x38;
	[tilespmem:$0x1F150] =	vst v63  }
0x28: {  	_ =	swait.ge [sflag:s16], $0xE0  }
0x29: {  	[sflag:s16] =	ssyncset.done $0x0  }
0x2a: {  	[sflag:s16] =	ssyncadd.s32 $0xFFFFFF20  }
0x2b: {  	[tilespmem:s22], [sflag:$0x2] =	stream.indirect.gather [hbm4b:s5+s18], $0x90, s21, s18, $0xb8;
	[tilespmem:$0x1F150] =	vst v63  }
0x2c: {  	_ = 	snop  }
0x2d: {  	[tilespmem:s24], [sflag:$0x2] =	stream.indirect.gather [hbm4b:s6+s18], $0x10, s23, s18, $0xb8;
	[tilespmem:$0x1F150] =	vst v63  }
0x2e: {  	_ =	swait.ge [sflag:s25], $0x3F00  }
0x2f: {  	[sflag:s25] =	ssyncset.done $0x0  }
0x30: {  	[sflag:s25] =	ssyncadd.s32 $0xFFFFC100  }
0x31: {  	_ =	swait.ge [sflag:s25], $0x700  }
0x32: {  	[sflag:s25] =	ssyncset.done $0x0  }
0x33: {  	s31 =	simm.s32 $0x2E0;
	[sflag:s25] =	ssyncadd.s32 $0xFFFFF900  }
0x34: {  	s0 =	simm.s32 $0x7FE0;
	v1 =	vld [tilespmem:s31+$0x90]  }
0x35: {  	v2 =	vld [tilespmem:s0+$0x10]  }
0x36: {  	v3 =	vld [tilespmem:s0+$0xFFFFFFE0]  }
0x37: {  	v4 =	vld [tilespmem:s31+$0xFFFFFF70]  }
0x38: {  	v7 =	vld [tilespmem:s0+$0xFFFFFFF0]  }
0x39: {  	v9 =	vld [tilespmem:s31+$0x0]  }
0x3a: {  	v10 =	vld [tilespmem:s0+$0x0];
	v1 =	vadd.f32 v2, v1  }
0x3b: {  	v2 =	vld [tilespmem:s31+$0xFFFFFEE0]  }
0x3c: {  	v5 =	vld [tilespmem:s31+$0xFFFFFEF0];
	v8 =	vmul.f32 $2.000000030e-01, v1  }
0x3d: {  	v6 =	vld [tilespmem:s31+$0xFFFFFF00];
	v4 =	vadd.f32 v7, v4  }
0x3e: {  	v12 =	vld [tilespmem:s31+$0xFFFFFF60];
	v1 =	vmax.f32 v1, v8  }
0x3f: {  	v15 =	vld [tilespmem:s31+$0xFFFFFFA0];
	v11 =	vmul.f32 $2.000000030e-01, v4;
	v1 =	vsub.f32 v1, v61  }
0x40: {  	v16 =	vld [tilespmem:s31+$0xFFFFFFB0];
	v2 =	vadd.f32 v3, v2  }
0x41: {  	v17 =	vld [tilespmem:s31+$0xFFFFFFC0];
	v13 =	vadd.f32 v10, v9;
	v3 =	vmax.f32 v4, v11;
	v1 =	vmul.f32 $1.442695020e+00, v1  }
0x42: {  	v18 =	vld [tilespmem:s31+$0xFFFFFFD0];
	v3 =	vsub.f32 v3, v61;
	v14 =	vmul.f32 $2.000000030e-01, v2  }
0x43: {  	v23 =	vld [tilespmem:s31+$0x110];
	v4 =	vmul.f32 $2.000000030e-01, v13;
	(erf) = vpow2.f32 v1  }
0x44: {  	v19 =	vld [tilespmem:s31+$0xFFFFFFE0];
	v1 =	vmax.f32 v2, v14;
	v2 =	vmul.f32 $1.442695020e+00, v3  }
0x45: {  	v22 =	vld [tilespmem:s31+$0xFFFFFFF0];
	v4 =	vmax.f32 v13, v4  }
0x46: {  	v20 =	vld [tilespmem:s31+$0x10];
	v3 =	vsub.f32 v4, v61;
	(erf) = vpow2.f32 v2  }
0x47: {  	v25 =	vld [tilespmem:s31+$0x20]  }
0x48: {  	v21 =	vld [tilespmem:s31+$0x30];
	v1 =	vsub.f32 v1, v61;
	v3 =	vmul.f32 $1.442695020e+00, v3  }
0x49: {  	v31 =	vld [tilespmem:s31+$0x40]  }
0x4a: {  	v26 =	vld [tilespmem:s31+$0x50];
	v1 =	vmul.f32 $1.442695020e+00, v1;
	(erf) = vpow2.f32 v3  }
0x4b: {  	v29 =	vld [tilespmem:s31+$0x60]  }
0x4c: {  	v27 =	vld [tilespmem:s31+$0x70];
	(erf) = vpow2.f32 v1;
	v33 =	vpop (erf)  }
0x4d: {  	v28 =	vld [tilespmem:s31+$0xC0];
	v3 =	vbroadcast v33, $0x0;
	v24 =	vbroadcast v33, $0x7  }
0x4e: {  	v30 =	vld [tilespmem:s31+$0xD0];
	v4 =	vbroadcast v33, $0x1;
	v2 =	vbroadcast v33, $0x2  }
0x4f: {  	v35 =	vld [tilespmem:s31+$0x80];
	v62 =	vbroadcast v33, $0x3;
	v34 =	vpop (erf);
	v23 =	vmul.f32 v23, v24  }
0x50: {  	v7 =	vld [tilespmem:s31+$0xFFFFFF10];
	v42 =	vbroadcast v34, $0x0;
	v39 =	vbroadcast v34, $0x1  }
0x51: {  	v9 =	vld [tilespmem:s31+$0xFFFFFF30];
	v40 =	vbroadcast v34, $0x2;
	v37 =	vbroadcast v34, $0x3  }
0x52: {  	v10 =	vld [tilespmem:s31+$0xFFFFFF40];
	v41 =	vbroadcast v34, $0x4;
	v38 =	vbroadcast v34, $0x5  }
0x53: {  	v8 =	vld [tilespmem:s31+$0xFFFFFF20];
	v52 =	vbroadcast v34, $0x6;
	v50 =	vbroadcast v34, $0x7;
	v36 =	vpop (erf)  }
0x54: {  	v11 =	vld [tilespmem:s31+$0xFFFFFF50];
	v51 =	vbroadcast v36, $0x0;
	v49 =	vbroadcast v36, $0x1  }
0x55: {  	v13 =	vld [tilespmem:s31+$0xFFFFFF80];
	v48 =	vbroadcast v36, $0x2;
	v47 =	vbroadcast v36, $0x3  }
0x56: {  	v14 =	vld [tilespmem:s31+$0xFFFFFF90];
	v46 =	vbroadcast v36, $0x4;
	v45 =	vbroadcast v36, $0x5  }
0x57: {  	[tilespmem:s31+$0x90] =	vst v33;
	v24 =	vld [tilespmem:s31+$0xB0];
	v32 =	vpop (erf);
	v44 =	vbroadcast v36, $0x6;
	v43 =	vbroadcast v36, $0x7  }
0x58: {  	[tilespmem:s31+$0xFFFFFF70] =	vst v34;
	v34 =	vld [tilespmem:s31+$0xF0];
	v59 =	vbroadcast v32, $0x0;
	v55 =	vbroadcast v32, $0x1  }
0x59: {  	[tilespmem:s31+$0x110] =	vst v23;
	v23 =	vld [tilespmem:s31+$0xA0];
	v60 =	vbroadcast v32, $0x2;
	v56 =	vbroadcast v32, $0x3  }
0x5a: {  	[tilespmem:s31+$0x0] =	vst v36;
	v36 =	vld [tilespmem:s31+$0x100];
	v58 =	vbroadcast v32, $0x4;
	v54 =	vbroadcast v32, $0x5  }
0x5b: {  	s2 =	simm.s32 $0x0;
	s1 =	simm.s32 $0x520;
	v57 =	vbroadcast v32, $0x6;
	v53 =	vbroadcast v32, $0x7;
	[tilespmem:s31+$0xFFFFFEE0] =	vst v32;
	v32 =	vld [tilespmem:s31+$0xE0]  }
.LBB2_3:
0x5c: {  	v0 =	vbroadcast v33, $0x5  }
0x5d: {  	v5 =	vmul.f32 v59, v5  }
0x5e: {  	s0 =	sadd.s32 $0x40, s0;
	[tilespmem:$0x1FFE0] =	vst v0;
	v6 =	vmul.f32 v55, v6  }
0x5f: {  	v59 =	vld [tilespmem:s0+$0xFFFFFFE0];
	v7 =	vmul.f32 v60, v7;
	[tilespmem:s31+$0xFFFFFEF0] =	vst v5  }
0x60: {  	v12 =	vmul.f32 v12, v53;
	v20 =	vmul.f32 v51, v20;
	[tilespmem:s31+$0xFFFFFF00] =	vst v6  }
0x61: {  	v1 =	vmov v61;
	v61 =	vld [tilespmem:s1+$0x90];
	v25 =	vmul.f32 v49, v25;
	v21 =	vmul.f32 v48, v21;
	[tilespmem:s31+$0xFFFFFF10] =	vst v7  }
0x62: {  	v6 =	vmul.f32 v10, v54;
	v10 =	vmul.f32 v11, v57;
	v11 =	vld [tilespmem:s1+$0x0];
	[tilespmem:s31+$0xFFFFFF60] =	vst v12  }
0x63: {  	v5 =	vmul.f32 v8, v56;
	v8 =	vmul.f32 v9, v58;
	v58 =	vld [tilespmem:s0+$0x0];
	[tilespmem:s31+$0x10] =	vst v20  }
0x64: {  	v0 =	vld [tilespmem:s0+$0x10];
	v31 =	vmul.f32 v31, v47;
	[tilespmem:s31+$0x20] =	vst v25  }
0x65: {  	v26 =	vmul.f32 v26, v46;
	[tilespmem:s31+$0x30] =	vst v21  }
0x66: {  	v55 =	vld [tilespmem:s1+$0xFFFFFF70];
	v23 =	vmul.f32 v3, v23;
	[tilespmem:s31+$0x40] =	vst v31  }
0x67: {  	v24 =	vmul.f32 v4, v24;
	v9 =	vld [tilespmem:s0+$0xFFFFFFF0];
	[tilespmem:s31+$0x50] =	vst v26  }
0x68: {  	v28 =	vmul.f32 v2, v28;
	[tilespmem:s31+$0xA0] =	vst v23  }
0x69: {  	v49 =	vld [tilespmem:s1+$0x110];
	[tilespmem:s31+$0xB0] =	vst v24;
	v0 =	vadd.f32 v0, v61  }
0x6a: {  	v30 =	vmul.f32 v30, v62;
	[tilespmem:s31+$0xC0] =	vst v28;
	v60 =	vld [tilespmem:s1+$0xFFFFFEE0]  }
0x6b: {  	v20 =	vld [tilespmem:s1+$0x10];
	[tilespmem:s31+$0xFFFFFF30] =	vst v8;
	v8 =	vmul.f32 $2.000000030e-01, v0  }
0x6c: {  	v13 =	vmul.f32 v42, v13;
	v17 =	vmul.f32 v17, v41;
	[tilespmem:s31+$0xD0] =	vst v30;
	v25 =	vld [tilespmem:s1+$0x20];
	v41 =	vadd.f32 v9, v55  }
0x6d: {  	v23 =	vld [tilespmem:s1+$0xA0];
	[tilespmem:s31+$0xFFFFFF20] =	vst v5;
	v0 =	vmax.f32 v0, v8  }
0x6e: {  	[tilespmem:s31+$0xFFFFFF80] =	vst v13;
	v5 =	vld [tilespmem:s1+$0xFFFFFEF0];
	v0 =	vsub.f32 v0, v1;
	v12 =	vmul.f32 $2.000000030e-01, v41  }
0x6f: {  	v14 =	vmul.f32 v39, v14;
	v15 =	vmul.f32 v40, v15;
	[tilespmem:s31+$0xFFFFFF40] =	vst v6;
	v6 =	vld [tilespmem:s1+$0xFFFFFF00];
	v42 =	vadd.f32 v58, v11  }
0x70: {  	v16 =	vmul.f32 v16, v37;
	[tilespmem:s31+$0xFFFFFF50] =	vst v10;
	v7 =	vld [tilespmem:s1+$0xFFFFFF10];
	v0 =	vmul.f32 $1.442695020e+00, v0;
	v12 =	vmax.f32 v41, v12  }
0x71: {  	[tilespmem:s31+$0xFFFFFF90] =	vst v14;
	v10 =	vld [tilespmem:s1+$0xFFFFFF40];
	v13 =	vadd.f32 v59, v60;
	v14 =	vmul.f32 $2.000000030e-01, v42;
	v37 =	vsub.f32 v12, v1  }
0x72: {  	v18 =	vmul.f32 v18, v38;
	[tilespmem:s31+$0xFFFFFFA0] =	vst v15;
	v8 =	vld [tilespmem:s1+$0xFFFFFF20];
	(erf) = vpow2.f32 v0  }
0x73: {  	[tilespmem:s31+$0xFFFFFFB0] =	vst v16;
	v9 =	vld [tilespmem:s1+$0xFFFFFF30];
	v15 =	vmul.f32 $2.000000030e-01, v13;
	v14 =	vmax.f32 v42, v14;
	v16 =	vmul.f32 $1.442695020e+00, v37  }
0x74: {  	v19 =	vmul.f32 v19, v52;
	[tilespmem:s31+$0xFFFFFFC0] =	vst v17;
	v11 =	vld [tilespmem:s1+$0xFFFFFF50];
	v17 =	vsub.f32 v14, v1  }
0x75: {  	v63 =	vbroadcast v33, $0x4;
	[tilespmem:s31+$0xFFFFFFD0] =	vst v18;
	v12 =	vld [tilespmem:s1+$0xFFFFFF60];
	v15 =	vmax.f32 v13, v15;
	(erf) = vpow2.f32 v16  }
0x76: {  	v33 =	vbroadcast v33, $0x6;
	[tilespmem:s31+$0xFFFFFFE0] =	vst v19;
	v61 =	vmovc v1;
	v18 =	vsub.f32 v15, v1;
	v1 =	vld [tilespmem:$0x1FFE0];
	v19 =	vmul.f32 $1.442695020e+00, v17  }
0x77: {  	v22 =	vmul.f32 v22, v50;
	v27 =	vmul.f32 v27, v44;
	v13 =	vld [tilespmem:s1+$0xFFFFFF80]  }
0x78: {  	v32 =	vmul.f32 v32, v63;
	v14 =	vld [tilespmem:s1+$0xFFFFFF90];
	(erf) = vpow2.f32 v19  }
0x79: {  	[tilespmem:s31+$0xFFFFFFF0] =	vst v22;
	v0 =	vmul.f32 v29, v45;
	v15 =	vld [tilespmem:s1+$0xFFFFFFA0];
	v22 =	vmul.f32 $1.442695020e+00, v18  }
0x7a: {  	v36 =	vmul.f32 v36, v33;
	v29 =	vmul.f32 v35, v43;
	v17 =	vld [tilespmem:s1+$0xFFFFFFC0]  }
0x7b: {  	[tilespmem:s31+$0x60] =	vst v0;
	v18 =	vld [tilespmem:s1+$0xFFFFFFD0];
	(erf) = vpow2.f32 v22;
	v34 =	vmul.f32 v34, v1;
	v33 =	vpop (erf)  }
0x7c: {  	[tilespmem:s31+$0x70] =	vst v27;
	v21 =	vld [tilespmem:s1+$0x30];
	v3 =	vbroadcast v33, $0x0;
	v0 =	vbroadcast v33, $0x7  }
0x7d: {  	[tilespmem:s31+$0x80] =	vst v29;
	v31 =	vld [tilespmem:s1+$0x40];
	v4 =	vbroadcast v33, $0x1;
	v2 =	vbroadcast v33, $0x2  }
0x7e: {  	v26 =	vld [tilespmem:s1+$0x50];
	v62 =	vbroadcast v33, $0x3;
	v1 =	vmul.f32 v49, v0;
	v43 =	vpop (erf)  }
0x7f: {  	v29 =	vld [tilespmem:s1+$0x60];
	v42 =	vbroadcast v43, $0x0;
	v39 =	vbroadcast v43, $0x1  }
0x80: {  	v27 =	vld [tilespmem:s1+$0x70];
	v40 =	vbroadcast v43, $0x2;
	v37 =	vbroadcast v43, $0x3  }
0x81: {  	v35 =	vld [tilespmem:s1+$0x80];
	v0 =	vpop (erf);
	v41 =	vbroadcast v43, $0x4;
	v38 =	vbroadcast v43, $0x5  }
0x82: {  	v16 =	vld [tilespmem:s1+$0xFFFFFFB0];
	v52 =	vbroadcast v43, $0x6;
	v51 =	vbroadcast v0, $0x0  }
0x83: {  	v19 =	vld [tilespmem:s1+$0xFFFFFFE0];
	[tilespmem:s1+$0x110] =	vst v1;
	v49 =	vbroadcast v0, $0x1;
	v48 =	vbroadcast v0, $0x2  }
0x84: {  	s2 =	sadd.s32 $0x4, s2;
	v22 =	vld [tilespmem:s1+$0xFFFFFFF0];
	[tilespmem:s31+$0xE0] =	vst v32;
	v47 =	vbroadcast v0, $0x3;
	v46 =	vbroadcast v0, $0x4  }
0x85: {  	p0 =	slt.u32 s2, $0x6C;
	v50 =	vpop (erf);
	[tilespmem:s31+$0xF0] =	vst v34;
	v45 =	vbroadcast v0, $0x5;
	v44 =	vbroadcast v0, $0x6;
	v24 =	vld [tilespmem:s1+$0xB0]  }
.Ltmp0:
0x86: {  	[tilespmem:s31+$0x100] =	vst v36;
	v59 =	vbroadcast v50, $0x0;
	v55 =	vbroadcast v50, $0x1;
	v28 =	vld [tilespmem:s1+$0xC0];
	(pc) =	sbr.rel @p0 .LBB2_3-.Ltmp0, $4  }
0x87: {  	[tilespmem:s1+$0x90] =	vst v33;
	v60 =	vbroadcast v50, $0x2;
	v56 =	vbroadcast v50, $0x3;
	v30 =	vld [tilespmem:s1+$0xD0]  }
0x88: {  	[tilespmem:s1+$0xFFFFFF70] =	vst v43;
	v58 =	vbroadcast v50, $0x4;
	v54 =	vbroadcast v50, $0x5;
	v32 =	vld [tilespmem:s1+$0xE0]  }
0x89: {  	s31 =	smov.u32 s1;
	[tilespmem:s1+$0x0] =	vst v0;
	v57 =	vbroadcast v50, $0x6;
	v53 =	vbroadcast v50, $0x7;
	v34 =	vld [tilespmem:s1+$0xF0]  }
0x8a: {  	[tilespmem:s1+$0xFFFFFEE0] =	vst v50;
	v50 =	vbroadcast v43, $0x7;
	v43 =	vbroadcast v0, $0x7;
	v36 =	vld [tilespmem:s31+$0x100];
	s1 =	sadd.s32 $0x240, s1  }
0x8b: {  	v0 =	vmul.f32 v59, v5  }
0x8c: {  	v5 =	vmul.f32 v55, v6  }
0x8d: {  	v6 =	vmul.f32 v60, v7;
	[tilespmem:s31+$0xFFFFFEF0] =	vst v0  }
0x8e: {  	v2 =	vmul.f32 v2, v28;
	[tilespmem:s31+$0xFFFFFF00] =	vst v5  }
0x8f: {  	v1 =	vmul.f32 v30, v62;
	[tilespmem:s31+$0xFFFFFF10] =	vst v6  }
0x90: {  	v0 =	vmul.f32 v8, v56;
	[tilespmem:s31+$0xC0] =	vst v2  }
0x91: {  	v5 =	vmul.f32 v9, v58;
	[tilespmem:s31+$0xD0] =	vst v1  }
0x92: {  	v6 =	vmul.f32 v10, v54;
	[tilespmem:s31+$0xFFFFFF20] =	vst v0  }
0x93: {  	v0 =	vmul.f32 v11, v57;
	[tilespmem:s31+$0xFFFFFF30] =	vst v5  }
0x94: {  	v5 =	vmul.f32 v12, v53;
	[tilespmem:s31+$0xFFFFFF40] =	vst v6  }
0x95: {  	v6 =	vmul.f32 v42, v13;
	[tilespmem:s31+$0xFFFFFF50] =	vst v0  }
0x96: {  	v0 =	vmul.f32 v39, v14;
	[tilespmem:s31+$0xFFFFFF60] =	vst v5  }
0x97: {  	v5 =	vmul.f32 v40, v15;
	[tilespmem:s31+$0xFFFFFF80] =	vst v6  }
0x98: {  	v6 =	vmul.f32 v16, v37;
	[tilespmem:s31+$0xFFFFFF90] =	vst v0  }
0x99: {  	v0 =	vmul.f32 v17, v41;
	[tilespmem:s31+$0xFFFFFFA0] =	vst v5  }
0x9a: {  	v5 =	vmul.f32 v18, v38;
	[tilespmem:s31+$0xFFFFFFB0] =	vst v6  }
0x9b: {  	v6 =	vmul.f32 v19, v52;
	[tilespmem:s31+$0xFFFFFFC0] =	vst v0  }
0x9c: {  	v0 =	vmul.f32 v22, v50;
	[tilespmem:s31+$0xFFFFFFD0] =	vst v5  }
0x9d: {  	v5 =	vmul.f32 v51, v20;
	[tilespmem:s31+$0xFFFFFFE0] =	vst v6  }
0x9e: {  	v6 =	vmul.f32 v49, v25;
	[tilespmem:s31+$0xFFFFFFF0] =	vst v0  }
0x9f: {  	v0 =	vmul.f32 v48, v21;
	[tilespmem:s31+$0x10] =	vst v5  }
0xa0: {  	v5 =	vmul.f32 v31, v47;
	[tilespmem:s31+$0x20] =	vst v6  }
0xa1: {  	v6 =	vmul.f32 v26, v46;
	[tilespmem:s31+$0x30] =	vst v0  }
0xa2: {  	v0 =	vmul.f32 v29, v45;
	[tilespmem:s31+$0x40] =	vst v5  }
0xa3: {  	v5 =	vmul.f32 v27, v44;
	[tilespmem:s31+$0x50] =	vst v6  }
0xa4: {  	[tilespmem:s31+$0x60] =	vst v0;
	v0 =	vmul.f32 v3, v23  }
0xa5: {  	[tilespmem:s31+$0x70] =	vst v5;
	v3 =	vmul.f32 v4, v24;
	v4 =	vbroadcast v33, $0x4  }
0xa6: {  	v6 =	vmul.f32 v35, v43;
	[tilespmem:s31+$0xA0] =	vst v0;
	v0 =	vbroadcast v33, $0x5  }
0xa7: {  	[tilespmem:s31+$0xB0] =	vst v3;
	v3 =	vbroadcast v33, $0x6;
	v4 =	vmul.f32 v32, v4  }
0xa8: {  	[tilespmem:s31+$0x80] =	vst v6;
	v0 =	vmul.f32 v34, v0  }
0xa9: {  	v1 =	vmul.f32 v36, v3;
	[tilespmem:s31+$0xE0] =	vst v4  }
0xaa: {  	s0 =	smin.u32 s30, $0x5D;
	[tilespmem:s31+$0xF0] =	vst v0  }
0xab: {  	s0 =	sadd.s32 s0, s12;
	[tilespmem:s31+$0x100] =	vst v1  }
0xac: {  	[spmem:s3] =	stream.indirect.scatter.add.f32 [tilespmem:s19], [sflag:$0x3], $0x90, s18, s18, $0xb8;
	[tilespmem:$0x1F150] =	vst v63  }
0xad: {  	s0 =	smul.u32 $0x1C, s0;
	_ =	swait.ge [sflag:s16], $0x3F00  }
0xae: {  	[sflag:s16] =	ssyncset.done $0x0  }
0xaf: {  	s0 =	sadd.s32 s7, s0;
	[sflag:s16] =	ssyncadd.s32 $0xFFFFC100  }
0xb0: {  	[tilespmem:s4], [sflag:$0x3] =	stream.linear.gather [hbm4b:s0+s4], $0xE0, $0x38;
	[tilespmem:$0x1F150] =	vst v63  }
0xb1: {  	_ =	swait.ge [sflag:s16], $0xE0  }
0xb2: {  	[sflag:s16] =	ssyncset.done $0x0  }
0xb3: {  	[sflag:s16] =	ssyncadd.s32 $0xFFFFFF20  }
0xb4: {  	[tilespmem:s19], [sflag:$0x1] =	stream.indirect.gather [hbm4b:s5+s18], $0x90, s4, s18, $0xb8;
	[tilespmem:$0x1F150] =	vst v63  }
0xb5: {  	_ = 	snop  }
0xb6: {  	[tilespmem:s20], [sflag:$0x1] =	stream.indirect.gather [hbm4b:s6+s18], $0x10, s18, s18, $0xb8;
	[tilespmem:$0x1F150] =	vst v63  }
0xb7: {  	_ =	swait.ge [sflag:s26], $0x3F00  }
0xb8: {  	[sflag:s26] =	ssyncset.done $0x0  }
0xb9: {  	[sflag:s26] =	ssyncadd.s32 $0xFFFFC100  }
0xba: {  	_ =	swait.ge [sflag:s26], $0x700  }
0xbb: {  	[sflag:s26] =	ssyncset.done $0x0  }
0xbc: {  	s30 =	simm.s32 $0x41E0;
	[sflag:s26] =	ssyncadd.s32 $0xFFFFF900  }
0xbd: {  	s0 =	simm.s32 $0x86E0;
	v0 =	vld [tilespmem:s30+$0x90]  }
0xbe: {  	v1 =	vld [tilespmem:s0+$0x10]  }
0xbf: {  	v2 =	vld [tilespmem:s0+$0xFFFFFFE0]  }
0xc0: {  	v3 =	vld [tilespmem:s30+$0xFFFFFF70]  }
0xc1: {  	v4 =	vld [tilespmem:s0+$0xFFFFFFF0]  }
0xc2: {  	v9 =	vld [tilespmem:s30+$0x0]  }
0xc3: {  	v10 =	vld [tilespmem:s0+$0x0];
	v0 =	vadd.f32 v1, v0  }
0xc4: {  	v1 =	vld [tilespmem:s30+$0xFFFFFEE0]  }
0xc5: {  	v5 =	vld [tilespmem:s30+$0xFFFFFEF0];
	v8 =	vmul.f32 $2.000000030e-01, v0  }
0xc6: {  	v6 =	vld [tilespmem:s30+$0xFFFFFF00];
	v3 =	vadd.f32 v4, v3  }
0xc7: {  	v7 =	vld [tilespmem:s30+$0xFFFFFF10];
	v0 =	vmax.f32 v0, v8  }
0xc8: {  	v11 =	vld [tilespmem:s30+$0xFFFFFF50];
	v4 =	vmul.f32 $2.000000030e-01, v3;
	v0 =	vsub.f32 v0, v61  }
0xc9: {  	v12 =	vld [tilespmem:s30+$0xFFFFFF60];
	v13 =	vadd.f32 v10, v9;
	v1 =	vadd.f32 v2, v1  }
0xca: {  	v14 =	vld [tilespmem:s30+$0xFFFFFF90];
	v2 =	vmax.f32 v3, v4;
	v0 =	vmul.f32 $1.442695020e+00, v0  }
0xcb: {  	v15 =	vld [tilespmem:s30+$0xFFFFFFA0];
	v3 =	vmul.f32 $2.000000030e-01, v13;
	v2 =	vsub.f32 v2, v61;
	v4 =	vmul.f32 $2.000000030e-01, v1  }
0xcc: {  	v16 =	vld [tilespmem:s30+$0xFFFFFFB0];
	(erf) = vpow2.f32 v0  }
0xcd: {  	v17 =	vld [tilespmem:s30+$0xFFFFFFC0];
	v3 =	vmax.f32 v13, v3;
	v0 =	vmax.f32 v1, v4;
	v1 =	vmul.f32 $1.442695020e+00, v2  }
0xce: {  	v18 =	vld [tilespmem:s30+$0xFFFFFFD0];
	v2 =	vsub.f32 v3, v61  }
0xcf: {  	v19 =	vld [tilespmem:s30+$0xFFFFFFE0];
	v0 =	vsub.f32 v0, v61;
	(erf) = vpow2.f32 v1  }
0xd0: {  	v22 =	vld [tilespmem:s30+$0xFFFFFFF0];
	v2 =	vmul.f32 $1.442695020e+00, v2  }
0xd1: {  	v20 =	vld [tilespmem:s30+$0x10];
	v0 =	vmul.f32 $1.442695020e+00, v0  }
0xd2: {  	v25 =	vld [tilespmem:s30+$0x20];
	(erf) = vpow2.f32 v2  }
0xd3: {  	(erf) = vpow2.f32 v0;
	v0 =	vld [tilespmem:s30+$0x110]  }
0xd4: {  	v21 =	vld [tilespmem:s30+$0x30]  }
0xd5: {  	v31 =	vld [tilespmem:s30+$0x40];
	v33 =	vpop (erf)  }
0xd6: {  	v26 =	vld [tilespmem:s30+$0x50];
	v3 =	vbroadcast v33, $0x0;
	v23 =	vbroadcast v33, $0x7  }
0xd7: {  	v29 =	vld [tilespmem:s30+$0x60];
	v4 =	vbroadcast v33, $0x1;
	v2 =	vbroadcast v33, $0x2  }
0xd8: {  	v27 =	vld [tilespmem:s30+$0x70];
	v62 =	vbroadcast v33, $0x3;
	v34 =	vpop (erf);
	v0 =	vmul.f32 v0, v23  }
0xd9: {  	v24 =	vld [tilespmem:s30+$0xB0];
	v42 =	vbroadcast v34, $0x0;
	v39 =	vbroadcast v34, $0x1  }
0xda: {  	v28 =	vld [tilespmem:s30+$0xC0];
	v40 =	vbroadcast v34, $0x2;
	v37 =	vbroadcast v34, $0x3  }
0xdb: {  	v30 =	vld [tilespmem:s30+$0xD0];
	v41 =	vbroadcast v34, $0x4;
	v38 =	vbroadcast v34, $0x5  }
0xdc: {  	v32 =	vld [tilespmem:s30+$0xE0];
	v52 =	vbroadcast v34, $0x6;
	v50 =	vbroadcast v34, $0x7;
	v36 =	vpop (erf)  }
0xdd: {  	v35 =	vld [tilespmem:s30+$0x80];
	v51 =	vbroadcast v36, $0x0;
	v49 =	vbroadcast v36, $0x1  }
0xde: {  	v9 =	vld [tilespmem:s30+$0xFFFFFF30];
	v48 =	vbroadcast v36, $0x2;
	v46 =	vbroadcast v36, $0x4  }
0xdf: {  	v10 =	vld [tilespmem:s30+$0xFFFFFF40];
	v47 =	vpop (erf);
	v45 =	vbroadcast v36, $0x5;
	v44 =	vbroadcast v36, $0x6  }
0xe0: {  	v8 =	vld [tilespmem:s30+$0xFFFFFF20];
	[tilespmem:s30+$0x90] =	vst v33;
	v43 =	vbroadcast v36, $0x7;
	v59 =	vbroadcast v47, $0x0  }
0xe1: {  	v13 =	vld [tilespmem:s30+$0xFFFFFF80];
	[tilespmem:s30+$0xFFFFFF70] =	vst v34;
	v55 =	vbroadcast v47, $0x1;
	v60 =	vbroadcast v47, $0x2  }
0xe2: {  	v23 =	vld [tilespmem:s30+$0xA0];
	[tilespmem:s30+$0x110] =	vst v0;
	v56 =	vbroadcast v47, $0x3;
	v58 =	vbroadcast v47, $0x4  }
0xe3: {  	v34 =	vld [tilespmem:s30+$0xF0];
	[tilespmem:s30+$0x0] =	vst v36;
	v54 =	vbroadcast v47, $0x5;
	v57 =	vbroadcast v47, $0x6  }
0xe4: {  	s2 =	simm.s32 $0x0;
	s1 =	simm.s32 $0x4420;
	v53 =	vbroadcast v47, $0x7;
	[tilespmem:s30+$0xFFFFFEE0] =	vst v47;
	v47 =	vbroadcast v36, $0x3;
	v36 =	vld [tilespmem:s30+$0x100]  }
.LBB2_5:
0xe5: {  	v5 =	vmul.f32 v59, v5  }
0xe6: {  	v0 =	vld [tilespmem:s1+$0x90];
	s0 =	sadd.s32 $0x40, s0;
	v6 =	vmul.f32 v55, v6  }
0xe7: {  	v59 =	vld [tilespmem:s0+$0xFFFFFFE0];
	v7 =	vmul.f32 v60, v7;
	[tilespmem:s30+$0xFFFFFEF0] =	vst v5  }
0xe8: {  	v63 =	vld [tilespmem:s0+$0x10];
	v12 =	vmul.f32 v12, v53;
	v13 =	vmul.f32 v42, v13;
	[tilespmem:s30+$0xFFFFFF00] =	vst v6  }
0xe9: {  	v60 =	vld [tilespmem:s1+$0xFFFFFF70];
	v20 =	vmul.f32 v51, v20;
	v25 =	vmul.f32 v49, v25;
	[tilespmem:s30+$0xFFFFFF10] =	vst v7  }
0xea: {  	v5 =	vmul.f32 v8, v56;
	v8 =	vmul.f32 v9, v58;
	v9 =	vld [tilespmem:s0+$0xFFFFFFF0];
	[tilespmem:s30+$0xFFFFFF60] =	vst v12  }
0xeb: {  	v6 =	vmul.f32 v10, v54;
	v10 =	vmul.f32 v11, v57;
	v11 =	vld [tilespmem:s1+$0x0];
	[tilespmem:s30+$0xFFFFFF80] =	vst v13  }
0xec: {  	v21 =	vmul.f32 v48, v21;
	v56 =	vld [tilespmem:s0+$0x0];
	[tilespmem:s30+$0x10] =	vst v20  }
0xed: {  	v31 =	vmul.f32 v31, v47;
	[tilespmem:s30+$0x20] =	vst v25  }
0xee: {  	v26 =	vmul.f32 v26, v46;
	[tilespmem:s30+$0x30] =	vst v21  }
0xef: {  	v23 =	vmul.f32 v3, v23;
	[tilespmem:s30+$0x40] =	vst v31  }
0xf0: {  	v24 =	vmul.f32 v4, v24;
	[tilespmem:s30+$0x50] =	vst v26  }
0xf1: {  	v0 =	vadd.f32 v63, v0;
	v63 =	vld [tilespmem:$0x1FFF0];
	[tilespmem:s30+$0xA0] =	vst v23  }
0xf2: {  	v28 =	vmul.f32 v2, v28;
	v49 =	vld [tilespmem:s1+$0x110];
	[tilespmem:s30+$0xB0] =	vst v24  }
0xf3: {  	v30 =	vmul.f32 v30, v62;
	v57 =	vld [tilespmem:s1+$0xFFFFFEE0];
	[tilespmem:s30+$0xFFFFFF30] =	vst v8;
	v8 =	vmul.f32 $2.000000030e-01, v0  }
0xf4: {  	[tilespmem:s30+$0xC0] =	vst v28;
	v20 =	vld [tilespmem:s1+$0x10];
	v58 =	vadd.f32 v9, v60  }
0xf5: {  	v14 =	vmul.f32 v39, v14;
	[tilespmem:s30+$0xD0] =	vst v30;
	v25 =	vld [tilespmem:s1+$0x20];
	v0 =	vmax.f32 v0, v8  }
0xf6: {  	v23 =	vld [tilespmem:s1+$0xA0];
	[tilespmem:s30+$0xFFFFFF20] =	vst v5;
	v0 =	vsub.f32 v0, v63;
	v12 =	vmul.f32 $2.000000030e-01, v58  }
0xf7: {  	v61 =	vbroadcast v33, $0x4;
	[tilespmem:s30+$0xFFFFFF90] =	vst v14;
	v5 =	vld [tilespmem:s1+$0xFFFFFEF0];
	v60 =	vadd.f32 v56, v11  }
0xf8: {  	v15 =	vmul.f32 v40, v15;
	[tilespmem:s30+$0xFFFFFF40] =	vst v6;
	v6 =	vld [tilespmem:s1+$0xFFFFFF00];
	v0 =	vmul.f32 $1.442695020e+00, v0;
	v12 =	vmax.f32 v58, v12  }
0xf9: {  	v16 =	vmul.f32 v16, v37;
	[tilespmem:s30+$0xFFFFFF50] =	vst v10;
	v7 =	vld [tilespmem:s1+$0xFFFFFF10];
	v14 =	vmul.f32 $2.000000030e-01, v60;
	v37 =	vsub.f32 v12, v63  }
0xfa: {  	v17 =	vmul.f32 v17, v41;
	[tilespmem:s30+$0xFFFFFFA0] =	vst v15;
	v10 =	vld [tilespmem:s1+$0xFFFFFF40];
	v13 =	vadd.f32 v59, v57;
	(erf) = vpow2.f32 v0  }
0xfb: {  	v1 =	vbroadcast v33, $0x5;
	[tilespmem:s30+$0xFFFFFFB0] =	vst v16;
	v8 =	vld [tilespmem:s1+$0xFFFFFF20];
	v14 =	vmax.f32 v60, v14;
	v16 =	vmul.f32 $1.442695020e+00, v37  }
0xfc: {  	v19 =	vmul.f32 v19, v52;
	[tilespmem:s30+$0xFFFFFFC0] =	vst v17;
	v9 =	vld [tilespmem:s1+$0xFFFFFF30];
	v15 =	vmul.f32 $2.000000030e-01, v13;
	v17 =	vsub.f32 v14, v63  }
0xfd: {  	v18 =	vmul.f32 v18, v38;
	v11 =	vld [tilespmem:s1+$0xFFFFFF50];
	(erf) = vpow2.f32 v16  }
0xfe: {  	v33 =	vbroadcast v33, $0x6;
	[tilespmem:s30+$0xFFFFFFE0] =	vst v19;
	v12 =	vld [tilespmem:s1+$0xFFFFFF60];
	v15 =	vmax.f32 v13, v15;
	v19 =	vmul.f32 $1.442695020e+00, v17  }
0xff: {  	v22 =	vmul.f32 v22, v50;
	v27 =	vmul.f32 v27, v44;
	[tilespmem:s30+$0xFFFFFFD0] =	vst v18;
	v13 =	vld [tilespmem:s1+$0xFFFFFF80];
	v18 =	vsub.f32 v15, v63  }
0x100: {  	v0 =	vmul.f32 v29, v45;
	v14 =	vld [tilespmem:s1+$0xFFFFFF90];
	(erf) = vpow2.f32 v19  }
0x101: {  	v32 =	vmul.f32 v32, v61;
	[tilespmem:s30+$0xFFFFFFF0] =	vst v22;
	v15 =	vld [tilespmem:s1+$0xFFFFFFA0];
	v22 =	vmul.f32 $1.442695020e+00, v18  }
0x102: {  	v34 =	vmul.f32 v34, v1;
	v29 =	vmul.f32 v35, v43;
	[tilespmem:s30+$0x60] =	vst v0;
	v17 =	vld [tilespmem:s1+$0xFFFFFFC0]  }
0x103: {  	v36 =	vmul.f32 v36, v33;
	[tilespmem:s30+$0x70] =	vst v27;
	v21 =	vld [tilespmem:s1+$0x30];
	(erf) = vpow2.f32 v22;
	v33 =	vpop (erf)  }
0x104: {  	[tilespmem:s30+$0x80] =	vst v29;
	v31 =	vld [tilespmem:s1+$0x40];
	v3 =	vbroadcast v33, $0x0;
	v0 =	vbroadcast v33, $0x7  }
0x105: {  	v26 =	vld [tilespmem:s1+$0x50];
	v4 =	vbroadcast v33, $0x1;
	v2 =	vbroadcast v33, $0x2  }
0x106: {  	v29 =	vld [tilespmem:s1+$0x60];
	v62 =	vbroadcast v33, $0x3;
	v1 =	vmul.f32 v49, v0;
	v43 =	vpop (erf)  }
0x107: {  	v27 =	vld [tilespmem:s1+$0x70];
	v42 =	vbroadcast v43, $0x0;
	v39 =	vbroadcast v43, $0x1  }
0x108: {  	v35 =	vld [tilespmem:s1+$0x80];
	v40 =	vbroadcast v43, $0x2;
	v37 =	vbroadcast v43, $0x3  }
0x109: {  	v18 =	vld [tilespmem:s1+$0xFFFFFFD0];
	v0 =	vpop (erf);
	v41 =	vbroadcast v43, $0x4;
	v38 =	vbroadcast v43, $0x5  }
0x10a: {  	v16 =	vld [tilespmem:s1+$0xFFFFFFB0];
	v52 =	vbroadcast v43, $0x6;
	v51 =	vbroadcast v0, $0x0  }
0x10b: {  	v19 =	vld [tilespmem:s1+$0xFFFFFFE0];
	[tilespmem:s1+$0x110] =	vst v1;
	v49 =	vbroadcast v0, $0x1;
	v48 =	vbroadcast v0, $0x2  }
0x10c: {  	s2 =	sadd.s32 $0x4, s2;
	v22 =	vld [tilespmem:s1+$0xFFFFFFF0];
	[tilespmem:s30+$0xE0] =	vst v32;
	v47 =	vbroadcast v0, $0x3;
	v46 =	vbroadcast v0, $0x4  }
0x10d: {  	p0 =	slt.u32 s2, $0x6C;
	[tilespmem:s30+$0xF0] =	vst v34;
	v50 =	vpop (erf);
	v24 =	vld [tilespmem:s1+$0xB0];
	v45 =	vbroadcast v0, $0x5;
	v44 =	vbroadcast v0, $0x6  }
.Ltmp1:
0x10e: {  	[tilespmem:s30+$0x100] =	vst v36;
	v28 =	vld [tilespmem:s1+$0xC0];
	v59 =	vbroadcast v50, $0x0;
	v55 =	vbroadcast v50, $0x1;
	(pc) =	sbr.rel @p0 .LBB2_5-.Ltmp1, $4  }
0x10f: {  	[tilespmem:s1+$0x90] =	vst v33;
	v30 =	vld [tilespmem:s1+$0xD0];
	v60 =	vbroadcast v50, $0x2;
	v56 =	vbroadcast v50, $0x3  }
0x110: {  	[tilespmem:s1+$0xFFFFFF70] =	vst v43;
	v32 =	vld [tilespmem:s1+$0xE0];
	v58 =	vbroadcast v50, $0x4;
	v54 =	vbroadcast v50, $0x5  }
0x111: {  	s30 =	smov.u32 s1;
	[tilespmem:s1+$0x0] =	vst v0;
	v34 =	vld [tilespmem:s1+$0xF0];
	v57 =	vbroadcast v50, $0x6;
	v53 =	vbroadcast v50, $0x7  }
0x112: {  	v36 =	vld [tilespmem:s30+$0x100];
	[tilespmem:s1+$0xFFFFFEE0] =	vst v50;
	v50 =	vbroadcast v43, $0x7;
	v43 =	vbroadcast v0, $0x7;
	s1 =	sadd.s32 $0x240, s1  }
0x113: {  	v0 =	vmul.f32 v59, v5  }
0x114: {  	v59 =	vmul.f32 v55, v6  }
0x115: {  	v61 =	vmul.f32 v60, v7;
	[tilespmem:s30+$0xFFFFFEF0] =	vst v0  }
0x116: {  	v63 =	vmul.f32 v8, v56;
	[tilespmem:s30+$0xFFFFFF00] =	vst v59  }
0x117: {  	v9 =	vmul.f32 v9, v58;
	[tilespmem:s30+$0xFFFFFF10] =	vst v61  }
0x118: {  	v10 =	vmul.f32 v10, v54;
	[tilespmem:s30+$0xFFFFFF20] =	vst v63  }
0x119: {  	v11 =	vmul.f32 v11, v57;
	[tilespmem:s30+$0xFFFFFF30] =	vst v9  }
0x11a: {  	v12 =	vmul.f32 v12, v53;
	[tilespmem:s30+$0xFFFFFF40] =	vst v10  }
0x11b: {  	v13 =	vmul.f32 v42, v13;
	[tilespmem:s30+$0xFFFFFF50] =	vst v11  }
0x11c: {  	v14 =	vmul.f32 v39, v14;
	[tilespmem:s30+$0xFFFFFF60] =	vst v12  }
0x11d: {  	v15 =	vmul.f32 v40, v15;
	[tilespmem:s30+$0xFFFFFF80] =	vst v13  }
0x11e: {  	v16 =	vmul.f32 v16, v37;
	[tilespmem:s30+$0xFFFFFF90] =	vst v14  }
0x11f: {  	v37 =	vmul.f32 v17, v41;
	[tilespmem:s30+$0xFFFFFFA0] =	vst v15  }
0x120: {  	v39 =	vmul.f32 v18, v38;
	[tilespmem:s30+$0xFFFFFFB0] =	vst v16  }
0x121: {  	v40 =	vmul.f32 v19, v52;
	[tilespmem:s30+$0xFFFFFFC0] =	vst v37  }
0x122: {  	v42 =	vmul.f32 v51, v20;
	[tilespmem:s30+$0xFFFFFFD0] =	vst v39  }
0x123: {  	v51 =	vmul.f32 v48, v21;
	[tilespmem:s30+$0xFFFFFFE0] =	vst v40  }
0x124: {  	v52 =	vmul.f32 v31, v47;
	[tilespmem:s30+$0x10] =	vst v42  }
0x125: {  	v53 =	vmul.f32 v26, v46;
	[tilespmem:s30+$0x30] =	vst v51  }
0x126: {  	v54 =	vmul.f32 v29, v45;
	[tilespmem:s30+$0x40] =	vst v52  }
0x127: {  	v55 =	vmul.f32 v27, v44;
	[tilespmem:s30+$0x50] =	vst v53  }
0x128: {  	v57 =	vmul.f32 v3, v23;
	[tilespmem:s30+$0x60] =	vst v54  }
0x129: {  	v58 =	vmul.f32 v4, v24;
	[tilespmem:s30+$0x70] =	vst v55  }
0x12a: {  	v2 =	vmul.f32 v2, v28;
	[tilespmem:s30+$0xA0] =	vst v57  }
0x12b: {  	v41 =	vmul.f32 v22, v50;
	[tilespmem:s30+$0xB0] =	vst v58  }
0x12c: {  	v50 =	vmul.f32 v49, v25;
	[tilespmem:s30+$0xC0] =	vst v2  }
0x12d: {  	v60 =	vbroadcast v33, $0x5;
	v56 =	vmul.f32 v35, v43;
	[tilespmem:s30+$0xFFFFFFF0] =	vst v41  }
0x12e: {  	v59 =	vbroadcast v33, $0x4;
	v61 =	vmul.f32 v30, v62;
	[tilespmem:s30+$0x20] =	vst v50  }
0x12f: {  	v62 =	vbroadcast v33, $0x6;
	[tilespmem:s30+$0x80] =	vst v56;
	v0 =	vmul.f32 v34, v60  }
0x130: {  	v4 =	vmul.f32 v32, v59;
	[tilespmem:s30+$0xD0] =	vst v61  }
0x131: {  	s29 =	sadd.s32 $0x1, s29;
	v63 =	vmul.f32 v36, v62;
	[tilespmem:s30+$0xF0] =	vst v0  }
0x132: {  	p0 =	sne.s32 s29, $0x30;
	[tilespmem:s30+$0xE0] =	vst v4  }
.Ltmp2:
0x133: {  	[tilespmem:s30+$0x100] =	vst v63;
	(pc) =	sbr.rel @p0 .LBB2_2-.Ltmp2, $4  }
0x134: {  	[spmem:s3] =	stream.indirect.scatter.add.f32 [tilespmem:s22], [sflag:$0x3], $0x90, s23, s18, $0xb8;
	[tilespmem:$0x1F150] =	vst v63  }
0x135: {  	_ =	swait.ge [sflag:s16], $0x3F00  }
0x136: {  	[sflag:s16] =	ssyncset.done $0x0  }
0x137: {  	v61 =	vld [tilespmem:$0x1FFF0];
	[sflag:s16] =	ssyncadd.s32 $0xFFFFC100  }
0x138: {  	_ =	swait.ge [sflag:s25], $0x3F00  }
0x139: {  	[sflag:s25] =	ssyncset.done $0x0  }
0x13a: {  	[sflag:s25] =	ssyncadd.s32 $0xFFFFC100  }
0x13b: {  	_ =	swait.ge [sflag:s25], $0x700  }
0x13c: {  	s28 =	sadd.s32 $0x1, s28;
	[sflag:s25] =	ssyncset.done $0x0  }
0x13d: {  	p0 =	sne.s32 s28, s14;
	[sflag:s25] =	ssyncadd.s32 $0xFFFFF900  }
.Ltmp3:
0x13e: {  	[bflag:$0x0] =	sbarrier.arrive $0xFFFF;
	(pc) =	sbr.rel @p0 .LBB2_1-.Ltmp3, $4  }
0x13f: {  	[hbm:s13], [sflag:s9] =	dma.local [spmem:s15], $0x2C70  }
0x140: {  	_ =	swait.ge [sflag:s16], $0x2C70  }
0x141: {  	[sflag:s16] =	ssyncset.done $0x0  }
0x142: {  	[sflag:s16] =	ssyncadd.s32 $0xFFFFD390  }
0x143: {  	_ =	sfence.sel $0x180000  }
0x144: {  	[bflag:$0x0] =	sbarrier.arrive $0xFFFF  }
0x145: {  	_ =	strace $0x90000047  }
0x146: {  	s0 =	stileid.u32;
	[bflag:$0x2] =	sbarrier.arrive $0xFFFF  }
0x147: {  	p0 =	sne.s32 s0, $0x0;
	s0 =	rddreg [dreg:$0x3]  }
0x148: {  	s0 =	sadd.s32 @!p0 $0x100000, s0  }
0x149: {  	[sflag:s0] =	ssyncadd.tile.s32 @!p0 $0x1;
	_ =	shalt  }
.Lfunc_end2:
_tile_overlayer_lowered:
.L_overlay_start_2:
0x14a: {  	(tag) =	ssettag $0x2  }
0x14b: {  	s0 =	rddreg [dreg:$0x0];
	s2 =	stileid.u32  }
0x14c: {  	s1 =	rddreg [dreg:$0x1];
	p0 =	sne.s32 s2, $0x0  }
0x14d: {  	s3 =	rddreg [dreg:$0x2];
	[bflag:$0x3] =	sbarrier.arrive $0xFFFF;
	s2 =	simm.s32 @!p0 $0x1C03  }
0x14e: {  	[timem:s3], [sflag:s2] =	dma.local @!p0 [hbm:s0], s1  }
0x14f: {  	s0 =	simm.s32 @!p0 $0x3  }
0x150: {  	_ =	swait.ge @!p0 [sflag:s0], s1  }
0x151: {  	s1 =	ssub.s32 @!p0 $0x0, s1;
	[sflag:s0] =	ssyncset.done @!p0 $0x0  }
0x152: {  	[sflag:s0] =	ssyncadd.s32 @!p0 s1  }
0x153: {  	[bflag:$0x3] =	sbarrier.arrive $0xFFFF  }
0x154: {  	_ =	shalt  }

</sc_bundles>
